<compile_context>
chip_gen: v7x
topology: tpu7x:2x2x1
jax: 0.10.2.dev20260603
libtpu: 0.0.44.dev20260713+nightly
codegen_flags: <defaults>
</compile_context>

<pallas_src>
import functools

import jax
import jax.numpy as jnp
from jax import lax
from jax.experimental import pallas as pl
from jax.experimental.pallas import tpu as pltpu
from jax.experimental.pallas import tpu_sc as plsc

NC = 2
NS = 16
NW = NC * NS
CHUNK = 128
BLK = 1280


def _mesh():
    return plsc.VectorSubcoreMesh(
        core_axis_name="c", subcore_axis_name="s", num_cores=NC, num_subcores=NS
    )


def _make_hist(n_pad, e_pad):
    epw = e_pad // NW
    nt = epw // CHUNK
    rpt = n_pad // NS

    @functools.partial(
        pl.kernel,
        out_type=(
            jax.ShapeDtypeStruct((NC, n_pad), jnp.float32),
            jax.ShapeDtypeStruct((NC, n_pad), jnp.float32),
        ),
        mesh=_mesh(),
        scratch_types=[
            pltpu.VMEM((nt, CHUNK), jnp.int32),
            pltpu.VMEM((nt, CHUNK), jnp.int32),
            pltpu.VMEM((CHUNK,), jnp.float32),
            pltpu.VMEM_SHARED((n_pad,), jnp.float32),
            pltpu.VMEM_SHARED((n_pad,), jnp.float32),
            pltpu.SemaphoreType.DMA((2,)),
        ],
    )
    def hist(src_hbm, dst_hbm, ones_hbm, z1_hbm, outs_hbm, outd_hbm,
             idx_s, idx_d, ones_v, acc_s, acc_d, sem):
        c = lax.axis_index("c")
        s = lax.axis_index("s")
        wid = s * NC + c
        r0 = s * rpt
        pltpu.sync_copy(ones_hbm, ones_v)
        pltpu.sync_copy(z1_hbm, acc_s.at[pl.ds(r0, rpt)])
        pltpu.sync_copy(z1_hbm, acc_d.at[pl.ds(r0, rpt)])
        pltpu.sync_copy(src_hbm.at[wid], idx_s)
        pltpu.sync_copy(dst_hbm.at[wid], idx_d)
        plsc.subcore_barrier()

        def body(i, carry):
            pltpu.async_copy(ones_v, acc_s.at[idx_s.at[i]], sem.at[0], add=True)
            pltpu.async_copy(ones_v, acc_d.at[idx_d.at[i]], sem.at[1], add=True)
            return carry

        lax.fori_loop(0, nt, body, 0)
        pltpu.make_async_copy(src_hbm.at[0], idx_s, sem.at[0]).wait()
        pltpu.make_async_copy(dst_hbm.at[0], idx_d, sem.at[1]).wait()
        plsc.subcore_barrier()
        pltpu.sync_copy(acc_s.at[pl.ds(r0, rpt)], outs_hbm.at[c, pl.ds(r0, rpt)])
        pltpu.sync_copy(acc_d.at[pl.ds(r0, rpt)], outd_hbm.at[c, pl.ds(r0, rpt)])

    return hist


def _make_segsum(n_pad, d, e_pad):
    SCH = 64
    NB = 5
    G = 16
    epw = e_pad // NW
    nt = epw // SCH
    ngroups = nt // G
    rpt = n_pad // NS

    @functools.partial(
        pl.kernel,
        out_type=jax.ShapeDtypeStruct((NC, n_pad, d), jnp.float32),
        mesh=_mesh(),
        scratch_types=[
            pltpu.VMEM((2, G, SCH), jnp.int32),
            pltpu.VMEM((2, G, SCH), jnp.int32),
            pltpu.VMEM((NB, SCH, d), jnp.float32),
            pltpu.VMEM_SHARED((n_pad, d), jnp.float32),
            pltpu.SemaphoreType.DMA((NB,)),
            pltpu.SemaphoreType.DMA((NB,)),
            pltpu.SemaphoreType.DMA((2,)),
        ],
    )
    def segsum(y_hbm, src_hbm, dst_hbm, zrow_hbm, out_hbm,
               idx_s, idx_d, rows, acc, gsem, ssem, isem):
        c = lax.axis_index("c")
        s = lax.axis_index("s")
        wid = s * NC + c
        r0 = s * rpt
        pltpu.sync_copy(zrow_hbm, acc.at[pl.ds(r0, rpt)])
        pltpu.sync_copy(src_hbm.at[wid, pl.ds(0, G)], idx_s.at[0])
        pltpu.sync_copy(dst_hbm.at[wid, pl.ds(0, G)], idx_d.at[0])
        plsc.subcore_barrier()

        pltpu.async_copy(y_hbm.at[idx_s.at[0, 0]], rows.at[0], gsem.at[0])
        pltpu.async_copy(y_hbm.at[idx_s.at[0, 1]], rows.at[1], gsem.at[1])
        pltpu.async_copy(y_hbm.at[idx_s.at[0, 2]], rows.at[2], gsem.at[2])
        pltpu.async_copy(y_hbm.at[idx_s.at[0, 3]], rows.at[3], gsem.at[3])

        def body(i, carry):
            g = lax.div(i, G)
            j = lax.rem(i, G)
            slot = lax.rem(g, 2)
            b = lax.rem(i, NB)
            pltpu.make_async_copy(
                y_hbm.at[pl.ds(0, SCH)], rows.at[b], gsem.at[b]).wait()
            pltpu.async_copy(rows.at[b], acc.at[idx_d.at[slot, j]],
                             ssem.at[b], add=True)

            @pl.when((j == 2) & (g + 1 < ngroups))
            def _():
                nslot = 1 - slot
                pltpu.async_copy(src_hbm.at[wid, pl.ds((g + 1) * G, G)],
                                 idx_s.at[nslot], isem.at[nslot])
                pltpu.async_copy(dst_hbm.at[wid, pl.ds((g + 1) * G, G)],
                                 idx_d.at[nslot], isem.at[nslot])

            @pl.when(i + 4 < nt)
            def _():
                b2 = lax.rem(i + 4, NB)

                @pl.when(i >= 1)
                def _():
                    pltpu.make_async_copy(
                        y_hbm.at[pl.ds(0, SCH)], rows.at[b2],
                        ssem.at[b2]).wait()

                g2 = lax.div(i + 4, G)
                j2 = lax.rem(i + 4, G)
                slot2 = lax.rem(g2, 2)

                @pl.when(j2 == 0)
                def _():
                    pltpu.make_async_copy(
                        src_hbm.at[wid, pl.ds(0, G)], idx_s.at[slot2],
                        isem.at[slot2]).wait()
                    pltpu.make_async_copy(
                        dst_hbm.at[wid, pl.ds(0, G)], idx_d.at[slot2],
                        isem.at[slot2]).wait()

                pltpu.async_copy(y_hbm.at[idx_s.at[slot2, j2]], rows.at[b2],
                                 gsem.at[b2])

            return carry

        lax.fori_loop(0, nt, body, 0)
        for k in range(NB):
            bb = (nt - NB + k) % NB
            pltpu.make_async_copy(
                y_hbm.at[pl.ds(0, SCH)], rows.at[bb], ssem.at[bb]).wait()
        plsc.subcore_barrier()
        pltpu.sync_copy(acc.at[pl.ds(r0, rpt)], out_hbm.at[c, pl.ds(r0, rpt)])

    return segsum


def _scale_body(hs_ref, hd_ref, x_ref, y_ref, dinv_ref, dinv2_ref):
    deg = hs_ref[0, :] + hs_ref[1, :]
    deg2 = hd_ref[0, :] + hd_ref[1, :] + 1.0
    dinv = jnp.where(deg > 0.0, lax.rsqrt(deg), 0.0)
    dinv2 = lax.rsqrt(deg2)
    dinv_ref[...] = dinv[:, None]
    dinv2_ref[...] = dinv2[:, None]
    y_ref[...] = x_ref[...] * dinv[:, None]


def _gates_body(x_ref, s_ref, dinv_ref, dinv2_ref, wz_ref, wh_ref, wg_ref,
                bz_ref, bh_ref, y2_ref):
    tx1 = (s_ref[0] + s_ref[1]) * (-dinv_ref[...])
    xb = x_ref[...]
    az = (jnp.dot(xb, wz_ref[0], preferred_element_type=jnp.float32)
          + jnp.dot(tx1, wz_ref[1], preferred_element_type=jnp.float32)
          + bz_ref[...])
    ah = (jnp.dot(xb, wh_ref[0], preferred_element_type=jnp.float32)
          + jnp.dot(tx1, wh_ref[1], preferred_element_type=jnp.float32)
          + bh_ref[...])
    hn = (1.0 - jax.nn.sigmoid(az)) * jnp.tanh(ah)
    y2_ref[...] = jnp.dot(hn, wg_ref[...],
                          preferred_element_type=jnp.float32) * dinv2_ref[...]


def _final_body(s2_ref, y2_ref, dinv2_ref, bg_ref, wl_ref, bl_ref, out_ref):
    t = (s2_ref[0] + s2_ref[1] + y2_ref[...]) * dinv2_ref[...] + bg_ref[...]
    h1 = jnp.maximum(t, 0.0)
    out_ref[...] = (jnp.sum(h1 * wl_ref[...], axis=1) + bl_ref[0])[:, None]


def kernel(x, edge_index, Wx_z, bx_z, Wh_z, bh_z, Wx_r, bx_r, Wh_r, bh_r,
           Wx_h, bx_h, Wh_h, bh_h, W_gcn, b_gcn, W_lin, b_lin):
    n, d = x.shape
    e = edge_index.shape[1]
    n_pad = -(-n // BLK) * BLK
    e_pad = -(-e // (NW * CHUNK * 8)) * (NW * CHUNK * 8)
    grid = n_pad // BLK
    trash = n_pad - n

    pad_idx = n + (jnp.arange(e_pad - e, dtype=jnp.int32) % trash)
    src_flat = jnp.concatenate([edge_index[0], pad_idx])
    dst_flat = jnp.concatenate([edge_index[1], pad_idx])
    srcp = src_flat.reshape(NW, -1, CHUNK)
    dstp = dst_flat.reshape(NW, -1, CHUNK)
    src64 = src_flat.reshape(NW, -1, 64)
    dst64 = dst_flat.reshape(NW, -1, 64)
    xp = jnp.concatenate([x, jnp.zeros((trash, d), x.dtype)], axis=0)
    zrow = jnp.zeros((n_pad // NS, d), jnp.float32)
    z1 = jnp.zeros((n_pad // NS,), jnp.float32)
    ones_c = jnp.ones((CHUNK,), jnp.float32)

    hs, hd = _make_hist(n_pad, e_pad)(srcp, dstp, ones_c, z1)

    y, dinv, dinv2 = pl.pallas_call(
        _scale_body,
        grid=(grid,),
        in_specs=[
            pl.BlockSpec((NC, BLK), lambda i: (0, i)),
            pl.BlockSpec((NC, BLK), lambda i: (0, i)),
            pl.BlockSpec((BLK, d), lambda i: (i, 0)),
        ],
        out_specs=[
            pl.BlockSpec((BLK, d), lambda i: (i, 0)),
            pl.BlockSpec((BLK, 1), lambda i: (i, 0)),
            pl.BlockSpec((BLK, 1), lambda i: (i, 0)),
        ],
        out_shape=[
            jax.ShapeDtypeStruct((n_pad, d), jnp.float32),
            jax.ShapeDtypeStruct((n_pad, 1), jnp.float32),
            jax.ShapeDtypeStruct((n_pad, 1), jnp.float32),
        ],
    )(hs, hd, xp)

    segsum = _make_segsum(n_pad, d, e_pad)

    s_part = segsum(y, src64, dst64, zrow)

    bz = bx_z + bh_z
    bh = bx_h + bh_h
    y2 = pl.pallas_call(
        _gates_body,
        grid=(grid,),
        in_specs=[
            pl.BlockSpec((BLK, d), lambda i: (i, 0)),
            pl.BlockSpec((NC, BLK, d), lambda i: (0, i, 0)),
            pl.BlockSpec((BLK, 1), lambda i: (i, 0)),
            pl.BlockSpec((BLK, 1), lambda i: (i, 0)),
            pl.BlockSpec(Wx_z.shape, lambda i: (0, 0, 0)),
            pl.BlockSpec(Wx_h.shape, lambda i: (0, 0, 0)),
            pl.BlockSpec(W_gcn.shape, lambda i: (0, 0)),
            pl.BlockSpec(bz.shape, lambda i: (0,)),
            pl.BlockSpec(bh.shape, lambda i: (0,)),
        ],
        out_specs=pl.BlockSpec((BLK, d), lambda i: (i, 0)),
        out_shape=jax.ShapeDtypeStruct((n_pad, d), jnp.float32),
    )(xp, s_part, dinv, dinv2, Wx_z, Wx_h, W_gcn, bz, bh)

    s2_part = segsum(y2, src64, dst64, zrow)

    wl_row = W_lin.reshape(1, -1)
    outp = pl.pallas_call(
        _final_body,
        grid=(grid,),
        in_specs=[
            pl.BlockSpec((NC, BLK, d), lambda i: (0, i, 0)),
            pl.BlockSpec((BLK, d), lambda i: (i, 0)),
            pl.BlockSpec((BLK, 1), lambda i: (i, 0)),
            pl.BlockSpec(b_gcn.shape, lambda i: (0,)),
            pl.BlockSpec((1, d), lambda i: (0, 0)),
            pl.BlockSpec(b_lin.shape, lambda i: (0,)),
        ],
        out_specs=pl.BlockSpec((BLK, 1), lambda i: (i, 0)),
        out_shape=jax.ShapeDtypeStruct((n_pad, 1), jnp.float32),
    )(s2_part, y2, dinv2, b_gcn, wl_row, b_lin)

    return outp[:n, 0]

# --- scband reference (transcript-rebuilt; emitter-appended) ---
"""Pipeline reference for scband-stgnn-56221121905004 (READ-ONLY COPY).

The authoritative reference and input builder live on the scoring server;
editing this copy changes nothing except your own understanding.
"""

import jax, jax.numpy as jnp
import numpy as np

N, E, D, H, O = 10000, 320000, 128, 128, 1

def setup_inputs(seed: int = 0) -> dict:
    key = jax.random.key(seed)
    ks = jax.random.split(key, 16)
    s = 0.1
    inp = {}
    inp['x'] = jax.random.normal(ks[0], (N, D), dtype=jnp.float32)
    inp['edge_index'] = jax.random.randint(ks[1], (2, E), 0, N, dtype=jnp.int32)
    i = 2
    for g in ['z', 'r', 'h']:
        inp['Wx_' + g] = jax.random.normal(ks[i], (2, D, H), dtype=jnp.float32) * s; i += 1
        inp['bx_' + g] = jnp.zeros((H,), jnp.float32)
        inp['Wh_' + g] = jax.random.normal(ks[i], (2, H, H), dtype=jnp.float32) * s; i += 1
        inp['bh_' + g] = jnp.zeros((H,), jnp.float32)
    inp['W_gcn'] = jax.random.normal(ks[i], (H, H), dtype=jnp.float32) * s; i += 1
    inp['b_gcn'] = jnp.zeros((H,), jnp.float32)
    inp['W_lin'] = jax.random.normal(ks[i], (H, O), dtype=jnp.float32) * s
    inp['b_lin'] = jnp.zeros((O,), jnp.float32)
    return inp

def _cheb2(xin, src, dst, wnorm, W, b):
    # ChebConv K=2, sym normalization, lambda_max=2.0 => Tx1 = -D^-1/2 A D^-1/2 x
    Tx0 = xin
    msg = wnorm[:, None] * jnp.take(xin, src, axis=0)
    Tx1 = jnp.zeros_like(xin).at[dst].add(msg)
    return Tx0 @ W[0] + Tx1 @ W[1] + b

def reference(x, edge_index, Wx_z, bx_z, Wh_z, bh_z, Wx_r, bx_r, Wh_r, bh_r, Wx_h, bx_h, Wh_h, bh_h, W_gcn, b_gcn, W_lin, b_lin):
    n = x.shape[0]
    src, dst = edge_index[0], edge_index[1]
    # scaled Laplacian edge weights (ChebConv)
    deg = jnp.zeros((n,), x.dtype).at[src].add(jnp.ones_like(src, dtype=x.dtype))
    dinv = jnp.where(deg > 0, deg ** -0.5, 0.0)
    w_cheb = -dinv[src] * dinv[dst]
    # GConvGRU, hidden state initialized to zeros
    H0 = jnp.zeros((n, Wh_z.shape[1]), x.dtype)
    Z = jax.nn.sigmoid(_cheb2(x, src, dst, w_cheb, Wx_z, bx_z) + _cheb2(H0, src, dst, w_cheb, Wh_z, bh_z))
    R = jax.nn.sigmoid(_cheb2(x, src, dst, w_cheb, Wx_r, bx_r) + _cheb2(H0, src, dst, w_cheb, Wh_r, bh_r))
    Ht = jnp.tanh(_cheb2(x, src, dst, w_cheb, Wx_h, bx_h) + _cheb2(R * H0, src, dst, w_cheb, Wh_h, bh_h))
    Hn = Z * H0 + (1.0 - Z) * Ht
    # GCNConv with self loops, sym norm
    loop = jnp.arange(n, dtype=src.dtype)
    src2 = jnp.concatenate([src, loop])
    dst2 = jnp.concatenate([dst, loop])
    deg2 = jnp.zeros((n,), x.dtype).at[dst2].add(jnp.ones_like(dst2, dtype=x.dtype))
    dinv2 = jnp.where(deg2 > 0, deg2 ** -0.5, 0.0)
    wg = dinv2[src2] * dinv2[dst2]
    h1 = Hn @ W_gcn
    h1 = jnp.zeros_like(h1).at[dst2].add(wg[:, None] * jnp.take(h1, src2, axis=0)) + b_gcn
    h1 = jax.nn.relu(h1)
    out = h1 @ W_lin + b_lin
    return out.squeeze(-1)

if __name__ == "__main__":
    import jax
    _d = setup_inputs()
    print(jax.jit(kernel)(*tuple(_d.values())))

</pallas_src>

<mosaic_0001>
#map = affine_map<(d0, d1) -> (0, 0, 0)>
#map1 = affine_map<(d0, d1) -> (0)>
#map2 = affine_map<(d0, d1) -> (0, 0)>
module attributes {stable_mosaic.version = 14 : i64} {
  func.func @hist(%arg0: i32, %arg1: i32, %arg2: memref<32x80x128xi32, #tpu.memory_space<hbm>>, %arg3: memref<32x80x128xi32, #tpu.memory_space<hbm>>, %arg4: memref<128xf32, #tpu.memory_space<hbm>>, %arg5: memref<640xf32, #tpu.memory_space<hbm>>, %arg6: memref<2x10240xf32, #tpu.memory_space<hbm>>, %arg7: memref<2x10240xf32, #tpu.memory_space<hbm>>, %arg8: memref<80x128xi32, #tpu.memory_space<vmem>>, %arg9: memref<80x128xi32, #tpu.memory_space<vmem>>, %arg10: memref<128xf32, #tpu.memory_space<vmem>>, %arg11: memref<10240xf32, #tpu.memory_space<vmem_shared>>, %arg12: memref<10240xf32, #tpu.memory_space<vmem_shared>>, %arg13: memref<2x!tpu.dma_semaphore, #tpu.memory_space<semaphore_mem>>) attributes {dimension_semantics = [#tpu.dimension_semantics<core_parallel>, #tpu.dimension_semantics<subcore_parallel>], iteration_bounds = array<i64: 2, 16>, scalar_prefetch = 0 : i64, scratch_operands = 6 : i64, tpu.core_type = #tpu.core_type<sc_vector_subcore>, window_params = [{transform_indices = #map}, {transform_indices = #map}, {transform_indices = #map1}, {transform_indices = #map1}, {transform_indices = #map2}, {transform_indices = #map2}]} {
    %mul3A = arith.constant 2 : i32
    %mul3A_0 = arith.muli %arg1, %mul3A : i32
    %add3A = arith.addi %mul3A_0, %arg0 : i32
    %mul3A_1 = arith.constant 640 : i32
    %mul3A_2 = arith.muli %arg1, %mul3A_1 : i32
    "tpu.region"() ({
      %run_scoped3A = tpu.sem_alloc : memref<!tpu.dma_semaphore, #tpu.memory_space<semaphore_mem>>
      tpu.enqueue_dma source(%arg4 : memref<128xf32, #tpu.memory_space<hbm>>) target(%arg10 : memref<128xf32, #tpu.memory_space<vmem>>) target_semaphore(%run_scoped3A : memref<!tpu.dma_semaphore, #tpu.memory_space<semaphore_mem>>)
      tpu.wait_dma2 semaphore(%run_scoped3A : memref<!tpu.dma_semaphore, #tpu.memory_space<semaphore_mem>>) src(%arg4 : memref<128xf32, #tpu.memory_space<hbm>>) dst(%arg10 : memref<128xf32, #tpu.memory_space<vmem>>)
      tpu.yield
    }) : () -> ()
    "tpu.region"() ({
      %run_scoped3A = tpu.sem_alloc : memref<!tpu.dma_semaphore, #tpu.memory_space<semaphore_mem>>
      %dma_start3A = tpu.memref_slice %arg11[%mul3A_2] : memref<10240xf32, #tpu.memory_space<vmem_shared>> -> memref<640xf32, #tpu.memory_space<vmem_shared>>
      tpu.enqueue_dma source(%arg5 : memref<640xf32, #tpu.memory_space<hbm>>) target(%dma_start3A : memref<640xf32, #tpu.memory_space<vmem_shared>>) target_semaphore(%run_scoped3A : memref<!tpu.dma_semaphore, #tpu.memory_space<semaphore_mem>>)
      %dma_wait3A_32 = tpu.memref_slice %arg11[%mul3A_2] : memref<10240xf32, #tpu.memory_space<vmem_shared>> -> memref<640xf32, #tpu.memory_space<vmem_shared>>
      tpu.wait_dma2 semaphore(%run_scoped3A : memref<!tpu.dma_semaphore, #tpu.memory_space<semaphore_mem>>) src(%arg5 : memref<640xf32, #tpu.memory_space<hbm>>) dst(%dma_wait3A_32 : memref<640xf32, #tpu.memory_space<vmem_shared>>)
      tpu.yield
    }) : () -> ()
    "tpu.region"() ({
      %run_scoped3A = tpu.sem_alloc : memref<!tpu.dma_semaphore, #tpu.memory_space<semaphore_mem>>
      %dma_start3A = tpu.memref_slice %arg12[%mul3A_2] : memref<10240xf32, #tpu.memory_space<vmem_shared>> -> memref<640xf32, #tpu.memory_space<vmem_shared>>
      tpu.enqueue_dma source(%arg5 : memref<640xf32, #tpu.memory_space<hbm>>) target(%dma_start3A : memref<640xf32, #tpu.memory_space<vmem_shared>>) target_semaphore(%run_scoped3A : memref<!tpu.dma_semaphore, #tpu.memory_space<semaphore_mem>>)
      %dma_wait3A_32 = tpu.memref_slice %arg12[%mul3A_2] : memref<10240xf32, #tpu.memory_space<vmem_shared>> -> memref<640xf32, #tpu.memory_space<vmem_shared>>
      tpu.wait_dma2 semaphore(%run_scoped3A : memref<!tpu.dma_semaphore, #tpu.memory_space<semaphore_mem>>) src(%arg5 : memref<640xf32, #tpu.memory_space<hbm>>) dst(%dma_wait3A_32 : memref<640xf32, #tpu.memory_space<vmem_shared>>)
      tpu.yield
    }) : () -> ()
    "tpu.region"() ({
      %run_scoped3A = tpu.sem_alloc : memref<!tpu.dma_semaphore, #tpu.memory_space<semaphore_mem>>
      %dma_start3A = arith.constant 0 : i32
      %dma_start3A_32 = arith.constant 0 : i32
      %dma_start3A_33 = tpu.memref_slice %arg2[%add3A, %dma_start3A, %dma_start3A_32] : memref<32x80x128xi32, #tpu.memory_space<hbm>> -> memref<1x80x128xi32, #tpu.memory_space<hbm>>
      %dma_start3A_34 = tpu.memref_squeeze %dma_start3A_33 : memref<1x80x128xi32, #tpu.memory_space<hbm>> -> memref<80x128xi32, #tpu.memory_space<hbm>>
      %dma_start3A_35 = arith.constant 0 : i32
      %dma_start3A_36 = arith.constant 0 : i32
      %dma_start3A_37 = tpu.memref_slice %arg2[%add3A, %dma_start3A_35, %dma_start3A_36] : memref<32x80x128xi32, #tpu.memory_space<hbm>> -> memref<1x80x128xi32, #tpu.memory_space<hbm>>
      %dma_start3A_38 = tpu.memref_squeeze %dma_start3A_37 : memref<1x80x128xi32, #tpu.memory_space<hbm>> -> memref<80x128xi32, #tpu.memory_space<hbm>>
      tpu.enqueue_dma source(%dma_start3A_38 : memref<80x128xi32, #tpu.memory_space<hbm>>) target(%arg8 : memref<80x128xi32, #tpu.memory_space<vmem>>) target_semaphore(%run_scoped3A : memref<!tpu.dma_semaphore, #tpu.memory_space<semaphore_mem>>)
      %dma_wait3A_39 = arith.constant 0 : i32
      %dma_wait3A_40 = arith.constant 0 : i32
      %dma_wait3A_41 = tpu.memref_slice %arg2[%add3A, %dma_wait3A_39, %dma_wait3A_40] : memref<32x80x128xi32, #tpu.memory_space<hbm>> -> memref<1x80x128xi32, #tpu.memory_space<hbm>>
      %dma_wait3A_42 = tpu.memref_squeeze %dma_wait3A_41 : memref<1x80x128xi32, #tpu.memory_space<hbm>> -> memref<80x128xi32, #tpu.memory_space<hbm>>
      %dma_wait3A_43 = arith.constant 0 : i32
      %dma_wait3A_44 = arith.constant 0 : i32
      %dma_wait3A_45 = tpu.memref_slice %arg2[%add3A, %dma_wait3A_43, %dma_wait3A_44] : memref<32x80x128xi32, #tpu.memory_space<hbm>> -> memref<1x80x128xi32, #tpu.memory_space<hbm>>
      %dma_wait3A_46 = tpu.memref_squeeze %dma_wait3A_45 : memref<1x80x128xi32, #tpu.memory_space<hbm>> -> memref<80x128xi32, #tpu.memory_space<hbm>>
      tpu.wait_dma2 semaphore(%run_scoped3A : memref<!tpu.dma_semaphore, #tpu.memory_space<semaphore_mem>>) src(%dma_wait3A_46 : memref<80x128xi32, #tpu.memory_space<hbm>>) dst(%arg8 : memref<80x128xi32, #tpu.memory_space<vmem>>)
      tpu.yield
    }) : () -> ()
    "tpu.region"() ({
      %run_scoped3A = tpu.sem_alloc : memref<!tpu.dma_semaphore, #tpu.memory_space<semaphore_mem>>
      %dma_start3A = arith.constant 0 : i32
      %dma_start3A_32 = arith.constant 0 : i32
      %dma_start3A_33 = tpu.memref_slice %arg3[%add3A, %dma_start3A, %dma_start3A_32] : memref<32x80x128xi32, #tpu.memory_space<hbm>> -> memref<1x80x128xi32, #tpu.memory_space<hbm>>
      %dma_start3A_34 = tpu.memref_squeeze %dma_start3A_33 : memref<1x80x128xi32, #tpu.memory_space<hbm>> -> memref<80x128xi32, #tpu.memory_space<hbm>>
      %dma_start3A_35 = arith.constant 0 : i32
      %dma_start3A_36 = arith.constant 0 : i32
      %dma_start3A_37 = tpu.memref_slice %arg3[%add3A, %dma_start3A_35, %dma_start3A_36] : memref<32x80x128xi32, #tpu.memory_space<hbm>> -> memref<1x80x128xi32, #tpu.memory_space<hbm>>
      %dma_start3A_38 = tpu.memref_squeeze %dma_start3A_37 : memref<1x80x128xi32, #tpu.memory_space<hbm>> -> memref<80x128xi32, #tpu.memory_space<hbm>>
      tpu.enqueue_dma source(%dma_start3A_38 : memref<80x128xi32, #tpu.memory_space<hbm>>) target(%arg9 : memref<80x128xi32, #tpu.memory_space<vmem>>) target_semaphore(%run_scoped3A : memref<!tpu.dma_semaphore, #tpu.memory_space<semaphore_mem>>)
      %dma_wait3A_39 = arith.constant 0 : i32
      %dma_wait3A_40 = arith.constant 0 : i32
      %dma_wait3A_41 = tpu.memref_slice %arg3[%add3A, %dma_wait3A_39, %dma_wait3A_40] : memref<32x80x128xi32, #tpu.memory_space<hbm>> -> memref<1x80x128xi32, #tpu.memory_space<hbm>>
      %dma_wait3A_42 = tpu.memref_squeeze %dma_wait3A_41 : memref<1x80x128xi32, #tpu.memory_space<hbm>> -> memref<80x128xi32, #tpu.memory_space<hbm>>
      %dma_wait3A_43 = arith.constant 0 : i32
      %dma_wait3A_44 = arith.constant 0 : i32
      %dma_wait3A_45 = tpu.memref_slice %arg3[%add3A, %dma_wait3A_43, %dma_wait3A_44] : memref<32x80x128xi32, #tpu.memory_space<hbm>> -> memref<1x80x128xi32, #tpu.memory_space<hbm>>
      %dma_wait3A_46 = tpu.memref_squeeze %dma_wait3A_45 : memref<1x80x128xi32, #tpu.memory_space<hbm>> -> memref<80x128xi32, #tpu.memory_space<hbm>>
      tpu.wait_dma2 semaphore(%run_scoped3A : memref<!tpu.dma_semaphore, #tpu.memory_space<semaphore_mem>>) src(%dma_wait3A_46 : memref<80x128xi32, #tpu.memory_space<hbm>>) dst(%arg9 : memref<80x128xi32, #tpu.memory_space<vmem>>)
      tpu.yield
    }) : () -> ()
    %barrier3A = arith.constant 0 : index
    tpu.barrier barrier_id(%barrier3A)
    %scan3A = arith.constant 0 : i32
    %scan3A_3 = arith.constant 0 : i32
    %scan3A_4 = arith.constant 80 : i32
    %scan3A_5 = arith.addi %scan3A_3, %scan3A_4 : i32
    %scan3A_6 = arith.constant 1 : i32
    scf.for %scan3A_32 = %scan3A_3 to %scan3A_5 step %scan3A_6  : i32 {
      %dma_start3A = arith.constant 0 : i32
      %dma_start3A_33 = arith.constant 0 : i32
      %dma_start3A_34 = tpu.memref_slice %arg8[%scan3A_32, %dma_start3A_33] : memref<80x128xi32, #tpu.memory_space<vmem>> -> memref<1x128xi32, #tpu.memory_space<vmem>>
      %dma_start3A_35 = tpu.memref_squeeze %dma_start3A_34 : memref<1x128xi32, #tpu.memory_space<vmem>> -> memref<128xi32, #tpu.memory_space<vmem>>
      %dma_start3A_36 = arith.constant 0 : i32
      %dma_start3A_37 = tpu.memref_slice %arg11[%dma_start3A_36] : memref<10240xf32, #tpu.memory_space<vmem_shared>> -> memref<10240xf32, #tpu.memory_space<vmem_shared>>
      %dma_start3A_38 = tpu.memref_slice %arg13[%dma_start3A] : memref<2x!tpu.dma_semaphore, #tpu.memory_space<semaphore_mem>> -> memref<1x!tpu.dma_semaphore, #tpu.memory_space<semaphore_mem>>
      %dma_start3A_39 = tpu.memref_squeeze %dma_start3A_38 : memref<1x!tpu.dma_semaphore, #tpu.memory_space<semaphore_mem>> -> memref<!tpu.dma_semaphore, #tpu.memory_space<semaphore_mem>>
      tpu.enqueue_indirect_dma source(%arg10 : memref<128xf32, #tpu.memory_space<vmem>>) target(%dma_start3A_37 : memref<10240xf32, #tpu.memory_space<vmem_shared>>) offsets(%dma_start3A_35 : memref<128xi32, #tpu.memory_space<vmem>>) semaphore(%dma_start3A_39 : memref<!tpu.dma_semaphore, #tpu.memory_space<semaphore_mem>>) {add = true}
      %dma_start3A_40 = arith.constant 1 : i32
      %dma_start3A_41 = arith.constant 0 : i32
      %dma_start3A_42 = tpu.memref_slice %arg9[%scan3A_32, %dma_start3A_41] : memref<80x128xi32, #tpu.memory_space<vmem>> -> memref<1x128xi32, #tpu.memory_space<vmem>>
      %dma_start3A_43 = tpu.memref_squeeze %dma_start3A_42 : memref<1x128xi32, #tpu.memory_space<vmem>> -> memref<128xi32, #tpu.memory_space<vmem>>
      %dma_start3A_44 = arith.constant 0 : i32
      %dma_start3A_45 = tpu.memref_slice %arg12[%dma_start3A_44] : memref<10240xf32, #tpu.memory_space<vmem_shared>> -> memref<10240xf32, #tpu.memory_space<vmem_shared>>
      %dma_start3A_46 = tpu.memref_slice %arg13[%dma_start3A_40] : memref<2x!tpu.dma_semaphore, #tpu.memory_space<semaphore_mem>> -> memref<1x!tpu.dma_semaphore, #tpu.memory_space<semaphore_mem>>
      %dma_start3A_47 = tpu.memref_squeeze %dma_start3A_46 : memref<1x!tpu.dma_semaphore, #tpu.memory_space<semaphore_mem>> -> memref<!tpu.dma_semaphore, #tpu.memory_space<semaphore_mem>>
      tpu.enqueue_indirect_dma source(%arg10 : memref<128xf32, #tpu.memory_space<vmem>>) target(%dma_start3A_45 : memref<10240xf32, #tpu.memory_space<vmem_shared>>) offsets(%dma_start3A_43 : memref<128xi32, #tpu.memory_space<vmem>>) semaphore(%dma_start3A_47 : memref<!tpu.dma_semaphore, #tpu.memory_space<semaphore_mem>>) {add = true}
    }
    %scan3A_7 = arith.constant 80 : i32
    %dma_wait3A = arith.constant 0 : i32
    %dma_wait3A_8 = arith.constant 0 : i32
    %dma_wait3A_9 = arith.constant 0 : i32
    %dma_wait3A_10 = arith.constant 0 : i32
    %dma_wait3A_11 = tpu.memref_slice %arg2[%dma_wait3A, %dma_wait3A_9, %dma_wait3A_10] : memref<32x80x128xi32, #tpu.memory_space<hbm>> -> memref<1x80x128xi32, #tpu.memory_space<hbm>>
    %dma_wait3A_12 = tpu.memref_squeeze %dma_wait3A_11 : memref<1x80x128xi32, #tpu.memory_space<hbm>> -> memref<80x128xi32, #tpu.memory_space<hbm>>
    %dma_wait3A_13 = tpu.memref_slice %arg13[%dma_wait3A_8] : memref<2x!tpu.dma_semaphore, #tpu.memory_space<semaphore_mem>> -> memref<1x!tpu.dma_semaphore, #tpu.memory_space<semaphore_mem>>
    %dma_wait3A_14 = tpu.memref_squeeze %dma_wait3A_13 : memref<1x!tpu.dma_semaphore, #tpu.memory_space<semaphore_mem>> -> memref<!tpu.dma_semaphore, #tpu.memory_space<semaphore_mem>>
    %dma_wait3A_15 = arith.constant 0 : i32
    %dma_wait3A_16 = arith.constant 0 : i32
    %dma_wait3A_17 = tpu.memref_slice %arg2[%dma_wait3A, %dma_wait3A_15, %dma_wait3A_16] : memref<32x80x128xi32, #tpu.memory_space<hbm>> -> memref<1x80x128xi32, #tpu.memory_space<hbm>>
    %dma_wait3A_18 = tpu.memref_squeeze %dma_wait3A_17 : memref<1x80x128xi32, #tpu.memory_space<hbm>> -> memref<80x128xi32, #tpu.memory_space<hbm>>
    tpu.wait_dma2 semaphore(%dma_wait3A_14 : memref<!tpu.dma_semaphore, #tpu.memory_space<semaphore_mem>>) src(%dma_wait3A_18 : memref<80x128xi32, #tpu.memory_space<hbm>>) dst(%arg8 : memref<80x128xi32, #tpu.memory_space<vmem>>)
    %dma_wait3A_19 = arith.constant 0 : i32
    %dma_wait3A_20 = arith.constant 1 : i32
    %dma_wait3A_21 = arith.constant 0 : i32
    %dma_wait3A_22 = arith.constant 0 : i32
    %dma_wait3A_23 = tpu.memref_slice %arg3[%dma_wait3A_19, %dma_wait3A_21, %dma_wait3A_22] : memref<32x80x128xi32, #tpu.memory_space<hbm>> -> memref<1x80x128xi32, #tpu.memory_space<hbm>>
    %dma_wait3A_24 = tpu.memref_squeeze %dma_wait3A_23 : memref<1x80x128xi32, #tpu.memory_space<hbm>> -> memref<80x128xi32, #tpu.memory_space<hbm>>
    %dma_wait3A_25 = tpu.memref_slice %arg13[%dma_wait3A_20] : memref<2x!tpu.dma_semaphore, #tpu.memory_space<semaphore_mem>> -> memref<1x!tpu.dma_semaphore, #tpu.memory_space<semaphore_mem>>
    %dma_wait3A_26 = tpu.memref_squeeze %dma_wait3A_25 : memref<1x!tpu.dma_semaphore, #tpu.memory_space<semaphore_mem>> -> memref<!tpu.dma_semaphore, #tpu.memory_space<semaphore_mem>>
    %dma_wait3A_27 = arith.constant 0 : i32
    %dma_wait3A_28 = arith.constant 0 : i32
    %dma_wait3A_29 = tpu.memref_slice %arg3[%dma_wait3A_19, %dma_wait3A_27, %dma_wait3A_28] : memref<32x80x128xi32, #tpu.memory_space<hbm>> -> memref<1x80x128xi32, #tpu.memory_space<hbm>>
    %dma_wait3A_30 = tpu.memref_squeeze %dma_wait3A_29 : memref<1x80x128xi32, #tpu.memory_space<hbm>> -> memref<80x128xi32, #tpu.memory_space<hbm>>
    tpu.wait_dma2 semaphore(%dma_wait3A_26 : memref<!tpu.dma_semaphore, #tpu.memory_space<semaphore_mem>>) src(%dma_wait3A_30 : memref<80x128xi32, #tpu.memory_space<hbm>>) dst(%arg9 : memref<80x128xi32, #tpu.memory_space<vmem>>)
    %barrier3A_31 = arith.constant 0 : index
    tpu.barrier barrier_id(%barrier3A_31)
    "tpu.region"() ({
      %run_scoped3A = tpu.sem_alloc : memref<!tpu.dma_semaphore, #tpu.memory_space<semaphore_mem>>
      %dma_start3A = tpu.memref_slice %arg6[%arg0, %mul3A_2] : memref<2x10240xf32, #tpu.memory_space<hbm>> -> memref<1x640xf32, #tpu.memory_space<hbm>>
      %dma_start3A_32 = tpu.memref_squeeze %dma_start3A : memref<1x640xf32, #tpu.memory_space<hbm>> -> memref<640xf32, #tpu.memory_space<hbm>>
      %dma_start3A_33 = tpu.memref_slice %arg11[%mul3A_2] : memref<10240xf32, #tpu.memory_space<vmem_shared>> -> memref<640xf32, #tpu.memory_space<vmem_shared>>
      tpu.enqueue_dma source(%dma_start3A_33 : memref<640xf32, #tpu.memory_space<vmem_shared>>) target(%dma_start3A_32 : memref<640xf32, #tpu.memory_space<hbm>>) target_semaphore(%run_scoped3A : memref<!tpu.dma_semaphore, #tpu.memory_space<semaphore_mem>>)
      %dma_wait3A_34 = tpu.memref_slice %arg6[%arg0, %mul3A_2] : memref<2x10240xf32, #tpu.memory_space<hbm>> -> memref<1x640xf32, #tpu.memory_space<hbm>>
      %dma_wait3A_35 = tpu.memref_squeeze %dma_wait3A_34 : memref<1x640xf32, #tpu.memory_space<hbm>> -> memref<640xf32, #tpu.memory_space<hbm>>
      %dma_wait3A_36 = tpu.memref_slice %arg11[%mul3A_2] : memref<10240xf32, #tpu.memory_space<vmem_shared>> -> memref<640xf32, #tpu.memory_space<vmem_shared>>
      tpu.wait_dma2 semaphore(%run_scoped3A : memref<!tpu.dma_semaphore, #tpu.memory_space<semaphore_mem>>) src(%dma_wait3A_36 : memref<640xf32, #tpu.memory_space<vmem_shared>>) dst(%dma_wait3A_35 : memref<640xf32, #tpu.memory_space<hbm>>)
      tpu.yield
    }) : () -> ()
    "tpu.region"() ({
      %run_scoped3A = tpu.sem_alloc : memref<!tpu.dma_semaphore, #tpu.memory_space<semaphore_mem>>
      %dma_start3A = tpu.memref_slice %arg7[%arg0, %mul3A_2] : memref<2x10240xf32, #tpu.memory_space<hbm>> -> memref<1x640xf32, #tpu.memory_space<hbm>>
      %dma_start3A_32 = tpu.memref_squeeze %dma_start3A : memref<1x640xf32, #tpu.memory_space<hbm>> -> memref<640xf32, #tpu.memory_space<hbm>>
      %dma_start3A_33 = tpu.memref_slice %arg12[%mul3A_2] : memref<10240xf32, #tpu.memory_space<vmem_shared>> -> memref<640xf32, #tpu.memory_space<vmem_shared>>
      tpu.enqueue_dma source(%dma_start3A_33 : memref<640xf32, #tpu.memory_space<vmem_shared>>) target(%dma_start3A_32 : memref<640xf32, #tpu.memory_space<hbm>>) target_semaphore(%run_scoped3A : memref<!tpu.dma_semaphore, #tpu.memory_space<semaphore_mem>>)
      %dma_wait3A_34 = tpu.memref_slice %arg7[%arg0, %mul3A_2] : memref<2x10240xf32, #tpu.memory_space<hbm>> -> memref<1x640xf32, #tpu.memory_space<hbm>>
      %dma_wait3A_35 = tpu.memref_squeeze %dma_wait3A_34 : memref<1x640xf32, #tpu.memory_space<hbm>> -> memref<640xf32, #tpu.memory_space<hbm>>
      %dma_wait3A_36 = tpu.memref_slice %arg12[%mul3A_2] : memref<10240xf32, #tpu.memory_space<vmem_shared>> -> memref<640xf32, #tpu.memory_space<vmem_shared>>
      tpu.wait_dma2 semaphore(%run_scoped3A : memref<!tpu.dma_semaphore, #tpu.memory_space<semaphore_mem>>) src(%dma_wait3A_36 : memref<640xf32, #tpu.memory_space<vmem_shared>>) dst(%dma_wait3A_35 : memref<640xf32, #tpu.memory_space<hbm>>)
      tpu.yield
    }) : () -> ()
    return
  }
}

#map = affine_map<(d0, d1) -> (0, 0)>
#map1 = affine_map<(d0, d1) -> (0, 0, 0)>
module attributes {stable_mosaic.version = 14 : i64} {
  func.func @segsum(%arg0: i32, %arg1: i32, %arg2: memref<10240x128xf32, #tpu.memory_space<hbm>>, %arg3: memref<32x160x64xi32, #tpu.memory_space<hbm>>, %arg4: memref<32x160x64xi32, #tpu.memory_space<hbm>>, %arg5: memref<640x128xf32, #tpu.memory_space<hbm>>, %arg6: memref<2x10240x128xf32, #tpu.memory_space<hbm>>, %arg7: memref<2x16x64xi32, #tpu.memory_space<vmem>>, %arg8: memref<2x16x64xi32, #tpu.memory_space<vmem>>, %arg9: memref<5x64x128xf32, #tpu.memory_space<vmem>>, %arg10: memref<10240x128xf32, #tpu.memory_space<vmem_shared>>, %arg11: memref<5x!tpu.dma_semaphore, #tpu.memory_space<semaphore_mem>>, %arg12: memref<5x!tpu.dma_semaphore, #tpu.memory_space<semaphore_mem>>, %arg13: memref<2x!tpu.dma_semaphore, #tpu.memory_space<semaphore_mem>>) attributes {dimension_semantics = [#tpu.dimension_semantics<core_parallel>, #tpu.dimension_semantics<subcore_parallel>], iteration_bounds = array<i64: 2, 16>, scalar_prefetch = 0 : i64, scratch_operands = 7 : i64, tpu.core_type = #tpu.core_type<sc_vector_subcore>, window_params = [{transform_indices = #map}, {transform_indices = #map1}, {transform_indices = #map1}, {transform_indices = #map}, {transform_indices = #map1}]} {
    %mul3A = arith.constant 2 : i32
    %mul3A_0 = arith.muli %arg1, %mul3A : i32
    %add3A = arith.addi %mul3A_0, %arg0 : i32
    %mul3A_1 = arith.constant 640 : i32
    %mul3A_2 = arith.muli %arg1, %mul3A_1 : i32
    "tpu.region"() ({
      %run_scoped3A_162 = tpu.sem_alloc : memref<!tpu.dma_semaphore, #tpu.memory_space<semaphore_mem>>
      %dma_start3A_163 = arith.constant 0 : i32
      %dma_start3A_164 = tpu.memref_slice %arg10[%mul3A_2, %dma_start3A_163] : memref<10240x128xf32, #tpu.memory_space<vmem_shared>> -> memref<640x128xf32, #tpu.memory_space<vmem_shared>>
      tpu.enqueue_dma source(%arg5 : memref<640x128xf32, #tpu.memory_space<hbm>>) target(%dma_start3A_164 : memref<640x128xf32, #tpu.memory_space<vmem_shared>>) target_semaphore(%run_scoped3A_162 : memref<!tpu.dma_semaphore, #tpu.memory_space<semaphore_mem>>)
      %dma_wait3A_165 = arith.constant 0 : i32
      %dma_wait3A_166 = tpu.memref_slice %arg10[%mul3A_2, %dma_wait3A_165] : memref<10240x128xf32, #tpu.memory_space<vmem_shared>> -> memref<640x128xf32, #tpu.memory_space<vmem_shared>>
      tpu.wait_dma2 semaphore(%run_scoped3A_162 : memref<!tpu.dma_semaphore, #tpu.memory_space<semaphore_mem>>) src(%arg5 : memref<640x128xf32, #tpu.memory_space<hbm>>) dst(%dma_wait3A_166 : memref<640x128xf32, #tpu.memory_space<vmem_shared>>)
      tpu.yield
    }) : () -> ()
    %run_scoped3A = arith.constant 0 : i32
    "tpu.region"() ({
      %run_scoped3A_162 = tpu.sem_alloc : memref<!tpu.dma_semaphore, #tpu.memory_space<semaphore_mem>>
      %dma_start3A_163 = arith.constant 0 : i32
      %dma_start3A_164 = arith.constant 0 : i32
      %dma_start3A_165 = tpu.memref_slice %arg7[%run_scoped3A, %dma_start3A_163, %dma_start3A_164] : memref<2x16x64xi32, #tpu.memory_space<vmem>> -> memref<1x16x64xi32, #tpu.memory_space<vmem>>
      %dma_start3A_166 = tpu.memref_squeeze %dma_start3A_165 : memref<1x16x64xi32, #tpu.memory_space<vmem>> -> memref<16x64xi32, #tpu.memory_space<vmem>>
      %dma_start3A_167 = arith.constant 0 : i32
      %dma_start3A_168 = arith.constant 0 : i32
      %dma_start3A_169 = tpu.memref_slice %arg3[%add3A, %dma_start3A_167, %dma_start3A_168] : memref<32x160x64xi32, #tpu.memory_space<hbm>> -> memref<1x16x64xi32, #tpu.memory_space<hbm>>
      %dma_start3A_170 = tpu.memref_squeeze %dma_start3A_169 : memref<1x16x64xi32, #tpu.memory_space<hbm>> -> memref<16x64xi32, #tpu.memory_space<hbm>>
      %dma_start3A_171 = arith.constant 0 : i32
      %dma_start3A_172 = arith.constant 0 : i32
      %dma_start3A_173 = tpu.memref_slice %arg7[%run_scoped3A, %dma_start3A_171, %dma_start3A_172] : memref<2x16x64xi32, #tpu.memory_space<vmem>> -> memref<1x16x64xi32, #tpu.memory_space<vmem>>
      %dma_start3A_174 = tpu.memref_squeeze %dma_start3A_173 : memref<1x16x64xi32, #tpu.memory_space<vmem>> -> memref<16x64xi32, #tpu.memory_space<vmem>>
      %dma_start3A_175 = arith.constant 0 : i32
      %dma_start3A_176 = arith.constant 0 : i32
      %dma_start3A_177 = tpu.memref_slice %arg3[%add3A, %dma_start3A_175, %dma_start3A_176] : memref<32x160x64xi32, #tpu.memory_space<hbm>> -> memref<1x16x64xi32, #tpu.memory_space<hbm>>
      %dma_start3A_178 = tpu.memref_squeeze %dma_start3A_177 : memref<1x16x64xi32, #tpu.memory_space<hbm>> -> memref<16x64xi32, #tpu.memory_space<hbm>>
      tpu.enqueue_dma source(%dma_start3A_178 : memref<16x64xi32, #tpu.memory_space<hbm>>) target(%dma_start3A_174 : memref<16x64xi32, #tpu.memory_space<vmem>>) target_semaphore(%run_scoped3A_162 : memref<!tpu.dma_semaphore, #tpu.memory_space<semaphore_mem>>)
      %dma_wait3A_179 = arith.constant 0 : i32
      %dma_wait3A_180 = arith.constant 0 : i32
      %dma_wait3A_181 = tpu.memref_slice %arg7[%run_scoped3A, %dma_wait3A_179, %dma_wait3A_180] : memref<2x16x64xi32, #tpu.memory_space<vmem>> -> memref<1x16x64xi32, #tpu.memory_space<vmem>>
      %dma_wait3A_182 = tpu.memref_squeeze %dma_wait3A_181 : memref<1x16x64xi32, #tpu.memory_space<vmem>> -> memref<16x64xi32, #tpu.memory_space<vmem>>
      %dma_wait3A_183 = arith.constant 0 : i32
      %dma_wait3A_184 = arith.constant 0 : i32
      %dma_wait3A_185 = tpu.memref_slice %arg3[%add3A, %dma_wait3A_183, %dma_wait3A_184] : memref<32x160x64xi32, #tpu.memory_space<hbm>> -> memref<1x16x64xi32, #tpu.memory_space<hbm>>
      %dma_wait3A_186 = tpu.memref_squeeze %dma_wait3A_185 : memref<1x16x64xi32, #tpu.memory_space<hbm>> -> memref<16x64xi32, #tpu.memory_space<hbm>>
      %dma_wait3A_187 = arith.constant 0 : i32
      %dma_wait3A_188 = arith.constant 0 : i32
      %dma_wait3A_189 = tpu.memref_slice %arg7[%run_scoped3A, %dma_wait3A_187, %dma_wait3A_188] : memref<2x16x64xi32, #tpu.memory_space<vmem>> -> memref<1x16x64xi32, #tpu.memory_space<vmem>>
      %dma_wait3A_190 = tpu.memref_squeeze %dma_wait3A_189 : memref<1x16x64xi32, #tpu.memory_space<vmem>> -> memref<16x64xi32, #tpu.memory_space<vmem>>
      %dma_wait3A_191 = arith.constant 0 : i32
      %dma_wait3A_192 = arith.constant 0 : i32
      %dma_wait3A_193 = tpu.memref_slice %arg3[%add3A, %dma_wait3A_191, %dma_wait3A_192] : memref<32x160x64xi32, #tpu.memory_space<hbm>> -> memref<1x16x64xi32, #tpu.memory_space<hbm>>
      %dma_wait3A_194 = tpu.memref_squeeze %dma_wait3A_193 : memref<1x16x64xi32, #tpu.memory_space<hbm>> -> memref<16x64xi32, #tpu.memory_space<hbm>>
      tpu.wait_dma2 semaphore(%run_scoped3A_162 : memref<!tpu.dma_semaphore, #tpu.memory_space<semaphore_mem>>) src(%dma_wait3A_194 : memref<16x64xi32, #tpu.memory_space<hbm>>) dst(%dma_wait3A_190 : memref<16x64xi32, #tpu.memory_space<vmem>>)
      tpu.yield
    }) : () -> ()
    %run_scoped3A_3 = arith.constant 0 : i32
    "tpu.region"() ({
      %run_scoped3A_162 = tpu.sem_alloc : memref<!tpu.dma_semaphore, #tpu.memory_space<semaphore_mem>>
      %dma_start3A_163 = arith.constant 0 : i32
      %dma_start3A_164 = arith.constant 0 : i32
      %dma_start3A_165 = tpu.memref_slice %arg8[%run_scoped3A_3, %dma_start3A_163, %dma_start3A_164] : memref<2x16x64xi32, #tpu.memory_space<vmem>> -> memref<1x16x64xi32, #tpu.memory_space<vmem>>
      %dma_start3A_166 = tpu.memref_squeeze %dma_start3A_165 : memref<1x16x64xi32, #tpu.memory_space<vmem>> -> memref<16x64xi32, #tpu.memory_space<vmem>>
      %dma_start3A_167 = arith.constant 0 : i32
      %dma_start3A_168 = arith.constant 0 : i32
      %dma_start3A_169 = tpu.memref_slice %arg4[%add3A, %dma_start3A_167, %dma_start3A_168] : memref<32x160x64xi32, #tpu.memory_space<hbm>> -> memref<1x16x64xi32, #tpu.memory_space<hbm>>
      %dma_start3A_170 = tpu.memref_squeeze %dma_start3A_169 : memref<1x16x64xi32, #tpu.memory_space<hbm>> -> memref<16x64xi32, #tpu.memory_space<hbm>>
      %dma_start3A_171 = arith.constant 0 : i32
      %dma_start3A_172 = arith.constant 0 : i32
      %dma_start3A_173 = tpu.memref_slice %arg8[%run_scoped3A_3, %dma_start3A_171, %dma_start3A_172] : memref<2x16x64xi32, #tpu.memory_space<vmem>> -> memref<1x16x64xi32, #tpu.memory_space<vmem>>
      %dma_start3A_174 = tpu.memref_squeeze %dma_start3A_173 : memref<1x16x64xi32, #tpu.memory_space<vmem>> -> memref<16x64xi32, #tpu.memory_space<vmem>>
      %dma_start3A_175 = arith.constant 0 : i32
      %dma_start3A_176 = arith.constant 0 : i32
      %dma_start3A_177 = tpu.memref_slice %arg4[%add3A, %dma_start3A_175, %dma_start3A_176] : memref<32x160x64xi32, #tpu.memory_space<hbm>> -> memref<1x16x64xi32, #tpu.memory_space<hbm>>
      %dma_start3A_178 = tpu.memref_squeeze %dma_start3A_177 : memref<1x16x64xi32, #tpu.memory_space<hbm>> -> memref<16x64xi32, #tpu.memory_space<hbm>>
      tpu.enqueue_dma source(%dma_start3A_178 : memref<16x64xi32, #tpu.memory_space<hbm>>) target(%dma_start3A_174 : memref<16x64xi32, #tpu.memory_space<vmem>>) target_semaphore(%run_scoped3A_162 : memref<!tpu.dma_semaphore, #tpu.memory_space<semaphore_mem>>)
      %dma_wait3A_179 = arith.constant 0 : i32
      %dma_wait3A_180 = arith.constant 0 : i32
      %dma_wait3A_181 = tpu.memref_slice %arg8[%run_scoped3A_3, %dma_wait3A_179, %dma_wait3A_180] : memref<2x16x64xi32, #tpu.memory_space<vmem>> -> memref<1x16x64xi32, #tpu.memory_space<vmem>>
      %dma_wait3A_182 = tpu.memref_squeeze %dma_wait3A_181 : memref<1x16x64xi32, #tpu.memory_space<vmem>> -> memref<16x64xi32, #tpu.memory_space<vmem>>
      %dma_wait3A_183 = arith.constant 0 : i32
      %dma_wait3A_184 = arith.constant 0 : i32
      %dma_wait3A_185 = tpu.memref_slice %arg4[%add3A, %dma_wait3A_183, %dma_wait3A_184] : memref<32x160x64xi32, #tpu.memory_space<hbm>> -> memref<1x16x64xi32, #tpu.memory_space<hbm>>
      %dma_wait3A_186 = tpu.memref_squeeze %dma_wait3A_185 : memref<1x16x64xi32, #tpu.memory_space<hbm>> -> memref<16x64xi32, #tpu.memory_space<hbm>>
      %dma_wait3A_187 = arith.constant 0 : i32
      %dma_wait3A_188 = arith.constant 0 : i32
      %dma_wait3A_189 = tpu.memref_slice %arg8[%run_scoped3A_3, %dma_wait3A_187, %dma_wait3A_188] : memref<2x16x64xi32, #tpu.memory_space<vmem>> -> memref<1x16x64xi32, #tpu.memory_space<vmem>>
      %dma_wait3A_190 = tpu.memref_squeeze %dma_wait3A_189 : memref<1x16x64xi32, #tpu.memory_space<vmem>> -> memref<16x64xi32, #tpu.memory_space<vmem>>
      %dma_wait3A_191 = arith.constant 0 : i32
      %dma_wait3A_192 = arith.constant 0 : i32
      %dma_wait3A_193 = tpu.memref_slice %arg4[%add3A, %dma_wait3A_191, %dma_wait3A_192] : memref<32x160x64xi32, #tpu.memory_space<hbm>> -> memref<1x16x64xi32, #tpu.memory_space<hbm>>
      %dma_wait3A_194 = tpu.memref_squeeze %dma_wait3A_193 : memref<1x16x64xi32, #tpu.memory_space<hbm>> -> memref<16x64xi32, #tpu.memory_space<hbm>>
      tpu.wait_dma2 semaphore(%run_scoped3A_162 : memref<!tpu.dma_semaphore, #tpu.memory_space<semaphore_mem>>) src(%dma_wait3A_194 : memref<16x64xi32, #tpu.memory_space<hbm>>) dst(%dma_wait3A_190 : memref<16x64xi32, #tpu.memory_space<vmem>>)
      tpu.yield
    }) : () -> ()
    %barrier3A = arith.constant 0 : index
    tpu.barrier barrier_id(%barrier3A)
    %dma_start3A = arith.constant 0 : i32
    %dma_start3A_4 = arith.constant 0 : i32
    %dma_start3A_5 = arith.constant 0 : i32
    %dma_start3A_6 = arith.constant 0 : i32
    %dma_start3A_7 = arith.constant 0 : i32
    %dma_start3A_8 = arith.constant 0 : i32
    %dma_start3A_9 = tpu.memref_slice %arg9[%dma_start3A_5, %dma_start3A_7, %dma_start3A_8] : memref<5x64x128xf32, #tpu.memory_space<vmem>> -> memref<1x64x128xf32, #tpu.memory_space<vmem>>
    %dma_start3A_10 = tpu.memref_squeeze %dma_start3A_9 : memref<1x64x128xf32, #tpu.memory_space<vmem>> -> memref<64x128xf32, #tpu.memory_space<vmem>>
    %dma_start3A_11 = arith.constant 0 : i32
    %dma_start3A_12 = tpu.memref_slice %arg7[%dma_start3A, %dma_start3A_4, %dma_start3A_11] : memref<2x16x64xi32, #tpu.memory_space<vmem>> -> memref<1x1x64xi32, #tpu.memory_space<vmem>>
    %dma_start3A_13 = tpu.memref_squeeze %dma_start3A_12 : memref<1x1x64xi32, #tpu.memory_space<vmem>> -> memref<64xi32, #tpu.memory_space<vmem>>
    %dma_start3A_14 = arith.constant 0 : i32
    %dma_start3A_15 = arith.constant 0 : i32
    %dma_start3A_16 = tpu.memref_slice %arg2[%dma_start3A_14, %dma_start3A_15] : memref<10240x128xf32, #tpu.memory_space<hbm>> -> memref<10240x128xf32, #tpu.memory_space<hbm>>
    %dma_start3A_17 = tpu.memref_slice %arg11[%dma_start3A_6] : memref<5x!tpu.dma_semaphore, #tpu.memory_space<semaphore_mem>> -> memref<1x!tpu.dma_semaphore, #tpu.memory_space<semaphore_mem>>
    %dma_start3A_18 = tpu.memref_squeeze %dma_start3A_17 : memref<1x!tpu.dma_semaphore, #tpu.memory_space<semaphore_mem>> -> memref<!tpu.dma_semaphore, #tpu.memory_space<semaphore_mem>>
    tpu.enqueue_indirect_dma source(%dma_start3A_16 : memref<10240x128xf32, #tpu.memory_space<hbm>>) target(%dma_start3A_10 : memref<64x128xf32, #tpu.memory_space<vmem>>) offsets(%dma_start3A_13 : memref<64xi32, #tpu.memory_space<vmem>>) semaphore(%dma_start3A_18 : memref<!tpu.dma_semaphore, #tpu.memory_space<semaphore_mem>>)
    %dma_start3A_19 = arith.constant 0 : i32
    %dma_start3A_20 = arith.constant 1 : i32
    %dma_start3A_21 = arith.constant 1 : i32
    %dma_start3A_22 = arith.constant 1 : i32
    %dma_start3A_23 = arith.constant 0 : i32
    %dma_start3A_24 = arith.constant 0 : i32
    %dma_start3A_25 = tpu.memref_slice %arg9[%dma_start3A_21, %dma_start3A_23, %dma_start3A_24] : memref<5x64x128xf32, #tpu.memory_space<vmem>> -> memref<1x64x128xf32, #tpu.memory_space<vmem>>
    %dma_start3A_26 = tpu.memref_squeeze %dma_start3A_25 : memref<1x64x128xf32, #tpu.memory_space<vmem>> -> memref<64x128xf32, #tpu.memory_space<vmem>>
    %dma_start3A_27 = arith.constant 0 : i32
    %dma_start3A_28 = tpu.memref_slice %arg7[%dma_start3A_19, %dma_start3A_20, %dma_start3A_27] : memref<2x16x64xi32, #tpu.memory_space<vmem>> -> memref<1x1x64xi32, #tpu.memory_space<vmem>>
    %dma_start3A_29 = tpu.memref_squeeze %dma_start3A_28 : memref<1x1x64xi32, #tpu.memory_space<vmem>> -> memref<64xi32, #tpu.memory_space<vmem>>
    %dma_start3A_30 = arith.constant 0 : i32
    %dma_start3A_31 = arith.constant 0 : i32
    %dma_start3A_32 = tpu.memref_slice %arg2[%dma_start3A_30, %dma_start3A_31] : memref<10240x128xf32, #tpu.memory_space<hbm>> -> memref<10240x128xf32, #tpu.memory_space<hbm>>
    %dma_start3A_33 = tpu.memref_slice %arg11[%dma_start3A_22] : memref<5x!tpu.dma_semaphore, #tpu.memory_space<semaphore_mem>> -> memref<1x!tpu.dma_semaphore, #tpu.memory_space<semaphore_mem>>
    %dma_start3A_34 = tpu.memref_squeeze %dma_start3A_33 : memref<1x!tpu.dma_semaphore, #tpu.memory_space<semaphore_mem>> -> memref<!tpu.dma_semaphore, #tpu.memory_space<semaphore_mem>>
    tpu.enqueue_indirect_dma source(%dma_start3A_32 : memref<10240x128xf32, #tpu.memory_space<hbm>>) target(%dma_start3A_26 : memref<64x128xf32, #tpu.memory_space<vmem>>) offsets(%dma_start3A_29 : memref<64xi32, #tpu.memory_space<vmem>>) semaphore(%dma_start3A_34 : memref<!tpu.dma_semaphore, #tpu.memory_space<semaphore_mem>>)
    %dma_start3A_35 = arith.constant 0 : i32
    %dma_start3A_36 = arith.constant 2 : i32
    %dma_start3A_37 = arith.constant 2 : i32
    %dma_start3A_38 = arith.constant 2 : i32
    %dma_start3A_39 = arith.constant 0 : i32
    %dma_start3A_40 = arith.constant 0 : i32
    %dma_start3A_41 = tpu.memref_slice %arg9[%dma_start3A_37, %dma_start3A_39, %dma_start3A_40] : memref<5x64x128xf32, #tpu.memory_space<vmem>> -> memref<1x64x128xf32, #tpu.memory_space<vmem>>
    %dma_start3A_42 = tpu.memref_squeeze %dma_start3A_41 : memref<1x64x128xf32, #tpu.memory_space<vmem>> -> memref<64x128xf32, #tpu.memory_space<vmem>>
    %dma_start3A_43 = arith.constant 0 : i32
    %dma_start3A_44 = tpu.memref_slice %arg7[%dma_start3A_35, %dma_start3A_36, %dma_start3A_43] : memref<2x16x64xi32, #tpu.memory_space<vmem>> -> memref<1x1x64xi32, #tpu.memory_space<vmem>>
    %dma_start3A_45 = tpu.memref_squeeze %dma_start3A_44 : memref<1x1x64xi32, #tpu.memory_space<vmem>> -> memref<64xi32, #tpu.memory_space<vmem>>
    %dma_start3A_46 = arith.constant 0 : i32
    %dma_start3A_47 = arith.constant 0 : i32
    %dma_start3A_48 = tpu.memref_slice %arg2[%dma_start3A_46, %dma_start3A_47] : memref<10240x128xf32, #tpu.memory_space<hbm>> -> memref<10240x128xf32, #tpu.memory_space<hbm>>
    %dma_start3A_49 = tpu.memref_slice %arg11[%dma_start3A_38] : memref<5x!tpu.dma_semaphore, #tpu.memory_space<semaphore_mem>> -> memref<1x!tpu.dma_semaphore, #tpu.memory_space<semaphore_mem>>
    %dma_start3A_50 = tpu.memref_squeeze %dma_start3A_49 : memref<1x!tpu.dma_semaphore, #tpu.memory_space<semaphore_mem>> -> memref<!tpu.dma_semaphore, #tpu.memory_space<semaphore_mem>>
    tpu.enqueue_indirect_dma source(%dma_start3A_48 : memref<10240x128xf32, #tpu.memory_space<hbm>>) target(%dma_start3A_42 : memref<64x128xf32, #tpu.memory_space<vmem>>) offsets(%dma_start3A_45 : memref<64xi32, #tpu.memory_space<vmem>>) semaphore(%dma_start3A_50 : memref<!tpu.dma_semaphore, #tpu.memory_space<semaphore_mem>>)
    %dma_start3A_51 = arith.constant 0 : i32
    %dma_start3A_52 = arith.constant 3 : i32
    %dma_start3A_53 = arith.constant 3 : i32
    %dma_start3A_54 = arith.constant 3 : i32
    %dma_start3A_55 = arith.constant 0 : i32
    %dma_start3A_56 = arith.constant 0 : i32
    %dma_start3A_57 = tpu.memref_slice %arg9[%dma_start3A_53, %dma_start3A_55, %dma_start3A_56] : memref<5x64x128xf32, #tpu.memory_space<vmem>> -> memref<1x64x128xf32, #tpu.memory_space<vmem>>
    %dma_start3A_58 = tpu.memref_squeeze %dma_start3A_57 : memref<1x64x128xf32, #tpu.memory_space<vmem>> -> memref<64x128xf32, #tpu.memory_space<vmem>>
    %dma_start3A_59 = arith.constant 0 : i32
    %dma_start3A_60 = tpu.memref_slice %arg7[%dma_start3A_51, %dma_start3A_52, %dma_start3A_59] : memref<2x16x64xi32, #tpu.memory_space<vmem>> -> memref<1x1x64xi32, #tpu.memory_space<vmem>>
    %dma_start3A_61 = tpu.memref_squeeze %dma_start3A_60 : memref<1x1x64xi32, #tpu.memory_space<vmem>> -> memref<64xi32, #tpu.memory_space<vmem>>
    %dma_start3A_62 = arith.constant 0 : i32
    %dma_start3A_63 = arith.constant 0 : i32
    %dma_start3A_64 = tpu.memref_slice %arg2[%dma_start3A_62, %dma_start3A_63] : memref<10240x128xf32, #tpu.memory_space<hbm>> -> memref<10240x128xf32, #tpu.memory_space<hbm>>
    %dma_start3A_65 = tpu.memref_slice %arg11[%dma_start3A_54] : memref<5x!tpu.dma_semaphore, #tpu.memory_space<semaphore_mem>> -> memref<1x!tpu.dma_semaphore, #tpu.memory_space<semaphore_mem>>
    %dma_start3A_66 = tpu.memref_squeeze %dma_start3A_65 : memref<1x!tpu.dma_semaphore, #tpu.memory_space<semaphore_mem>> -> memref<!tpu.dma_semaphore, #tpu.memory_space<semaphore_mem>>
    tpu.enqueue_indirect_dma source(%dma_start3A_64 : memref<10240x128xf32, #tpu.memory_space<hbm>>) target(%dma_start3A_58 : memref<64x128xf32, #tpu.memory_space<vmem>>) offsets(%dma_start3A_61 : memref<64xi32, #tpu.memory_space<vmem>>) semaphore(%dma_start3A_66 : memref<!tpu.dma_semaphore, #tpu.memory_space<semaphore_mem>>)
    %scan3A = arith.constant 0 : i32
    %scan3A_67 = arith.constant 0 : i32
    %scan3A_68 = arith.constant 160 : i32
    %scan3A_69 = arith.addi %scan3A_67, %scan3A_68 : i32
    %scan3A_70 = arith.constant 1 : i32
    scf.for %scan3A_162 = %scan3A_67 to %scan3A_69 step %scan3A_70  : i32 {
      %div3A = arith.constant 16 : i32
      %div3A_163 = arith.divsi %scan3A_162, %div3A : i32
      %rem3A = arith.constant 16 : i32
      %rem3A_164 = arith.remsi %scan3A_162, %rem3A : i32
      %rem3A_165 = arith.constant 2 : i32
      %rem3A_166 = arith.remsi %div3A_163, %rem3A_165 : i32
      %rem3A_167 = arith.constant 5 : i32
      %rem3A_168 = arith.remsi %scan3A_162, %rem3A_167 : i32
      %dma_wait3A_169 = arith.constant 0 : i32
      %dma_wait3A_170 = arith.constant 0 : i32
      %dma_wait3A_171 = tpu.memref_slice %arg9[%rem3A_168, %dma_wait3A_169, %dma_wait3A_170] : memref<5x64x128xf32, #tpu.memory_space<vmem>> -> memref<1x64x128xf32, #tpu.memory_space<vmem>>
      %dma_wait3A_172 = tpu.memref_squeeze %dma_wait3A_171 : memref<1x64x128xf32, #tpu.memory_space<vmem>> -> memref<64x128xf32, #tpu.memory_space<vmem>>
      %dma_wait3A_173 = arith.constant 0 : i32
      %dma_wait3A_174 = arith.constant 0 : i32
      %dma_wait3A_175 = tpu.memref_slice %arg2[%dma_wait3A_173, %dma_wait3A_174] : memref<10240x128xf32, #tpu.memory_space<hbm>> -> memref<64x128xf32, #tpu.memory_space<hbm>>
      %dma_wait3A_176 = tpu.memref_slice %arg11[%rem3A_168] : memref<5x!tpu.dma_semaphore, #tpu.memory_space<semaphore_mem>> -> memref<1x!tpu.dma_semaphore, #tpu.memory_space<semaphore_mem>>
      %dma_wait3A_177 = tpu.memref_squeeze %dma_wait3A_176 : memref<1x!tpu.dma_semaphore, #tpu.memory_space<semaphore_mem>> -> memref<!tpu.dma_semaphore, #tpu.memory_space<semaphore_mem>>
      %dma_wait3A_178 = arith.constant 0 : i32
      %dma_wait3A_179 = arith.constant 0 : i32
      %dma_wait3A_180 = tpu.memref_slice %arg9[%rem3A_168, %dma_wait3A_178, %dma_wait3A_179] : memref<5x64x128xf32, #tpu.memory_space<vmem>> -> memref<1x64x128xf32, #tpu.memory_space<vmem>>
      %dma_wait3A_181 = tpu.memref_squeeze %dma_wait3A_180 : memref<1x64x128xf32, #tpu.memory_space<vmem>> -> memref<64x128xf32, #tpu.memory_space<vmem>>
      %dma_wait3A_182 = arith.constant 0 : i32
      %dma_wait3A_183 = arith.constant 0 : i32
      %dma_wait3A_184 = tpu.memref_slice %arg2[%dma_wait3A_182, %dma_wait3A_183] : memref<10240x128xf32, #tpu.memory_space<hbm>> -> memref<64x128xf32, #tpu.memory_space<hbm>>
      tpu.wait_dma2 semaphore(%dma_wait3A_177 : memref<!tpu.dma_semaphore, #tpu.memory_space<semaphore_mem>>) src(%dma_wait3A_184 : memref<64x128xf32, #tpu.memory_space<hbm>>) dst(%dma_wait3A_181 : memref<64x128xf32, #tpu.memory_space<vmem>>)
      %dma_start3A_185 = arith.constant 0 : i32
      %dma_start3A_186 = arith.constant 0 : i32
      %dma_start3A_187 = tpu.memref_slice %arg9[%rem3A_168, %dma_start3A_185, %dma_start3A_186] : memref<5x64x128xf32, #tpu.memory_space<vmem>> -> memref<1x64x128xf32, #tpu.memory_space<vmem>>
      %dma_start3A_188 = tpu.memref_squeeze %dma_start3A_187 : memref<1x64x128xf32, #tpu.memory_space<vmem>> -> memref<64x128xf32, #tpu.memory_space<vmem>>
      %dma_start3A_189 = arith.constant 0 : i32
      %dma_start3A_190 = tpu.memref_slice %arg8[%rem3A_166, %rem3A_164, %dma_start3A_189] : memref<2x16x64xi32, #tpu.memory_space<vmem>> -> memref<1x1x64xi32, #tpu.memory_space<vmem>>
      %dma_start3A_191 = tpu.memref_squeeze %dma_start3A_190 : memref<1x1x64xi32, #tpu.memory_space<vmem>> -> memref<64xi32, #tpu.memory_space<vmem>>
      %dma_start3A_192 = arith.constant 0 : i32
      %dma_start3A_193 = arith.constant 0 : i32
      %dma_start3A_194 = tpu.memref_slice %arg10[%dma_start3A_192, %dma_start3A_193] : memref<10240x128xf32, #tpu.memory_space<vmem_shared>> -> memref<10240x128xf32, #tpu.memory_space<vmem_shared>>
      %dma_start3A_195 = tpu.memref_slice %arg12[%rem3A_168] : memref<5x!tpu.dma_semaphore, #tpu.memory_space<semaphore_mem>> -> memref<1x!tpu.dma_semaphore, #tpu.memory_space<semaphore_mem>>
      %dma_start3A_196 = tpu.memref_squeeze %dma_start3A_195 : memref<1x!tpu.dma_semaphore, #tpu.memory_space<semaphore_mem>> -> memref<!tpu.dma_semaphore, #tpu.memory_space<semaphore_mem>>
      tpu.enqueue_indirect_dma source(%dma_start3A_188 : memref<64x128xf32, #tpu.memory_space<vmem>>) target(%dma_start3A_194 : memref<10240x128xf32, #tpu.memory_space<vmem_shared>>) offsets(%dma_start3A_191 : memref<64xi32, #tpu.memory_space<vmem>>) semaphore(%dma_start3A_196 : memref<!tpu.dma_semaphore, #tpu.memory_space<semaphore_mem>>) {add = true}
      %eq3A = arith.constant 2 : i32
      %eq3A_197 = arith.cmpi eq, %rem3A_164, %eq3A : i32
      %add3A_198 = arith.constant 1 : i32
      %add3A_199 = arith.addi %div3A_163, %add3A_198 : i32
      %lt3A = arith.constant 10 : i32
      %lt3A_200 = arith.cmpi slt, %add3A_199, %lt3A : i32
      %and3A = arith.andi %eq3A_197, %lt3A_200 : i1
      %convert_element_type3A = arith.extui %and3A : i1 to i32
      %cond3A = arith.constant 0 : i32
      %cond3A_201 = arith.cmpi ne, %convert_element_type3A, %cond3A : i32
      scf.if %cond3A_201 {
        %sub3A = arith.constant 1 : i32
        %sub3A_209 = arith.subi %sub3A, %rem3A_166 : i32
        %add3A_210 = arith.constant 1 : i32
        %add3A_211 = arith.addi %div3A_163, %add3A_210 : i32
        %mul3A_212 = arith.constant 16 : i32
        %mul3A_213 = arith.muli %add3A_211, %mul3A_212 : i32
        %dma_start3A_214 = arith.constant 0 : i32
        %dma_start3A_215 = arith.constant 0 : i32
        %dma_start3A_216 = tpu.memref_slice %arg7[%sub3A_209, %dma_start3A_214, %dma_start3A_215] : memref<2x16x64xi32, #tpu.memory_space<vmem>> -> memref<1x16x64xi32, #tpu.memory_space<vmem>>
        %dma_start3A_217 = tpu.memref_squeeze %dma_start3A_216 : memref<1x16x64xi32, #tpu.memory_space<vmem>> -> memref<16x64xi32, #tpu.memory_space<vmem>>
        %dma_start3A_218 = arith.constant 0 : i32
        %dma_start3A_219 = tpu.memref_slice %arg3[%add3A, %mul3A_213, %dma_start3A_218] : memref<32x160x64xi32, #tpu.memory_space<hbm>> -> memref<1x16x64xi32, #tpu.memory_space<hbm>>
        %dma_start3A_220 = tpu.memref_squeeze %dma_start3A_219 : memref<1x16x64xi32, #tpu.memory_space<hbm>> -> memref<16x64xi32, #tpu.memory_space<hbm>>
        %dma_start3A_221 = tpu.memref_slice %arg13[%sub3A_209] : memref<2x!tpu.dma_semaphore, #tpu.memory_space<semaphore_mem>> -> memref<1x!tpu.dma_semaphore, #tpu.memory_space<semaphore_mem>>
        %dma_start3A_222 = tpu.memref_squeeze %dma_start3A_221 : memref<1x!tpu.dma_semaphore, #tpu.memory_space<semaphore_mem>> -> memref<!tpu.dma_semaphore, #tpu.memory_space<semaphore_mem>>
        %dma_start3A_223 = arith.constant 0 : i32
        %dma_start3A_224 = arith.constant 0 : i32
        %dma_start3A_225 = tpu.memref_slice %arg7[%sub3A_209, %dma_start3A_223, %dma_start3A_224] : memref<2x16x64xi32, #tpu.memory_space<vmem>> -> memref<1x16x64xi32, #tpu.memory_space<vmem>>
        %dma_start3A_226 = tpu.memref_squeeze %dma_start3A_225 : memref<1x16x64xi32, #tpu.memory_space<vmem>> -> memref<16x64xi32, #tpu.memory_space<vmem>>
        %dma_start3A_227 = arith.constant 0 : i32
        %dma_start3A_228 = tpu.memref_slice %arg3[%add3A, %mul3A_213, %dma_start3A_227] : memref<32x160x64xi32, #tpu.memory_space<hbm>> -> memref<1x16x64xi32, #tpu.memory_space<hbm>>
        %dma_start3A_229 = tpu.memref_squeeze %dma_start3A_228 : memref<1x16x64xi32, #tpu.memory_space<hbm>> -> memref<16x64xi32, #tpu.memory_space<hbm>>
        tpu.enqueue_dma source(%dma_start3A_229 : memref<16x64xi32, #tpu.memory_space<hbm>>) target(%dma_start3A_226 : memref<16x64xi32, #tpu.memory_space<vmem>>) target_semaphore(%dma_start3A_222 : memref<!tpu.dma_semaphore, #tpu.memory_space<semaphore_mem>>)
        %add3A_230 = arith.constant 1 : i32
        %add3A_231 = arith.addi %div3A_163, %add3A_230 : i32
        %mul3A_232 = arith.constant 16 : i32
        %mul3A_233 = arith.muli %add3A_231, %mul3A_232 : i32
        %dma_start3A_234 = arith.constant 0 : i32
        %dma_start3A_235 = arith.constant 0 : i32
        %dma_start3A_236 = tpu.memref_slice %arg8[%sub3A_209, %dma_start3A_234, %dma_start3A_235] : memref<2x16x64xi32, #tpu.memory_space<vmem>> -> memref<1x16x64xi32, #tpu.memory_space<vmem>>
        %dma_start3A_237 = tpu.memref_squeeze %dma_start3A_236 : memref<1x16x64xi32, #tpu.memory_space<vmem>> -> memref<16x64xi32, #tpu.memory_space<vmem>>
        %dma_start3A_238 = arith.constant 0 : i32
        %dma_start3A_239 = tpu.memref_slice %arg4[%add3A, %mul3A_233, %dma_start3A_238] : memref<32x160x64xi32, #tpu.memory_space<hbm>> -> memref<1x16x64xi32, #tpu.memory_space<hbm>>
        %dma_start3A_240 = tpu.memref_squeeze %dma_start3A_239 : memref<1x16x64xi32, #tpu.memory_space<hbm>> -> memref<16x64xi32, #tpu.memory_space<hbm>>
        %dma_start3A_241 = tpu.memref_slice %arg13[%sub3A_209] : memref<2x!tpu.dma_semaphore, #tpu.memory_space<semaphore_mem>> -> memref<1x!tpu.dma_semaphore, #tpu.memory_space<semaphore_mem>>
        %dma_start3A_242 = tpu.memref_squeeze %dma_start3A_241 : memref<1x!tpu.dma_semaphore, #tpu.memory_space<semaphore_mem>> -> memref<!tpu.dma_semaphore, #tpu.memory_space<semaphore_mem>>
        %dma_start3A_243 = arith.constant 0 : i32
        %dma_start3A_244 = arith.constant 0 : i32
        %dma_start3A_245 = tpu.memref_slice %arg8[%sub3A_209, %dma_start3A_243, %dma_start3A_244] : memref<2x16x64xi32, #tpu.memory_space<vmem>> -> memref<1x16x64xi32, #tpu.memory_space<vmem>>
        %dma_start3A_246 = tpu.memref_squeeze %dma_start3A_245 : memref<1x16x64xi32, #tpu.memory_space<vmem>> -> memref<16x64xi32, #tpu.memory_space<vmem>>
        %dma_start3A_247 = arith.constant 0 : i32
        %dma_start3A_248 = tpu.memref_slice %arg4[%add3A, %mul3A_233, %dma_start3A_247] : memref<32x160x64xi32, #tpu.memory_space<hbm>> -> memref<1x16x64xi32, #tpu.memory_space<hbm>>
        %dma_start3A_249 = tpu.memref_squeeze %dma_start3A_248 : memref<1x16x64xi32, #tpu.memory_space<hbm>> -> memref<16x64xi32, #tpu.memory_space<hbm>>
        tpu.enqueue_dma source(%dma_start3A_249 : memref<16x64xi32, #tpu.memory_space<hbm>>) target(%dma_start3A_246 : memref<16x64xi32, #tpu.memory_space<vmem>>) target_semaphore(%dma_start3A_242 : memref<!tpu.dma_semaphore, #tpu.memory_space<semaphore_mem>>)
      } else {
      }
      %add3A_202 = arith.constant 4 : i32
      %add3A_203 = arith.addi %scan3A_162, %add3A_202 : i32
      %lt3A_204 = arith.constant 160 : i32
      %lt3A_205 = arith.cmpi slt, %add3A_203, %lt3A_204 : i32
      %convert_element_type3A_206 = arith.extui %lt3A_205 : i1 to i32
      %cond3A_207 = arith.constant 0 : i32
      %cond3A_208 = arith.cmpi ne, %convert_element_type3A_206, %cond3A_207 : i32
      scf.if %cond3A_208 {
        %add3A_209 = arith.constant 4 : i32
        %add3A_210 = arith.addi %scan3A_162, %add3A_209 : i32
        %rem3A_211 = arith.constant 5 : i32
        %rem3A_212 = arith.remsi %add3A_210, %rem3A_211 : i32
        %ge3A = arith.constant 1 : i32
        %ge3A_213 = arith.cmpi sge, %scan3A_162, %ge3A : i32
        %convert_element_type3A_214 = arith.extui %ge3A_213 : i1 to i32
        %cond3A_215 = arith.constant 0 : i32
        %cond3A_216 = arith.cmpi ne, %convert_element_type3A_214, %cond3A_215 : i32
        scf.if %cond3A_216 {
          %dma_wait3A_244 = arith.constant 0 : i32
          %dma_wait3A_245 = arith.constant 0 : i32
          %dma_wait3A_246 = tpu.memref_slice %arg9[%rem3A_212, %dma_wait3A_244, %dma_wait3A_245] : memref<5x64x128xf32, #tpu.memory_space<vmem>> -> memref<1x64x128xf32, #tpu.memory_space<vmem>>
          %dma_wait3A_247 = tpu.memref_squeeze %dma_wait3A_246 : memref<1x64x128xf32, #tpu.memory_space<vmem>> -> memref<64x128xf32, #tpu.memory_space<vmem>>
          %dma_wait3A_248 = arith.constant 0 : i32
          %dma_wait3A_249 = arith.constant 0 : i32
          %dma_wait3A_250 = tpu.memref_slice %arg2[%dma_wait3A_248, %dma_wait3A_249] : memref<10240x128xf32, #tpu.memory_space<hbm>> -> memref<64x128xf32, #tpu.memory_space<hbm>>
          %dma_wait3A_251 = tpu.memref_slice %arg12[%rem3A_212] : memref<5x!tpu.dma_semaphore, #tpu.memory_space<semaphore_mem>> -> memref<1x!tpu.dma_semaphore, #tpu.memory_space<semaphore_mem>>
          %dma_wait3A_252 = tpu.memref_squeeze %dma_wait3A_251 : memref<1x!tpu.dma_semaphore, #tpu.memory_space<semaphore_mem>> -> memref<!tpu.dma_semaphore, #tpu.memory_space<semaphore_mem>>
          %dma_wait3A_253 = arith.constant 0 : i32
          %dma_wait3A_254 = arith.constant 0 : i32
          %dma_wait3A_255 = tpu.memref_slice %arg9[%rem3A_212, %dma_wait3A_253, %dma_wait3A_254] : memref<5x64x128xf32, #tpu.memory_space<vmem>> -> memref<1x64x128xf32, #tpu.memory_space<vmem>>
          %dma_wait3A_256 = tpu.memref_squeeze %dma_wait3A_255 : memref<1x64x128xf32, #tpu.memory_space<vmem>> -> memref<64x128xf32, #tpu.memory_space<vmem>>
          %dma_wait3A_257 = arith.constant 0 : i32
          %dma_wait3A_258 = arith.constant 0 : i32
          %dma_wait3A_259 = tpu.memref_slice %arg2[%dma_wait3A_257, %dma_wait3A_258] : memref<10240x128xf32, #tpu.memory_space<hbm>> -> memref<64x128xf32, #tpu.memory_space<hbm>>
          tpu.wait_dma2 semaphore(%dma_wait3A_252 : memref<!tpu.dma_semaphore, #tpu.memory_space<semaphore_mem>>) src(%dma_wait3A_259 : memref<64x128xf32, #tpu.memory_space<hbm>>) dst(%dma_wait3A_256 : memref<64x128xf32, #tpu.memory_space<vmem>>)
        } else {
        }
        %add3A_217 = arith.constant 4 : i32
        %add3A_218 = arith.addi %scan3A_162, %add3A_217 : i32
        %div3A_219 = arith.constant 16 : i32
        %div3A_220 = arith.divsi %add3A_218, %div3A_219 : i32
        %add3A_221 = arith.constant 4 : i32
        %add3A_222 = arith.addi %scan3A_162, %add3A_221 : i32
        %rem3A_223 = arith.constant 16 : i32
        %rem3A_224 = arith.remsi %add3A_222, %rem3A_223 : i32
        %rem3A_225 = arith.constant 2 : i32
        %rem3A_226 = arith.remsi %div3A_220, %rem3A_225 : i32
        %eq3A_227 = arith.constant 0 : i32
        %eq3A_228 = arith.cmpi eq, %rem3A_224, %eq3A_227 : i32
        %convert_element_type3A_229 = arith.extui %eq3A_228 : i1 to i32
        %cond3A_230 = arith.constant 0 : i32
        %cond3A_231 = arith.cmpi ne, %convert_element_type3A_229, %cond3A_230 : i32
        scf.if %cond3A_231 {
          %dma_wait3A_244 = arith.constant 0 : i32
          %dma_wait3A_245 = arith.constant 0 : i32
          %dma_wait3A_246 = tpu.memref_slice %arg7[%rem3A_226, %dma_wait3A_244, %dma_wait3A_245] : memref<2x16x64xi32, #tpu.memory_space<vmem>> -> memref<1x16x64xi32, #tpu.memory_space<vmem>>
          %dma_wait3A_247 = tpu.memref_squeeze %dma_wait3A_246 : memref<1x16x64xi32, #tpu.memory_space<vmem>> -> memref<16x64xi32, #tpu.memory_space<vmem>>
          %dma_wait3A_248 = arith.constant 0 : i32
          %dma_wait3A_249 = arith.constant 0 : i32
          %dma_wait3A_250 = tpu.memref_slice %arg3[%add3A, %dma_wait3A_248, %dma_wait3A_249] : memref<32x160x64xi32, #tpu.memory_space<hbm>> -> memref<1x16x64xi32, #tpu.memory_space<hbm>>
          %dma_wait3A_251 = tpu.memref_squeeze %dma_wait3A_250 : memref<1x16x64xi32, #tpu.memory_space<hbm>> -> memref<16x64xi32, #tpu.memory_space<hbm>>
          %dma_wait3A_252 = tpu.memref_slice %arg13[%rem3A_226] : memref<2x!tpu.dma_semaphore, #tpu.memory_space<semaphore_mem>> -> memref<1x!tpu.dma_semaphore, #tpu.memory_space<semaphore_mem>>
          %dma_wait3A_253 = tpu.memref_squeeze %dma_wait3A_252 : memref<1x!tpu.dma_semaphore, #tpu.memory_space<semaphore_mem>> -> memref<!tpu.dma_semaphore, #tpu.memory_space<semaphore_mem>>
          %dma_wait3A_254 = arith.constant 0 : i32
          %dma_wait3A_255 = arith.constant 0 : i32
          %dma_wait3A_256 = tpu.memref_slice %arg7[%rem3A_226, %dma_wait3A_254, %dma_wait3A_255] : memref<2x16x64xi32, #tpu.memory_space<vmem>> -> memref<1x16x64xi32, #tpu.memory_space<vmem>>
          %dma_wait3A_257 = tpu.memref_squeeze %dma_wait3A_256 : memref<1x16x64xi32, #tpu.memory_space<vmem>> -> memref<16x64xi32, #tpu.memory_space<vmem>>
          %dma_wait3A_258 = arith.constant 0 : i32
          %dma_wait3A_259 = arith.constant 0 : i32
          %dma_wait3A_260 = tpu.memref_slice %arg3[%add3A, %dma_wait3A_258, %dma_wait3A_259] : memref<32x160x64xi32, #tpu.memory_space<hbm>> -> memref<1x16x64xi32, #tpu.memory_space<hbm>>
          %dma_wait3A_261 = tpu.memref_squeeze %dma_wait3A_260 : memref<1x16x64xi32, #tpu.memory_space<hbm>> -> memref<16x64xi32, #tpu.memory_space<hbm>>
          tpu.wait_dma2 semaphore(%dma_wait3A_253 : memref<!tpu.dma_semaphore, #tpu.memory_space<semaphore_mem>>) src(%dma_wait3A_261 : memref<16x64xi32, #tpu.memory_space<hbm>>) dst(%dma_wait3A_257 : memref<16x64xi32, #tpu.memory_space<vmem>>)
          %dma_wait3A_262 = arith.constant 0 : i32
          %dma_wait3A_263 = arith.constant 0 : i32
          %dma_wait3A_264 = tpu.memref_slice %arg8[%rem3A_226, %dma_wait3A_262, %dma_wait3A_263] : memref<2x16x64xi32, #tpu.memory_space<vmem>> -> memref<1x16x64xi32, #tpu.memory_space<vmem>>
          %dma_wait3A_265 = tpu.memref_squeeze %dma_wait3A_264 : memref<1x16x64xi32, #tpu.memory_space<vmem>> -> memref<16x64xi32, #tpu.memory_space<vmem>>
          %dma_wait3A_266 = arith.constant 0 : i32
          %dma_wait3A_267 = arith.constant 0 : i32
          %dma_wait3A_268 = tpu.memref_slice %arg4[%add3A, %dma_wait3A_266, %dma_wait3A_267] : memref<32x160x64xi32, #tpu.memory_space<hbm>> -> memref<1x16x64xi32, #tpu.memory_space<hbm>>
          %dma_wait3A_269 = tpu.memref_squeeze %dma_wait3A_268 : memref<1x16x64xi32, #tpu.memory_space<hbm>> -> memref<16x64xi32, #tpu.memory_space<hbm>>
          %dma_wait3A_270 = tpu.memref_slice %arg13[%rem3A_226] : memref<2x!tpu.dma_semaphore, #tpu.memory_space<semaphore_mem>> -> memref<1x!tpu.dma_semaphore, #tpu.memory_space<semaphore_mem>>
          %dma_wait3A_271 = tpu.memref_squeeze %dma_wait3A_270 : memref<1x!tpu.dma_semaphore, #tpu.memory_space<semaphore_mem>> -> memref<!tpu.dma_semaphore, #tpu.memory_space<semaphore_mem>>
          %dma_wait3A_272 = arith.constant 0 : i32
          %dma_wait3A_273 = arith.constant 0 : i32
          %dma_wait3A_274 = tpu.memref_slice %arg8[%rem3A_226, %dma_wait3A_272, %dma_wait3A_273] : memref<2x16x64xi32, #tpu.memory_space<vmem>> -> memref<1x16x64xi32, #tpu.memory_space<vmem>>
          %dma_wait3A_275 = tpu.memref_squeeze %dma_wait3A_274 : memref<1x16x64xi32, #tpu.memory_space<vmem>> -> memref<16x64xi32, #tpu.memory_space<vmem>>
          %dma_wait3A_276 = arith.constant 0 : i32
          %dma_wait3A_277 = arith.constant 0 : i32
          %dma_wait3A_278 = tpu.memref_slice %arg4[%add3A, %dma_wait3A_276, %dma_wait3A_277] : memref<32x160x64xi32, #tpu.memory_space<hbm>> -> memref<1x16x64xi32, #tpu.memory_space<hbm>>
          %dma_wait3A_279 = tpu.memref_squeeze %dma_wait3A_278 : memref<1x16x64xi32, #tpu.memory_space<hbm>> -> memref<16x64xi32, #tpu.memory_space<hbm>>
          tpu.wait_dma2 semaphore(%dma_wait3A_271 : memref<!tpu.dma_semaphore, #tpu.memory_space<semaphore_mem>>) src(%dma_wait3A_279 : memref<16x64xi32, #tpu.memory_space<hbm>>) dst(%dma_wait3A_275 : memref<16x64xi32, #tpu.memory_space<vmem>>)
        } else {
        }
        %dma_start3A_232 = arith.constant 0 : i32
        %dma_start3A_233 = arith.constant 0 : i32
        %dma_start3A_234 = tpu.memref_slice %arg9[%rem3A_212, %dma_start3A_232, %dma_start3A_233] : memref<5x64x128xf32, #tpu.memory_space<vmem>> -> memref<1x64x128xf32, #tpu.memory_space<vmem>>
        %dma_start3A_235 = tpu.memref_squeeze %dma_start3A_234 : memref<1x64x128xf32, #tpu.memory_space<vmem>> -> memref<64x128xf32, #tpu.memory_space<vmem>>
        %dma_start3A_236 = arith.constant 0 : i32
        %dma_start3A_237 = tpu.memref_slice %arg7[%rem3A_226, %rem3A_224, %dma_start3A_236] : memref<2x16x64xi32, #tpu.memory_space<vmem>> -> memref<1x1x64xi32, #tpu.memory_space<vmem>>
        %dma_start3A_238 = tpu.memref_squeeze %dma_start3A_237 : memref<1x1x64xi32, #tpu.memory_space<vmem>> -> memref<64xi32, #tpu.memory_space<vmem>>
        %dma_start3A_239 = arith.constant 0 : i32
        %dma_start3A_240 = arith.constant 0 : i32
        %dma_start3A_241 = tpu.memref_slice %arg2[%dma_start3A_239, %dma_start3A_240] : memref<10240x128xf32, #tpu.memory_space<hbm>> -> memref<10240x128xf32, #tpu.memory_space<hbm>>
        %dma_start3A_242 = tpu.memref_slice %arg11[%rem3A_212] : memref<5x!tpu.dma_semaphore, #tpu.memory_space<semaphore_mem>> -> memref<1x!tpu.dma_semaphore, #tpu.memory_space<semaphore_mem>>
        %dma_start3A_243 = tpu.memref_squeeze %dma_start3A_242 : memref<1x!tpu.dma_semaphore, #tpu.memory_space<semaphore_mem>> -> memref<!tpu.dma_semaphore, #tpu.memory_space<semaphore_mem>>
        tpu.enqueue_indirect_dma source(%dma_start3A_241 : memref<10240x128xf32, #tpu.memory_space<hbm>>) target(%dma_start3A_235 : memref<64x128xf32, #tpu.memory_space<vmem>>) offsets(%dma_start3A_238 : memref<64xi32, #tpu.memory_space<vmem>>) semaphore(%dma_start3A_243 : memref<!tpu.dma_semaphore, #tpu.memory_space<semaphore_mem>>)
      } else {
      }
    }
    %scan3A_71 = arith.constant 160 : i32
    %dma_wait3A = arith.constant 0 : i32
    %dma_wait3A_72 = arith.constant 0 : i32
    %dma_wait3A_73 = arith.constant 0 : i32
    %dma_wait3A_74 = arith.constant 0 : i32
    %dma_wait3A_75 = tpu.memref_slice %arg9[%dma_wait3A, %dma_wait3A_73, %dma_wait3A_74] : memref<5x64x128xf32, #tpu.memory_space<vmem>> -> memref<1x64x128xf32, #tpu.memory_space<vmem>>
    %dma_wait3A_76 = tpu.memref_squeeze %dma_wait3A_75 : memref<1x64x128xf32, #tpu.memory_space<vmem>> -> memref<64x128xf32, #tpu.memory_space<vmem>>
    %dma_wait3A_77 = arith.constant 0 : i32
    %dma_wait3A_78 = arith.constant 0 : i32
    %dma_wait3A_79 = tpu.memref_slice %arg2[%dma_wait3A_77, %dma_wait3A_78] : memref<10240x128xf32, #tpu.memory_space<hbm>> -> memref<64x128xf32, #tpu.memory_space<hbm>>
    %dma_wait3A_80 = tpu.memref_slice %arg12[%dma_wait3A_72] : memref<5x!tpu.dma_semaphore, #tpu.memory_space<semaphore_mem>> -> memref<1x!tpu.dma_semaphore, #tpu.memory_space<semaphore_mem>>
    %dma_wait3A_81 = tpu.memref_squeeze %dma_wait3A_80 : memref<1x!tpu.dma_semaphore, #tpu.memory_space<semaphore_mem>> -> memref<!tpu.dma_semaphore, #tpu.memory_space<semaphore_mem>>
    %dma_wait3A_82 = arith.constant 0 : i32
    %dma_wait3A_83 = arith.constant 0 : i32
    %dma_wait3A_84 = tpu.memref_slice %arg9[%dma_wait3A, %dma_wait3A_82, %dma_wait3A_83] : memref<5x64x128xf32, #tpu.memory_space<vmem>> -> memref<1x64x128xf32, #tpu.memory_space<vmem>>
    %dma_wait3A_85 = tpu.memref_squeeze %dma_wait3A_84 : memref<1x64x128xf32, #tpu.memory_space<vmem>> -> memref<64x128xf32, #tpu.memory_space<vmem>>
    %dma_wait3A_86 = arith.constant 0 : i32
    %dma_wait3A_87 = arith.constant 0 : i32
    %dma_wait3A_88 = tpu.memref_slice %arg2[%dma_wait3A_86, %dma_wait3A_87] : memref<10240x128xf32, #tpu.memory_space<hbm>> -> memref<64x128xf32, #tpu.memory_space<hbm>>
    tpu.wait_dma2 semaphore(%dma_wait3A_81 : memref<!tpu.dma_semaphore, #tpu.memory_space<semaphore_mem>>) src(%dma_wait3A_88 : memref<64x128xf32, #tpu.memory_space<hbm>>) dst(%dma_wait3A_85 : memref<64x128xf32, #tpu.memory_space<vmem>>)
    %dma_wait3A_89 = arith.constant 1 : i32
    %dma_wait3A_90 = arith.constant 1 : i32
    %dma_wait3A_91 = arith.constant 0 : i32
    %dma_wait3A_92 = arith.constant 0 : i32
    %dma_wait3A_93 = tpu.memref_slice %arg9[%dma_wait3A_89, %dma_wait3A_91, %dma_wait3A_92] : memref<5x64x128xf32, #tpu.memory_space<vmem>> -> memref<1x64x128xf32, #tpu.memory_space<vmem>>
    %dma_wait3A_94 = tpu.memref_squeeze %dma_wait3A_93 : memref<1x64x128xf32, #tpu.memory_space<vmem>> -> memref<64x128xf32, #tpu.memory_space<vmem>>
    %dma_wait3A_95 = arith.constant 0 : i32
    %dma_wait3A_96 = arith.constant 0 : i32
    %dma_wait3A_97 = tpu.memref_slice %arg2[%dma_wait3A_95, %dma_wait3A_96] : memref<10240x128xf32, #tpu.memory_space<hbm>> -> memref<64x128xf32, #tpu.memory_space<hbm>>
    %dma_wait3A_98 = tpu.memref_slice %arg12[%dma_wait3A_90] : memref<5x!tpu.dma_semaphore, #tpu.memory_space<semaphore_mem>> -> memref<1x!tpu.dma_semaphore, #tpu.memory_space<semaphore_mem>>
    %dma_wait3A_99 = tpu.memref_squeeze %dma_wait3A_98 : memref<1x!tpu.dma_semaphore, #tpu.memory_space<semaphore_mem>> -> memref<!tpu.dma_semaphore, #tpu.memory_space<semaphore_mem>>
    %dma_wait3A_100 = arith.constant 0 : i32
    %dma_wait3A_101 = arith.constant 0 : i32
    %dma_wait3A_102 = tpu.memref_slice %arg9[%dma_wait3A_89, %dma_wait3A_100, %dma_wait3A_101] : memref<5x64x128xf32, #tpu.memory_space<vmem>> -> memref<1x64x128xf32, #tpu.memory_space<vmem>>
    %dma_wait3A_103 = tpu.memref_squeeze %dma_wait3A_102 : memref<1x64x128xf32, #tpu.memory_space<vmem>> -> memref<64x128xf32, #tpu.memory_space<vmem>>
    %dma_wait3A_104 = arith.constant 0 : i32
    %dma_wait3A_105 = arith.constant 0 : i32
    %dma_wait3A_106 = tpu.memref_slice %arg2[%dma_wait3A_104, %dma_wait3A_105] : memref<10240x128xf32, #tpu.memory_space<hbm>> -> memref<64x128xf32, #tpu.memory_space<hbm>>
    tpu.wait_dma2 semaphore(%dma_wait3A_99 : memref<!tpu.dma_semaphore, #tpu.memory_space<semaphore_mem>>) src(%dma_wait3A_106 : memref<64x128xf32, #tpu.memory_space<hbm>>) dst(%dma_wait3A_103 : memref<64x128xf32, #tpu.memory_space<vmem>>)
    %dma_wait3A_107 = arith.constant 2 : i32
    %dma_wait3A_108 = arith.constant 2 : i32
    %dma_wait3A_109 = arith.constant 0 : i32
    %dma_wait3A_110 = arith.constant 0 : i32
    %dma_wait3A_111 = tpu.memref_slice %arg9[%dma_wait3A_107, %dma_wait3A_109, %dma_wait3A_110] : memref<5x64x128xf32, #tpu.memory_space<vmem>> -> memref<1x64x128xf32, #tpu.memory_space<vmem>>
    %dma_wait3A_112 = tpu.memref_squeeze %dma_wait3A_111 : memref<1x64x128xf32, #tpu.memory_space<vmem>> -> memref<64x128xf32, #tpu.memory_space<vmem>>
    %dma_wait3A_113 = arith.constant 0 : i32
    %dma_wait3A_114 = arith.constant 0 : i32
    %dma_wait3A_115 = tpu.memref_slice %arg2[%dma_wait3A_113, %dma_wait3A_114] : memref<10240x128xf32, #tpu.memory_space<hbm>> -> memref<64x128xf32, #tpu.memory_space<hbm>>
    %dma_wait3A_116 = tpu.memref_slice %arg12[%dma_wait3A_108] : memref<5x!tpu.dma_semaphore, #tpu.memory_space<semaphore_mem>> -> memref<1x!tpu.dma_semaphore, #tpu.memory_space<semaphore_mem>>
    %dma_wait3A_117 = tpu.memref_squeeze %dma_wait3A_116 : memref<1x!tpu.dma_semaphore, #tpu.memory_space<semaphore_mem>> -> memref<!tpu.dma_semaphore, #tpu.memory_space<semaphore_mem>>
    %dma_wait3A_118 = arith.constant 0 : i32
    %dma_wait3A_119 = arith.constant 0 : i32
    %dma_wait3A_120 = tpu.memref_slice %arg9[%dma_wait3A_107, %dma_wait3A_118, %dma_wait3A_119] : memref<5x64x128xf32, #tpu.memory_space<vmem>> -> memref<1x64x128xf32, #tpu.memory_space<vmem>>
    %dma_wait3A_121 = tpu.memref_squeeze %dma_wait3A_120 : memref<1x64x128xf32, #tpu.memory_space<vmem>> -> memref<64x128xf32, #tpu.memory_space<vmem>>
    %dma_wait3A_122 = arith.constant 0 : i32
    %dma_wait3A_123 = arith.constant 0 : i32
    %dma_wait3A_124 = tpu.memref_slice %arg2[%dma_wait3A_122, %dma_wait3A_123] : memref<10240x128xf32, #tpu.memory_space<hbm>> -> memref<64x128xf32, #tpu.memory_space<hbm>>
    tpu.wait_dma2 semaphore(%dma_wait3A_117 : memref<!tpu.dma_semaphore, #tpu.memory_space<semaphore_mem>>) src(%dma_wait3A_124 : memref<64x128xf32, #tpu.memory_space<hbm>>) dst(%dma_wait3A_121 : memref<64x128xf32, #tpu.memory_space<vmem>>)
    %dma_wait3A_125 = arith.constant 3 : i32
    %dma_wait3A_126 = arith.constant 3 : i32
    %dma_wait3A_127 = arith.constant 0 : i32
    %dma_wait3A_128 = arith.constant 0 : i32
    %dma_wait3A_129 = tpu.memref_slice %arg9[%dma_wait3A_125, %dma_wait3A_127, %dma_wait3A_128] : memref<5x64x128xf32, #tpu.memory_space<vmem>> -> memref<1x64x128xf32, #tpu.memory_space<vmem>>
    %dma_wait3A_130 = tpu.memref_squeeze %dma_wait3A_129 : memref<1x64x128xf32, #tpu.memory_space<vmem>> -> memref<64x128xf32, #tpu.memory_space<vmem>>
    %dma_wait3A_131 = arith.constant 0 : i32
    %dma_wait3A_132 = arith.constant 0 : i32
    %dma_wait3A_133 = tpu.memref_slice %arg2[%dma_wait3A_131, %dma_wait3A_132] : memref<10240x128xf32, #tpu.memory_space<hbm>> -> memref<64x128xf32, #tpu.memory_space<hbm>>
    %dma_wait3A_134 = tpu.memref_slice %arg12[%dma_wait3A_126] : memref<5x!tpu.dma_semaphore, #tpu.memory_space<semaphore_mem>> -> memref<1x!tpu.dma_semaphore, #tpu.memory_space<semaphore_mem>>
    %dma_wait3A_135 = tpu.memref_squeeze %dma_wait3A_134 : memref<1x!tpu.dma_semaphore, #tpu.memory_space<semaphore_mem>> -> memref<!tpu.dma_semaphore, #tpu.memory_space<semaphore_mem>>
    %dma_wait3A_136 = arith.constant 0 : i32
    %dma_wait3A_137 = arith.constant 0 : i32
    %dma_wait3A_138 = tpu.memref_slice %arg9[%dma_wait3A_125, %dma_wait3A_136, %dma_wait3A_137] : memref<5x64x128xf32, #tpu.memory_space<vmem>> -> memref<1x64x128xf32, #tpu.memory_space<vmem>>
    %dma_wait3A_139 = tpu.memref_squeeze %dma_wait3A_138 : memref<1x64x128xf32, #tpu.memory_space<vmem>> -> memref<64x128xf32, #tpu.memory_space<vmem>>
    %dma_wait3A_140 = arith.constant 0 : i32
    %dma_wait3A_141 = arith.constant 0 : i32
    %dma_wait3A_142 = tpu.memref_slice %arg2[%dma_wait3A_140, %dma_wait3A_141] : memref<10240x128xf32, #tpu.memory_space<hbm>> -> memref<64x128xf32, #tpu.memory_space<hbm>>
    tpu.wait_dma2 semaphore(%dma_wait3A_135 : memref<!tpu.dma_semaphore, #tpu.memory_space<semaphore_mem>>) src(%dma_wait3A_142 : memref<64x128xf32, #tpu.memory_space<hbm>>) dst(%dma_wait3A_139 : memref<64x128xf32, #tpu.memory_space<vmem>>)
    %dma_wait3A_143 = arith.constant 4 : i32
    %dma_wait3A_144 = arith.constant 4 : i32
    %dma_wait3A_145 = arith.constant 0 : i32
    %dma_wait3A_146 = arith.constant 0 : i32
    %dma_wait3A_147 = tpu.memref_slice %arg9[%dma_wait3A_143, %dma_wait3A_145, %dma_wait3A_146] : memref<5x64x128xf32, #tpu.memory_space<vmem>> -> memref<1x64x128xf32, #tpu.memory_space<vmem>>
    %dma_wait3A_148 = tpu.memref_squeeze %dma_wait3A_147 : memref<1x64x128xf32, #tpu.memory_space<vmem>> -> memref<64x128xf32, #tpu.memory_space<vmem>>
    %dma_wait3A_149 = arith.constant 0 : i32
    %dma_wait3A_150 = arith.constant 0 : i32
    %dma_wait3A_151 = tpu.memref_slice %arg2[%dma_wait3A_149, %dma_wait3A_150] : memref<10240x128xf32, #tpu.memory_space<hbm>> -> memref<64x128xf32, #tpu.memory_space<hbm>>
    %dma_wait3A_152 = tpu.memref_slice %arg12[%dma_wait3A_144] : memref<5x!tpu.dma_semaphore, #tpu.memory_space<semaphore_mem>> -> memref<1x!tpu.dma_semaphore, #tpu.memory_space<semaphore_mem>>
    %dma_wait3A_153 = tpu.memref_squeeze %dma_wait3A_152 : memref<1x!tpu.dma_semaphore, #tpu.memory_space<semaphore_mem>> -> memref<!tpu.dma_semaphore, #tpu.memory_space<semaphore_mem>>
    %dma_wait3A_154 = arith.constant 0 : i32
    %dma_wait3A_155 = arith.constant 0 : i32
    %dma_wait3A_156 = tpu.memref_slice %arg9[%dma_wait3A_143, %dma_wait3A_154, %dma_wait3A_155] : memref<5x64x128xf32, #tpu.memory_space<vmem>> -> memref<1x64x128xf32, #tpu.memory_space<vmem>>
    %dma_wait3A_157 = tpu.memref_squeeze %dma_wait3A_156 : memref<1x64x128xf32, #tpu.memory_space<vmem>> -> memref<64x128xf32, #tpu.memory_space<vmem>>
    %dma_wait3A_158 = arith.constant 0 : i32
    %dma_wait3A_159 = arith.constant 0 : i32
    %dma_wait3A_160 = tpu.memref_slice %arg2[%dma_wait3A_158, %dma_wait3A_159] : memref<10240x128xf32, #tpu.memory_space<hbm>> -> memref<64x128xf32, #tpu.memory_space<hbm>>
    tpu.wait_dma2 semaphore(%dma_wait3A_153 : memref<!tpu.dma_semaphore, #tpu.memory_space<semaphore_mem>>) src(%dma_wait3A_160 : memref<64x128xf32, #tpu.memory_space<hbm>>) dst(%dma_wait3A_157 : memref<64x128xf32, #tpu.memory_space<vmem>>)
    %barrier3A_161 = arith.constant 0 : index
    tpu.barrier barrier_id(%barrier3A_161)
    "tpu.region"() ({
      %run_scoped3A_162 = tpu.sem_alloc : memref<!tpu.dma_semaphore, #tpu.memory_space<semaphore_mem>>
      %dma_start3A_163 = arith.constant 0 : i32
      %dma_start3A_164 = tpu.memref_slice %arg6[%arg0, %mul3A_2, %dma_start3A_163] : memref<2x10240x128xf32, #tpu.memory_space<hbm>> -> memref<1x640x128xf32, #tpu.memory_space<hbm>>
      %dma_start3A_165 = tpu.memref_squeeze %dma_start3A_164 : memref<1x640x128xf32, #tpu.memory_space<hbm>> -> memref<640x128xf32, #tpu.memory_space<hbm>>
      %dma_start3A_166 = arith.constant 0 : i32
      %dma_start3A_167 = tpu.memref_slice %arg10[%mul3A_2, %dma_start3A_166] : memref<10240x128xf32, #tpu.memory_space<vmem_shared>> -> memref<640x128xf32, #tpu.memory_space<vmem_shared>>
      tpu.enqueue_dma source(%dma_start3A_167 : memref<640x128xf32, #tpu.memory_space<vmem_shared>>) target(%dma_start3A_165 : memref<640x128xf32, #tpu.memory_space<hbm>>) target_semaphore(%run_scoped3A_162 : memref<!tpu.dma_semaphore, #tpu.memory_space<semaphore_mem>>)
      %dma_wait3A_168 = arith.constant 0 : i32
      %dma_wait3A_169 = tpu.memref_slice %arg6[%arg0, %mul3A_2, %dma_wait3A_168] : memref<2x10240x128xf32, #tpu.memory_space<hbm>> -> memref<1x640x128xf32, #tpu.memory_space<hbm>>
      %dma_wait3A_170 = tpu.memref_squeeze %dma_wait3A_169 : memref<1x640x128xf32, #tpu.memory_space<hbm>> -> memref<640x128xf32, #tpu.memory_space<hbm>>
      %dma_wait3A_171 = arith.constant 0 : i32
      %dma_wait3A_172 = tpu.memref_slice %arg10[%mul3A_2, %dma_wait3A_171] : memref<10240x128xf32, #tpu.memory_space<vmem_shared>> -> memref<640x128xf32, #tpu.memory_space<vmem_shared>>
      tpu.wait_dma2 semaphore(%run_scoped3A_162 : memref<!tpu.dma_semaphore, #tpu.memory_space<semaphore_mem>>) src(%dma_wait3A_172 : memref<640x128xf32, #tpu.memory_space<vmem_shared>>) dst(%dma_wait3A_170 : memref<640x128xf32, #tpu.memory_space<hbm>>)
      tpu.yield
    }) : () -> ()
    return
  }
}

#map = affine_map<(d0, d1) -> (0, 0)>
#map1 = affine_map<(d0, d1) -> (0, 0, 0)>
module attributes {stable_mosaic.version = 14 : i64} {
  func.func @segsum(%arg0: i32, %arg1: i32, %arg2: memref<10240x128xf32, #tpu.memory_space<hbm>>, %arg3: memref<32x160x64xi32, #tpu.memory_space<hbm>>, %arg4: memref<32x160x64xi32, #tpu.memory_space<hbm>>, %arg5: memref<640x128xf32, #tpu.memory_space<hbm>>, %arg6: memref<2x10240x128xf32, #tpu.memory_space<hbm>>, %arg7: memref<2x16x64xi32, #tpu.memory_space<vmem>>, %arg8: memref<2x16x64xi32, #tpu.memory_space<vmem>>, %arg9: memref<5x64x128xf32, #tpu.memory_space<vmem>>, %arg10: memref<10240x128xf32, #tpu.memory_space<vmem_shared>>, %arg11: memref<5x!tpu.dma_semaphore, #tpu.memory_space<semaphore_mem>>, %arg12: memref<5x!tpu.dma_semaphore, #tpu.memory_space<semaphore_mem>>, %arg13: memref<2x!tpu.dma_semaphore, #tpu.memory_space<semaphore_mem>>) attributes {dimension_semantics = [#tpu.dimension_semantics<core_parallel>, #tpu.dimension_semantics<subcore_parallel>], iteration_bounds = array<i64: 2, 16>, scalar_prefetch = 0 : i64, scratch_operands = 7 : i64, tpu.core_type = #tpu.core_type<sc_vector_subcore>, window_params = [{transform_indices = #map}, {transform_indices = #map1}, {transform_indices = #map1}, {transform_indices = #map}, {transform_indices = #map1}]} {
    %mul3A = arith.constant 2 : i32
    %mul3A_0 = arith.muli %arg1, %mul3A : i32
    %add3A = arith.addi %mul3A_0, %arg0 : i32
    %mul3A_1 = arith.constant 640 : i32
    %mul3A_2 = arith.muli %arg1, %mul3A_1 : i32
    "tpu.region"() ({
      %run_scoped3A_162 = tpu.sem_alloc : memref<!tpu.dma_semaphore, #tpu.memory_space<semaphore_mem>>
      %dma_start3A_163 = arith.constant 0 : i32
      %dma_start3A_164 = tpu.memref_slice %arg10[%mul3A_2, %dma_start3A_163] : memref<10240x128xf32, #tpu.memory_space<vmem_shared>> -> memref<640x128xf32, #tpu.memory_space<vmem_shared>>
      tpu.enqueue_dma source(%arg5 : memref<640x128xf32, #tpu.memory_space<hbm>>) target(%dma_start3A_164 : memref<640x128xf32, #tpu.memory_space<vmem_shared>>) target_semaphore(%run_scoped3A_162 : memref<!tpu.dma_semaphore, #tpu.memory_space<semaphore_mem>>)
      %dma_wait3A_165 = arith.constant 0 : i32
      %dma_wait3A_166 = tpu.memref_slice %arg10[%mul3A_2, %dma_wait3A_165] : memref<10240x128xf32, #tpu.memory_space<vmem_shared>> -> memref<640x128xf32, #tpu.memory_space<vmem_shared>>
      tpu.wait_dma2 semaphore(%run_scoped3A_162 : memref<!tpu.dma_semaphore, #tpu.memory_space<semaphore_mem>>) src(%arg5 : memref<640x128xf32, #tpu.memory_space<hbm>>) dst(%dma_wait3A_166 : memref<640x128xf32, #tpu.memory_space<vmem_shared>>)
      tpu.yield
    }) : () -> ()
    %run_scoped3A = arith.constant 0 : i32
    "tpu.region"() ({
      %run_scoped3A_162 = tpu.sem_alloc : memref<!tpu.dma_semaphore, #tpu.memory_space<semaphore_mem>>
      %dma_start3A_163 = arith.constant 0 : i32
      %dma_start3A_164 = arith.constant 0 : i32
      %dma_start3A_165 = tpu.memref_slice %arg7[%run_scoped3A, %dma_start3A_163, %dma_start3A_164] : memref<2x16x64xi32, #tpu.memory_space<vmem>> -> memref<1x16x64xi32, #tpu.memory_space<vmem>>
      %dma_start3A_166 = tpu.memref_squeeze %dma_start3A_165 : memref<1x16x64xi32, #tpu.memory_space<vmem>> -> memref<16x64xi32, #tpu.memory_space<vmem>>
      %dma_start3A_167 = arith.constant 0 : i32
      %dma_start3A_168 = arith.constant 0 : i32
      %dma_start3A_169 = tpu.memref_slice %arg3[%add3A, %dma_start3A_167, %dma_start3A_168] : memref<32x160x64xi32, #tpu.memory_space<hbm>> -> memref<1x16x64xi32, #tpu.memory_space<hbm>>
      %dma_start3A_170 = tpu.memref_squeeze %dma_start3A_169 : memref<1x16x64xi32, #tpu.memory_space<hbm>> -> memref<16x64xi32, #tpu.memory_space<hbm>>
      %dma_start3A_171 = arith.constant 0 : i32
      %dma_start3A_172 = arith.constant 0 : i32
      %dma_start3A_173 = tpu.memref_slice %arg7[%run_scoped3A, %dma_start3A_171, %dma_start3A_172] : memref<2x16x64xi32, #tpu.memory_space<vmem>> -> memref<1x16x64xi32, #tpu.memory_space<vmem>>
      %dma_start3A_174 = tpu.memref_squeeze %dma_start3A_173 : memref<1x16x64xi32, #tpu.memory_space<vmem>> -> memref<16x64xi32, #tpu.memory_space<vmem>>
      %dma_start3A_175 = arith.constant 0 : i32
      %dma_start3A_176 = arith.constant 0 : i32
      %dma_start3A_177 = tpu.memref_slice %arg3[%add3A, %dma_start3A_175, %dma_start3A_176] : memref<32x160x64xi32, #tpu.memory_space<hbm>> -> memref<1x16x64xi32, #tpu.memory_space<hbm>>
      %dma_start3A_178 = tpu.memref_squeeze %dma_start3A_177 : memref<1x16x64xi32, #tpu.memory_space<hbm>> -> memref<16x64xi32, #tpu.memory_space<hbm>>
      tpu.enqueue_dma source(%dma_start3A_178 : memref<16x64xi32, #tpu.memory_space<hbm>>) target(%dma_start3A_174 : memref<16x64xi32, #tpu.memory_space<vmem>>) target_semaphore(%run_scoped3A_162 : memref<!tpu.dma_semaphore, #tpu.memory_space<semaphore_mem>>)
      %dma_wait3A_179 = arith.constant 0 : i32
      %dma_wait3A_180 = arith.constant 0 : i32
      %dma_wait3A_181 = tpu.memref_slice %arg7[%run_scoped3A, %dma_wait3A_179, %dma_wait3A_180] : memref<2x16x64xi32, #tpu.memory_space<vmem>> -> memref<1x16x64xi32, #tpu.memory_space<vmem>>
      %dma_wait3A_182 = tpu.memref_squeeze %dma_wait3A_181 : memref<1x16x64xi32, #tpu.memory_space<vmem>> -> memref<16x64xi32, #tpu.memory_space<vmem>>
      %dma_wait3A_183 = arith.constant 0 : i32
      %dma_wait3A_184 = arith.constant 0 : i32
      %dma_wait3A_185 = tpu.memref_slice %arg3[%add3A, %dma_wait3A_183, %dma_wait3A_184] : memref<32x160x64xi32, #tpu.memory_space<hbm>> -> memref<1x16x64xi32, #tpu.memory_space<hbm>>
      %dma_wait3A_186 = tpu.memref_squeeze %dma_wait3A_185 : memref<1x16x64xi32, #tpu.memory_space<hbm>> -> memref<16x64xi32, #tpu.memory_space<hbm>>
      %dma_wait3A_187 = arith.constant 0 : i32
      %dma_wait3A_188 = arith.constant 0 : i32
      %dma_wait3A_189 = tpu.memref_slice %arg7[%run_scoped3A, %dma_wait3A_187, %dma_wait3A_188] : memref<2x16x64xi32, #tpu.memory_space<vmem>> -> memref<1x16x64xi32, #tpu.memory_space<vmem>>
      %dma_wait3A_190 = tpu.memref_squeeze %dma_wait3A_189 : memref<1x16x64xi32, #tpu.memory_space<vmem>> -> memref<16x64xi32, #tpu.memory_space<vmem>>
      %dma_wait3A_191 = arith.constant 0 : i32
      %dma_wait3A_192 = arith.constant 0 : i32
      %dma_wait3A_193 = tpu.memref_slice %arg3[%add3A, %dma_wait3A_191, %dma_wait3A_192] : memref<32x160x64xi32, #tpu.memory_space<hbm>> -> memref<1x16x64xi32, #tpu.memory_space<hbm>>
      %dma_wait3A_194 = tpu.memref_squeeze %dma_wait3A_193 : memref<1x16x64xi32, #tpu.memory_space<hbm>> -> memref<16x64xi32, #tpu.memory_space<hbm>>
      tpu.wait_dma2 semaphore(%run_scoped3A_162 : memref<!tpu.dma_semaphore, #tpu.memory_space<semaphore_mem>>) src(%dma_wait3A_194 : memref<16x64xi32, #tpu.memory_space<hbm>>) dst(%dma_wait3A_190 : memref<16x64xi32, #tpu.memory_space<vmem>>)
      tpu.yield
    }) : () -> ()
    %run_scoped3A_3 = arith.constant 0 : i32
    "tpu.region"() ({
      %run_scoped3A_162 = tpu.sem_alloc : memref<!tpu.dma_semaphore, #tpu.memory_space<semaphore_mem>>
      %dma_start3A_163 = arith.constant 0 : i32
      %dma_start3A_164 = arith.constant 0 : i32
      %dma_start3A_165 = tpu.memref_slice %arg8[%run_scoped3A_3, %dma_start3A_163, %dma_start3A_164] : memref<2x16x64xi32, #tpu.memory_space<vmem>> -> memref<1x16x64xi32, #tpu.memory_space<vmem>>
      %dma_start3A_166 = tpu.memref_squeeze %dma_start3A_165 : memref<1x16x64xi32, #tpu.memory_space<vmem>> -> memref<16x64xi32, #tpu.memory_space<vmem>>
      %dma_start3A_167 = arith.constant 0 : i32
      %dma_start3A_168 = arith.constant 0 : i32
      %dma_start3A_169 = tpu.memref_slice %arg4[%add3A, %dma_start3A_167, %dma_start3A_168] : memref<32x160x64xi32, #tpu.memory_space<hbm>> -> memref<1x16x64xi32, #tpu.memory_space<hbm>>
      %dma_start3A_170 = tpu.memref_squeeze %dma_start3A_169 : memref<1x16x64xi32, #tpu.memory_space<hbm>> -> memref<16x64xi32, #tpu.memory_space<hbm>>
      %dma_start3A_171 = arith.constant 0 : i32
      %dma_start3A_172 = arith.constant 0 : i32
      %dma_start3A_173 = tpu.memref_slice %arg8[%run_scoped3A_3, %dma_start3A_171, %dma_start3A_172] : memref<2x16x64xi32, #tpu.memory_space<vmem>> -> memref<1x16x64xi32, #tpu.memory_space<vmem>>
      %dma_start3A_174 = tpu.memref_squeeze %dma_start3A_173 : memref<1x16x64xi32, #tpu.memory_space<vmem>> -> memref<16x64xi32, #tpu.memory_space<vmem>>
      %dma_start3A_175 = arith.constant 0 : i32
      %dma_start3A_176 = arith.constant 0 : i32
      %dma_start3A_177 = tpu.memref_slice %arg4[%add3A, %dma_start3A_175, %dma_start3A_176] : memref<32x160x64xi32, #tpu.memory_space<hbm>> -> memref<1x16x64xi32, #tpu.memory_space<hbm>>
      %dma_start3A_178 = tpu.memref_squeeze %dma_start3A_177 : memref<1x16x64xi32, #tpu.memory_space<hbm>> -> memref<16x64xi32, #tpu.memory_space<hbm>>
      tpu.enqueue_dma source(%dma_start3A_178 : memref<16x64xi32, #tpu.memory_space<hbm>>) target(%dma_start3A_174 : memref<16x64xi32, #tpu.memory_space<vmem>>) target_semaphore(%run_scoped3A_162 : memref<!tpu.dma_semaphore, #tpu.memory_space<semaphore_mem>>)
      %dma_wait3A_179 = arith.constant 0 : i32
      %dma_wait3A_180 = arith.constant 0 : i32
      %dma_wait3A_181 = tpu.memref_slice %arg8[%run_scoped3A_3, %dma_wait3A_179, %dma_wait3A_180] : memref<2x16x64xi32, #tpu.memory_space<vmem>> -> memref<1x16x64xi32, #tpu.memory_space<vmem>>
      %dma_wait3A_182 = tpu.memref_squeeze %dma_wait3A_181 : memref<1x16x64xi32, #tpu.memory_space<vmem>> -> memref<16x64xi32, #tpu.memory_space<vmem>>
      %dma_wait3A_183 = arith.constant 0 : i32
      %dma_wait3A_184 = arith.constant 0 : i32
      %dma_wait3A_185 = tpu.memref_slice %arg4[%add3A, %dma_wait3A_183, %dma_wait3A_184] : memref<32x160x64xi32, #tpu.memory_space<hbm>> -> memref<1x16x64xi32, #tpu.memory_space<hbm>>
      %dma_wait3A_186 = tpu.memref_squeeze %dma_wait3A_185 : memref<1x16x64xi32, #tpu.memory_space<hbm>> -> memref<16x64xi32, #tpu.memory_space<hbm>>
      %dma_wait3A_187 = arith.constant 0 : i32
      %dma_wait3A_188 = arith.constant 0 : i32
      %dma_wait3A_189 = tpu.memref_slice %arg8[%run_scoped3A_3, %dma_wait3A_187, %dma_wait3A_188] : memref<2x16x64xi32, #tpu.memory_space<vmem>> -> memref<1x16x64xi32, #tpu.memory_space<vmem>>
      %dma_wait3A_190 = tpu.memref_squeeze %dma_wait3A_189 : memref<1x16x64xi32, #tpu.memory_space<vmem>> -> memref<16x64xi32, #tpu.memory_space<vmem>>
      %dma_wait3A_191 = arith.constant 0 : i32
      %dma_wait3A_192 = arith.constant 0 : i32
      %dma_wait3A_193 = tpu.memref_slice %arg4[%add3A, %dma_wait3A_191, %dma_wait3A_192] : memref<32x160x64xi32, #tpu.memory_space<hbm>> -> memref<1x16x64xi32, #tpu.memory_space<hbm>>
      %dma_wait3A_194 = tpu.memref_squeeze %dma_wait3A_193 : memref<1x16x64xi32, #tpu.memory_space<hbm>> -> memref<16x64xi32, #tpu.memory_space<hbm>>
      tpu.wait_dma2 semaphore(%run_scoped3A_162 : memref<!tpu.dma_semaphore, #tpu.memory_space<semaphore_mem>>) src(%dma_wait3A_194 : memref<16x64xi32, #tpu.memory_space<hbm>>) dst(%dma_wait3A_190 : memref<16x64xi32, #tpu.memory_space<vmem>>)
      tpu.yield
    }) : () -> ()
    %barrier3A = arith.constant 0 : index
    tpu.barrier barrier_id(%barrier3A)
    %dma_start3A = arith.constant 0 : i32
    %dma_start3A_4 = arith.constant 0 : i32
    %dma_start3A_5 = arith.constant 0 : i32
    %dma_start3A_6 = arith.constant 0 : i32
    %dma_start3A_7 = arith.constant 0 : i32
    %dma_start3A_8 = arith.constant 0 : i32
    %dma_start3A_9 = tpu.memref_slice %arg9[%dma_start3A_5, %dma_start3A_7, %dma_start3A_8] : memref<5x64x128xf32, #tpu.memory_space<vmem>> -> memref<1x64x128xf32, #tpu.memory_space<vmem>>
    %dma_start3A_10 = tpu.memref_squeeze %dma_start3A_9 : memref<1x64x128xf32, #tpu.memory_space<vmem>> -> memref<64x128xf32, #tpu.memory_space<vmem>>
    %dma_start3A_11 = arith.constant 0 : i32
    %dma_start3A_12 = tpu.memref_slice %arg7[%dma_start3A, %dma_start3A_4, %dma_start3A_11] : memref<2x16x64xi32, #tpu.memory_space<vmem>> -> memref<1x1x64xi32, #tpu.memory_space<vmem>>
    %dma_start3A_13 = tpu.memref_squeeze %dma_start3A_12 : memref<1x1x64xi32, #tpu.memory_space<vmem>> -> memref<64xi32, #tpu.memory_space<vmem>>
    %dma_start3A_14 = arith.constant 0 : i32
    %dma_start3A_15 = arith.constant 0 : i32
    %dma_start3A_16 = tpu.memref_slice %arg2[%dma_start3A_14, %dma_start3A_15] : memref<10240x128xf32, #tpu.memory_space<hbm>> -> memref<10240x128xf32, #tpu.memory_space<hbm>>
    %dma_start3A_17 = tpu.memref_slice %arg11[%dma_start3A_6] : memref<5x!tpu.dma_semaphore, #tpu.memory_space<semaphore_mem>> -> memref<1x!tpu.dma_semaphore, #tpu.memory_space<semaphore_mem>>
    %dma_start3A_18 = tpu.memref_squeeze %dma_start3A_17 : memref<1x!tpu.dma_semaphore, #tpu.memory_space<semaphore_mem>> -> memref<!tpu.dma_semaphore, #tpu.memory_space<semaphore_mem>>
    tpu.enqueue_indirect_dma source(%dma_start3A_16 : memref<10240x128xf32, #tpu.memory_space<hbm>>) target(%dma_start3A_10 : memref<64x128xf32, #tpu.memory_space<vmem>>) offsets(%dma_start3A_13 : memref<64xi32, #tpu.memory_space<vmem>>) semaphore(%dma_start3A_18 : memref<!tpu.dma_semaphore, #tpu.memory_space<semaphore_mem>>)
    %dma_start3A_19 = arith.constant 0 : i32
    %dma_start3A_20 = arith.constant 1 : i32
    %dma_start3A_21 = arith.constant 1 : i32
    %dma_start3A_22 = arith.constant 1 : i32
    %dma_start3A_23 = arith.constant 0 : i32
    %dma_start3A_24 = arith.constant 0 : i32
    %dma_start3A_25 = tpu.memref_slice %arg9[%dma_start3A_21, %dma_start3A_23, %dma_start3A_24] : memref<5x64x128xf32, #tpu.memory_space<vmem>> -> memref<1x64x128xf32, #tpu.memory_space<vmem>>
    %dma_start3A_26 = tpu.memref_squeeze %dma_start3A_25 : memref<1x64x128xf32, #tpu.memory_space<vmem>> -> memref<64x128xf32, #tpu.memory_space<vmem>>
    %dma_start3A_27 = arith.constant 0 : i32
    %dma_start3A_28 = tpu.memref_slice %arg7[%dma_start3A_19, %dma_start3A_20, %dma_start3A_27] : memref<2x16x64xi32, #tpu.memory_space<vmem>> -> memref<1x1x64xi32, #tpu.memory_space<vmem>>
    %dma_start3A_29 = tpu.memref_squeeze %dma_start3A_28 : memref<1x1x64xi32, #tpu.memory_space<vmem>> -> memref<64xi32, #tpu.memory_space<vmem>>
    %dma_start3A_30 = arith.constant 0 : i32
    %dma_start3A_31 = arith.constant 0 : i32
    %dma_start3A_32 = tpu.memref_slice %arg2[%dma_start3A_30, %dma_start3A_31] : memref<10240x128xf32, #tpu.memory_space<hbm>> -> memref<10240x128xf32, #tpu.memory_space<hbm>>
    %dma_start3A_33 = tpu.memref_slice %arg11[%dma_start3A_22] : memref<5x!tpu.dma_semaphore, #tpu.memory_space<semaphore_mem>> -> memref<1x!tpu.dma_semaphore, #tpu.memory_space<semaphore_mem>>
    %dma_start3A_34 = tpu.memref_squeeze %dma_start3A_33 : memref<1x!tpu.dma_semaphore, #tpu.memory_space<semaphore_mem>> -> memref<!tpu.dma_semaphore, #tpu.memory_space<semaphore_mem>>
    tpu.enqueue_indirect_dma source(%dma_start3A_32 : memref<10240x128xf32, #tpu.memory_space<hbm>>) target(%dma_start3A_26 : memref<64x128xf32, #tpu.memory_space<vmem>>) offsets(%dma_start3A_29 : memref<64xi32, #tpu.memory_space<vmem>>) semaphore(%dma_start3A_34 : memref<!tpu.dma_semaphore, #tpu.memory_space<semaphore_mem>>)
    %dma_start3A_35 = arith.constant 0 : i32
    %dma_start3A_36 = arith.constant 2 : i32
    %dma_start3A_37 = arith.constant 2 : i32
    %dma_start3A_38 = arith.constant 2 : i32
    %dma_start3A_39 = arith.constant 0 : i32
    %dma_start3A_40 = arith.constant 0 : i32
    %dma_start3A_41 = tpu.memref_slice %arg9[%dma_start3A_37, %dma_start3A_39, %dma_start3A_40] : memref<5x64x128xf32, #tpu.memory_space<vmem>> -> memref<1x64x128xf32, #tpu.memory_space<vmem>>
    %dma_start3A_42 = tpu.memref_squeeze %dma_start3A_41 : memref<1x64x128xf32, #tpu.memory_space<vmem>> -> memref<64x128xf32, #tpu.memory_space<vmem>>
    %dma_start3A_43 = arith.constant 0 : i32
    %dma_start3A_44 = tpu.memref_slice %arg7[%dma_start3A_35, %dma_start3A_36, %dma_start3A_43] : memref<2x16x64xi32, #tpu.memory_space<vmem>> -> memref<1x1x64xi32, #tpu.memory_space<vmem>>
    %dma_start3A_45 = tpu.memref_squeeze %dma_start3A_44 : memref<1x1x64xi32, #tpu.memory_space<vmem>> -> memref<64xi32, #tpu.memory_space<vmem>>
    %dma_start3A_46 = arith.constant 0 : i32
    %dma_start3A_47 = arith.constant 0 : i32
    %dma_start3A_48 = tpu.memref_slice %arg2[%dma_start3A_46, %dma_start3A_47] : memref<10240x128xf32, #tpu.memory_space<hbm>> -> memref<10240x128xf32, #tpu.memory_space<hbm>>
    %dma_start3A_49 = tpu.memref_slice %arg11[%dma_start3A_38] : memref<5x!tpu.dma_semaphore, #tpu.memory_space<semaphore_mem>> -> memref<1x!tpu.dma_semaphore, #tpu.memory_space<semaphore_mem>>
    %dma_start3A_50 = tpu.memref_squeeze %dma_start3A_49 : memref<1x!tpu.dma_semaphore, #tpu.memory_space<semaphore_mem>> -> memref<!tpu.dma_semaphore, #tpu.memory_space<semaphore_mem>>
    tpu.enqueue_indirect_dma source(%dma_start3A_48 : memref<10240x128xf32, #tpu.memory_space<hbm>>) target(%dma_start3A_42 : memref<64x128xf32, #tpu.memory_space<vmem>>) offsets(%dma_start3A_45 : memref<64xi32, #tpu.memory_space<vmem>>) semaphore(%dma_start3A_50 : memref<!tpu.dma_semaphore, #tpu.memory_space<semaphore_mem>>)
    %dma_start3A_51 = arith.constant 0 : i32
    %dma_start3A_52 = arith.constant 3 : i32
    %dma_start3A_53 = arith.constant 3 : i32
    %dma_start3A_54 = arith.constant 3 : i32
    %dma_start3A_55 = arith.constant 0 : i32
    %dma_start3A_56 = arith.constant 0 : i32
    %dma_start3A_57 = tpu.memref_slice %arg9[%dma_start3A_53, %dma_start3A_55, %dma_start3A_56] : memref<5x64x128xf32, #tpu.memory_space<vmem>> -> memref<1x64x128xf32, #tpu.memory_space<vmem>>
    %dma_start3A_58 = tpu.memref_squeeze %dma_start3A_57 : memref<1x64x128xf32, #tpu.memory_space<vmem>> -> memref<64x128xf32, #tpu.memory_space<vmem>>
    %dma_start3A_59 = arith.constant 0 : i32
    %dma_start3A_60 = tpu.memref_slice %arg7[%dma_start3A_51, %dma_start3A_52, %dma_start3A_59] : memref<2x16x64xi32, #tpu.memory_space<vmem>> -> memref<1x1x64xi32, #tpu.memory_space<vmem>>
    %dma_start3A_61 = tpu.memref_squeeze %dma_start3A_60 : memref<1x1x64xi32, #tpu.memory_space<vmem>> -> memref<64xi32, #tpu.memory_space<vmem>>
    %dma_start3A_62 = arith.constant 0 : i32
    %dma_start3A_63 = arith.constant 0 : i32
    %dma_start3A_64 = tpu.memref_slice %arg2[%dma_start3A_62, %dma_start3A_63] : memref<10240x128xf32, #tpu.memory_space<hbm>> -> memref<10240x128xf32, #tpu.memory_space<hbm>>
    %dma_start3A_65 = tpu.memref_slice %arg11[%dma_start3A_54] : memref<5x!tpu.dma_semaphore, #tpu.memory_space<semaphore_mem>> -> memref<1x!tpu.dma_semaphore, #tpu.memory_space<semaphore_mem>>
    %dma_start3A_66 = tpu.memref_squeeze %dma_start3A_65 : memref<1x!tpu.dma_semaphore, #tpu.memory_space<semaphore_mem>> -> memref<!tpu.dma_semaphore, #tpu.memory_space<semaphore_mem>>
    tpu.enqueue_indirect_dma source(%dma_start3A_64 : memref<10240x128xf32, #tpu.memory_space<hbm>>) target(%dma_start3A_58 : memref<64x128xf32, #tpu.memory_space<vmem>>) offsets(%dma_start3A_61 : memref<64xi32, #tpu.memory_space<vmem>>) semaphore(%dma_start3A_66 : memref<!tpu.dma_semaphore, #tpu.memory_space<semaphore_mem>>)
    %scan3A = arith.constant 0 : i32
    %scan3A_67 = arith.constant 0 : i32
    %scan3A_68 = arith.constant 160 : i32
    %scan3A_69 = arith.addi %scan3A_67, %scan3A_68 : i32
    %scan3A_70 = arith.constant 1 : i32
    scf.for %scan3A_162 = %scan3A_67 to %scan3A_69 step %scan3A_70  : i32 {
      %div3A = arith.constant 16 : i32
      %div3A_163 = arith.divsi %scan3A_162, %div3A : i32
      %rem3A = arith.constant 16 : i32
      %rem3A_164 = arith.remsi %scan3A_162, %rem3A : i32
      %rem3A_165 = arith.constant 2 : i32
      %rem3A_166 = arith.remsi %div3A_163, %rem3A_165 : i32
      %rem3A_167 = arith.constant 5 : i32
      %rem3A_168 = arith.remsi %scan3A_162, %rem3A_167 : i32
      %dma_wait3A_169 = arith.constant 0 : i32
      %dma_wait3A_170 = arith.constant 0 : i32
      %dma_wait3A_171 = tpu.memref_slice %arg9[%rem3A_168, %dma_wait3A_169, %dma_wait3A_170] : memref<5x64x128xf32, #tpu.memory_space<vmem>> -> memref<1x64x128xf32, #tpu.memory_space<vmem>>
      %dma_wait3A_172 = tpu.memref_squeeze %dma_wait3A_171 : memref<1x64x128xf32, #tpu.memory_space<vmem>> -> memref<64x128xf32, #tpu.memory_space<vmem>>
      %dma_wait3A_173 = arith.constant 0 : i32
      %dma_wait3A_174 = arith.constant 0 : i32
      %dma_wait3A_175 = tpu.memref_slice %arg2[%dma_wait3A_173, %dma_wait3A_174] : memref<10240x128xf32, #tpu.memory_space<hbm>> -> memref<64x128xf32, #tpu.memory_space<hbm>>
      %dma_wait3A_176 = tpu.memref_slice %arg11[%rem3A_168] : memref<5x!tpu.dma_semaphore, #tpu.memory_space<semaphore_mem>> -> memref<1x!tpu.dma_semaphore, #tpu.memory_space<semaphore_mem>>
      %dma_wait3A_177 = tpu.memref_squeeze %dma_wait3A_176 : memref<1x!tpu.dma_semaphore, #tpu.memory_space<semaphore_mem>> -> memref<!tpu.dma_semaphore, #tpu.memory_space<semaphore_mem>>
      %dma_wait3A_178 = arith.constant 0 : i32
      %dma_wait3A_179 = arith.constant 0 : i32
      %dma_wait3A_180 = tpu.memref_slice %arg9[%rem3A_168, %dma_wait3A_178, %dma_wait3A_179] : memref<5x64x128xf32, #tpu.memory_space<vmem>> -> memref<1x64x128xf32, #tpu.memory_space<vmem>>
      %dma_wait3A_181 = tpu.memref_squeeze %dma_wait3A_180 : memref<1x64x128xf32, #tpu.memory_space<vmem>> -> memref<64x128xf32, #tpu.memory_space<vmem>>
      %dma_wait3A_182 = arith.constant 0 : i32
      %dma_wait3A_183 = arith.constant 0 : i32
      %dma_wait3A_184 = tpu.memref_slice %arg2[%dma_wait3A_182, %dma_wait3A_183] : memref<10240x128xf32, #tpu.memory_space<hbm>> -> memref<64x128xf32, #tpu.memory_space<hbm>>
      tpu.wait_dma2 semaphore(%dma_wait3A_177 : memref<!tpu.dma_semaphore, #tpu.memory_space<semaphore_mem>>) src(%dma_wait3A_184 : memref<64x128xf32, #tpu.memory_space<hbm>>) dst(%dma_wait3A_181 : memref<64x128xf32, #tpu.memory_space<vmem>>)
      %dma_start3A_185 = arith.constant 0 : i32
      %dma_start3A_186 = arith.constant 0 : i32
      %dma_start3A_187 = tpu.memref_slice %arg9[%rem3A_168, %dma_start3A_185, %dma_start3A_186] : memref<5x64x128xf32, #tpu.memory_space<vmem>> -> memref<1x64x128xf32, #tpu.memory_space<vmem>>
      %dma_start3A_188 = tpu.memref_squeeze %dma_start3A_187 : memref<1x64x128xf32, #tpu.memory_space<vmem>> -> memref<64x128xf32, #tpu.memory_space<vmem>>
      %dma_start3A_189 = arith.constant 0 : i32
      %dma_start3A_190 = tpu.memref_slice %arg8[%rem3A_166, %rem3A_164, %dma_start3A_189] : memref<2x16x64xi32, #tpu.memory_space<vmem>> -> memref<1x1x64xi32, #tpu.memory_space<vmem>>
      %dma_start3A_191 = tpu.memref_squeeze %dma_start3A_190 : memref<1x1x64xi32, #tpu.memory_space<vmem>> -> memref<64xi32, #tpu.memory_space<vmem>>
      %dma_start3A_192 = arith.constant 0 : i32
      %dma_start3A_193 = arith.constant 0 : i32
      %dma_start3A_194 = tpu.memref_slice %arg10[%dma_start3A_192, %dma_start3A_193] : memref<10240x128xf32, #tpu.memory_space<vmem_shared>> -> memref<10240x128xf32, #tpu.memory_space<vmem_shared>>
      %dma_start3A_195 = tpu.memref_slice %arg12[%rem3A_168] : memref<5x!tpu.dma_semaphore, #tpu.memory_space<semaphore_mem>> -> memref<1x!tpu.dma_semaphore, #tpu.memory_space<semaphore_mem>>
      %dma_start3A_196 = tpu.memref_squeeze %dma_start3A_195 : memref<1x!tpu.dma_semaphore, #tpu.memory_space<semaphore_mem>> -> memref<!tpu.dma_semaphore, #tpu.memory_space<semaphore_mem>>
      tpu.enqueue_indirect_dma source(%dma_start3A_188 : memref<64x128xf32, #tpu.memory_space<vmem>>) target(%dma_start3A_194 : memref<10240x128xf32, #tpu.memory_space<vmem_shared>>) offsets(%dma_start3A_191 : memref<64xi32, #tpu.memory_space<vmem>>) semaphore(%dma_start3A_196 : memref<!tpu.dma_semaphore, #tpu.memory_space<semaphore_mem>>) {add = true}
      %eq3A = arith.constant 2 : i32
      %eq3A_197 = arith.cmpi eq, %rem3A_164, %eq3A : i32
      %add3A_198 = arith.constant 1 : i32
      %add3A_199 = arith.addi %div3A_163, %add3A_198 : i32
      %lt3A = arith.constant 10 : i32
      %lt3A_200 = arith.cmpi slt, %add3A_199, %lt3A : i32
      %and3A = arith.andi %eq3A_197, %lt3A_200 : i1
      %convert_element_type3A = arith.extui %and3A : i1 to i32
      %cond3A = arith.constant 0 : i32
      %cond3A_201 = arith.cmpi ne, %convert_element_type3A, %cond3A : i32
      scf.if %cond3A_201 {
        %sub3A = arith.constant 1 : i32
        %sub3A_209 = arith.subi %sub3A, %rem3A_166 : i32
        %add3A_210 = arith.constant 1 : i32
        %add3A_211 = arith.addi %div3A_163, %add3A_210 : i32
        %mul3A_212 = arith.constant 16 : i32
        %mul3A_213 = arith.muli %add3A_211, %mul3A_212 : i32
        %dma_start3A_214 = arith.constant 0 : i32
        %dma_start3A_215 = arith.constant 0 : i32
        %dma_start3A_216 = tpu.memref_slice %arg7[%sub3A_209, %dma_start3A_214, %dma_start3A_215] : memref<2x16x64xi32, #tpu.memory_space<vmem>> -> memref<1x16x64xi32, #tpu.memory_space<vmem>>
        %dma_start3A_217 = tpu.memref_squeeze %dma_start3A_216 : memref<1x16x64xi32, #tpu.memory_space<vmem>> -> memref<16x64xi32, #tpu.memory_space<vmem>>
        %dma_start3A_218 = arith.constant 0 : i32
        %dma_start3A_219 = tpu.memref_slice %arg3[%add3A, %mul3A_213, %dma_start3A_218] : memref<32x160x64xi32, #tpu.memory_space<hbm>> -> memref<1x16x64xi32, #tpu.memory_space<hbm>>
        %dma_start3A_220 = tpu.memref_squeeze %dma_start3A_219 : memref<1x16x64xi32, #tpu.memory_space<hbm>> -> memref<16x64xi32, #tpu.memory_space<hbm>>
        %dma_start3A_221 = tpu.memref_slice %arg13[%sub3A_209] : memref<2x!tpu.dma_semaphore, #tpu.memory_space<semaphore_mem>> -> memref<1x!tpu.dma_semaphore, #tpu.memory_space<semaphore_mem>>
        %dma_start3A_222 = tpu.memref_squeeze %dma_start3A_221 : memref<1x!tpu.dma_semaphore, #tpu.memory_space<semaphore_mem>> -> memref<!tpu.dma_semaphore, #tpu.memory_space<semaphore_mem>>
        %dma_start3A_223 = arith.constant 0 : i32
        %dma_start3A_224 = arith.constant 0 : i32
        %dma_start3A_225 = tpu.memref_slice %arg7[%sub3A_209, %dma_start3A_223, %dma_start3A_224] : memref<2x16x64xi32, #tpu.memory_space<vmem>> -> memref<1x16x64xi32, #tpu.memory_space<vmem>>
        %dma_start3A_226 = tpu.memref_squeeze %dma_start3A_225 : memref<1x16x64xi32, #tpu.memory_space<vmem>> -> memref<16x64xi32, #tpu.memory_space<vmem>>
        %dma_start3A_227 = arith.constant 0 : i32
        %dma_start3A_228 = tpu.memref_slice %arg3[%add3A, %mul3A_213, %dma_start3A_227] : memref<32x160x64xi32, #tpu.memory_space<hbm>> -> memref<1x16x64xi32, #tpu.memory_space<hbm>>
        %dma_start3A_229 = tpu.memref_squeeze %dma_start3A_228 : memref<1x16x64xi32, #tpu.memory_space<hbm>> -> memref<16x64xi32, #tpu.memory_space<hbm>>
        tpu.enqueue_dma source(%dma_start3A_229 : memref<16x64xi32, #tpu.memory_space<hbm>>) target(%dma_start3A_226 : memref<16x64xi32, #tpu.memory_space<vmem>>) target_semaphore(%dma_start3A_222 : memref<!tpu.dma_semaphore, #tpu.memory_space<semaphore_mem>>)
        %add3A_230 = arith.constant 1 : i32
        %add3A_231 = arith.addi %div3A_163, %add3A_230 : i32
        %mul3A_232 = arith.constant 16 : i32
        %mul3A_233 = arith.muli %add3A_231, %mul3A_232 : i32
        %dma_start3A_234 = arith.constant 0 : i32
        %dma_start3A_235 = arith.constant 0 : i32
        %dma_start3A_236 = tpu.memref_slice %arg8[%sub3A_209, %dma_start3A_234, %dma_start3A_235] : memref<2x16x64xi32, #tpu.memory_space<vmem>> -> memref<1x16x64xi32, #tpu.memory_space<vmem>>
        %dma_start3A_237 = tpu.memref_squeeze %dma_start3A_236 : memref<1x16x64xi32, #tpu.memory_space<vmem>> -> memref<16x64xi32, #tpu.memory_space<vmem>>
        %dma_start3A_238 = arith.constant 0 : i32
        %dma_start3A_239 = tpu.memref_slice %arg4[%add3A, %mul3A_233, %dma_start3A_238] : memref<32x160x64xi32, #tpu.memory_space<hbm>> -> memref<1x16x64xi32, #tpu.memory_space<hbm>>
        %dma_start3A_240 = tpu.memref_squeeze %dma_start3A_239 : memref<1x16x64xi32, #tpu.memory_space<hbm>> -> memref<16x64xi32, #tpu.memory_space<hbm>>
        %dma_start3A_241 = tpu.memref_slice %arg13[%sub3A_209] : memref<2x!tpu.dma_semaphore, #tpu.memory_space<semaphore_mem>> -> memref<1x!tpu.dma_semaphore, #tpu.memory_space<semaphore_mem>>
        %dma_start3A_242 = tpu.memref_squeeze %dma_start3A_241 : memref<1x!tpu.dma_semaphore, #tpu.memory_space<semaphore_mem>> -> memref<!tpu.dma_semaphore, #tpu.memory_space<semaphore_mem>>
        %dma_start3A_243 = arith.constant 0 : i32
        %dma_start3A_244 = arith.constant 0 : i32
        %dma_start3A_245 = tpu.memref_slice %arg8[%sub3A_209, %dma_start3A_243, %dma_start3A_244] : memref<2x16x64xi32, #tpu.memory_space<vmem>> -> memref<1x16x64xi32, #tpu.memory_space<vmem>>
        %dma_start3A_246 = tpu.memref_squeeze %dma_start3A_245 : memref<1x16x64xi32, #tpu.memory_space<vmem>> -> memref<16x64xi32, #tpu.memory_space<vmem>>
        %dma_start3A_247 = arith.constant 0 : i32
        %dma_start3A_248 = tpu.memref_slice %arg4[%add3A, %mul3A_233, %dma_start3A_247] : memref<32x160x64xi32, #tpu.memory_space<hbm>> -> memref<1x16x64xi32, #tpu.memory_space<hbm>>
        %dma_start3A_249 = tpu.memref_squeeze %dma_start3A_248 : memref<1x16x64xi32, #tpu.memory_space<hbm>> -> memref<16x64xi32, #tpu.memory_space<hbm>>
        tpu.enqueue_dma source(%dma_start3A_249 : memref<16x64xi32, #tpu.memory_space<hbm>>) target(%dma_start3A_246 : memref<16x64xi32, #tpu.memory_space<vmem>>) target_semaphore(%dma_start3A_242 : memref<!tpu.dma_semaphore, #tpu.memory_space<semaphore_mem>>)
      } else {
      }
      %add3A_202 = arith.constant 4 : i32
      %add3A_203 = arith.addi %scan3A_162, %add3A_202 : i32
      %lt3A_204 = arith.constant 160 : i32
      %lt3A_205 = arith.cmpi slt, %add3A_203, %lt3A_204 : i32
      %convert_element_type3A_206 = arith.extui %lt3A_205 : i1 to i32
      %cond3A_207 = arith.constant 0 : i32
      %cond3A_208 = arith.cmpi ne, %convert_element_type3A_206, %cond3A_207 : i32
      scf.if %cond3A_208 {
        %add3A_209 = arith.constant 4 : i32
        %add3A_210 = arith.addi %scan3A_162, %add3A_209 : i32
        %rem3A_211 = arith.constant 5 : i32
        %rem3A_212 = arith.remsi %add3A_210, %rem3A_211 : i32
        %ge3A = arith.constant 1 : i32
        %ge3A_213 = arith.cmpi sge, %scan3A_162, %ge3A : i32
        %convert_element_type3A_214 = arith.extui %ge3A_213 : i1 to i32
        %cond3A_215 = arith.constant 0 : i32
        %cond3A_216 = arith.cmpi ne, %convert_element_type3A_214, %cond3A_215 : i32
        scf.if %cond3A_216 {
          %dma_wait3A_244 = arith.constant 0 : i32
          %dma_wait3A_245 = arith.constant 0 : i32
          %dma_wait3A_246 = tpu.memref_slice %arg9[%rem3A_212, %dma_wait3A_244, %dma_wait3A_245] : memref<5x64x128xf32, #tpu.memory_space<vmem>> -> memref<1x64x128xf32, #tpu.memory_space<vmem>>
          %dma_wait3A_247 = tpu.memref_squeeze %dma_wait3A_246 : memref<1x64x128xf32, #tpu.memory_space<vmem>> -> memref<64x128xf32, #tpu.memory_space<vmem>>
          %dma_wait3A_248 = arith.constant 0 : i32
          %dma_wait3A_249 = arith.constant 0 : i32
          %dma_wait3A_250 = tpu.memref_slice %arg2[%dma_wait3A_248, %dma_wait3A_249] : memref<10240x128xf32, #tpu.memory_space<hbm>> -> memref<64x128xf32, #tpu.memory_space<hbm>>
          %dma_wait3A_251 = tpu.memref_slice %arg12[%rem3A_212] : memref<5x!tpu.dma_semaphore, #tpu.memory_space<semaphore_mem>> -> memref<1x!tpu.dma_semaphore, #tpu.memory_space<semaphore_mem>>
          %dma_wait3A_252 = tpu.memref_squeeze %dma_wait3A_251 : memref<1x!tpu.dma_semaphore, #tpu.memory_space<semaphore_mem>> -> memref<!tpu.dma_semaphore, #tpu.memory_space<semaphore_mem>>
          %dma_wait3A_253 = arith.constant 0 : i32
          %dma_wait3A_254 = arith.constant 0 : i32
          %dma_wait3A_255 = tpu.memref_slice %arg9[%rem3A_212, %dma_wait3A_253, %dma_wait3A_254] : memref<5x64x128xf32, #tpu.memory_space<vmem>> -> memref<1x64x128xf32, #tpu.memory_space<vmem>>
          %dma_wait3A_256 = tpu.memref_squeeze %dma_wait3A_255 : memref<1x64x128xf32, #tpu.memory_space<vmem>> -> memref<64x128xf32, #tpu.memory_space<vmem>>
          %dma_wait3A_257 = arith.constant 0 : i32
          %dma_wait3A_258 = arith.constant 0 : i32
          %dma_wait3A_259 = tpu.memref_slice %arg2[%dma_wait3A_257, %dma_wait3A_258] : memref<10240x128xf32, #tpu.memory_space<hbm>> -> memref<64x128xf32, #tpu.memory_space<hbm>>
          tpu.wait_dma2 semaphore(%dma_wait3A_252 : memref<!tpu.dma_semaphore, #tpu.memory_space<semaphore_mem>>) src(%dma_wait3A_259 : memref<64x128xf32, #tpu.memory_space<hbm>>) dst(%dma_wait3A_256 : memref<64x128xf32, #tpu.memory_space<vmem>>)
        } else {
        }
        %add3A_217 = arith.constant 4 : i32
        %add3A_218 = arith.addi %scan3A_162, %add3A_217 : i32
        %div3A_219 = arith.constant 16 : i32
        %div3A_220 = arith.divsi %add3A_218, %div3A_219 : i32
        %add3A_221 = arith.constant 4 : i32
        %add3A_222 = arith.addi %scan3A_162, %add3A_221 : i32
        %rem3A_223 = arith.constant 16 : i32
        %rem3A_224 = arith.remsi %add3A_222, %rem3A_223 : i32
        %rem3A_225 = arith.constant 2 : i32
        %rem3A_226 = arith.remsi %div3A_220, %rem3A_225 : i32
        %eq3A_227 = arith.constant 0 : i32
        %eq3A_228 = arith.cmpi eq, %rem3A_224, %eq3A_227 : i32
        %convert_element_type3A_229 = arith.extui %eq3A_228 : i1 to i32
        %cond3A_230 = arith.constant 0 : i32
        %cond3A_231 = arith.cmpi ne, %convert_element_type3A_229, %cond3A_230 : i32
        scf.if %cond3A_231 {
          %dma_wait3A_244 = arith.constant 0 : i32
          %dma_wait3A_245 = arith.constant 0 : i32
          %dma_wait3A_246 = tpu.memref_slice %arg7[%rem3A_226, %dma_wait3A_244, %dma_wait3A_245] : memref<2x16x64xi32, #tpu.memory_space<vmem>> -> memref<1x16x64xi32, #tpu.memory_space<vmem>>
          %dma_wait3A_247 = tpu.memref_squeeze %dma_wait3A_246 : memref<1x16x64xi32, #tpu.memory_space<vmem>> -> memref<16x64xi32, #tpu.memory_space<vmem>>
          %dma_wait3A_248 = arith.constant 0 : i32
          %dma_wait3A_249 = arith.constant 0 : i32
          %dma_wait3A_250 = tpu.memref_slice %arg3[%add3A, %dma_wait3A_248, %dma_wait3A_249] : memref<32x160x64xi32, #tpu.memory_space<hbm>> -> memref<1x16x64xi32, #tpu.memory_space<hbm>>
          %dma_wait3A_251 = tpu.memref_squeeze %dma_wait3A_250 : memref<1x16x64xi32, #tpu.memory_space<hbm>> -> memref<16x64xi32, #tpu.memory_space<hbm>>
          %dma_wait3A_252 = tpu.memref_slice %arg13[%rem3A_226] : memref<2x!tpu.dma_semaphore, #tpu.memory_space<semaphore_mem>> -> memref<1x!tpu.dma_semaphore, #tpu.memory_space<semaphore_mem>>
          %dma_wait3A_253 = tpu.memref_squeeze %dma_wait3A_252 : memref<1x!tpu.dma_semaphore, #tpu.memory_space<semaphore_mem>> -> memref<!tpu.dma_semaphore, #tpu.memory_space<semaphore_mem>>
          %dma_wait3A_254 = arith.constant 0 : i32
          %dma_wait3A_255 = arith.constant 0 : i32
          %dma_wait3A_256 = tpu.memref_slice %arg7[%rem3A_226, %dma_wait3A_254, %dma_wait3A_255] : memref<2x16x64xi32, #tpu.memory_space<vmem>> -> memref<1x16x64xi32, #tpu.memory_space<vmem>>
          %dma_wait3A_257 = tpu.memref_squeeze %dma_wait3A_256 : memref<1x16x64xi32, #tpu.memory_space<vmem>> -> memref<16x64xi32, #tpu.memory_space<vmem>>
          %dma_wait3A_258 = arith.constant 0 : i32
          %dma_wait3A_259 = arith.constant 0 : i32
          %dma_wait3A_260 = tpu.memref_slice %arg3[%add3A, %dma_wait3A_258, %dma_wait3A_259] : memref<32x160x64xi32, #tpu.memory_space<hbm>> -> memref<1x16x64xi32, #tpu.memory_space<hbm>>
          %dma_wait3A_261 = tpu.memref_squeeze %dma_wait3A_260 : memref<1x16x64xi32, #tpu.memory_space<hbm>> -> memref<16x64xi32, #tpu.memory_space<hbm>>
          tpu.wait_dma2 semaphore(%dma_wait3A_253 : memref<!tpu.dma_semaphore, #tpu.memory_space<semaphore_mem>>) src(%dma_wait3A_261 : memref<16x64xi32, #tpu.memory_space<hbm>>) dst(%dma_wait3A_257 : memref<16x64xi32, #tpu.memory_space<vmem>>)
          %dma_wait3A_262 = arith.constant 0 : i32
          %dma_wait3A_263 = arith.constant 0 : i32
          %dma_wait3A_264 = tpu.memref_slice %arg8[%rem3A_226, %dma_wait3A_262, %dma_wait3A_263] : memref<2x16x64xi32, #tpu.memory_space<vmem>> -> memref<1x16x64xi32, #tpu.memory_space<vmem>>
          %dma_wait3A_265 = tpu.memref_squeeze %dma_wait3A_264 : memref<1x16x64xi32, #tpu.memory_space<vmem>> -> memref<16x64xi32, #tpu.memory_space<vmem>>
          %dma_wait3A_266 = arith.constant 0 : i32
          %dma_wait3A_267 = arith.constant 0 : i32
          %dma_wait3A_268 = tpu.memref_slice %arg4[%add3A, %dma_wait3A_266, %dma_wait3A_267] : memref<32x160x64xi32, #tpu.memory_space<hbm>> -> memref<1x16x64xi32, #tpu.memory_space<hbm>>
          %dma_wait3A_269 = tpu.memref_squeeze %dma_wait3A_268 : memref<1x16x64xi32, #tpu.memory_space<hbm>> -> memref<16x64xi32, #tpu.memory_space<hbm>>
          %dma_wait3A_270 = tpu.memref_slice %arg13[%rem3A_226] : memref<2x!tpu.dma_semaphore, #tpu.memory_space<semaphore_mem>> -> memref<1x!tpu.dma_semaphore, #tpu.memory_space<semaphore_mem>>
          %dma_wait3A_271 = tpu.memref_squeeze %dma_wait3A_270 : memref<1x!tpu.dma_semaphore, #tpu.memory_space<semaphore_mem>> -> memref<!tpu.dma_semaphore, #tpu.memory_space<semaphore_mem>>
          %dma_wait3A_272 = arith.constant 0 : i32
          %dma_wait3A_273 = arith.constant 0 : i32
          %dma_wait3A_274 = tpu.memref_slice %arg8[%rem3A_226, %dma_wait3A_272, %dma_wait3A_273] : memref<2x16x64xi32, #tpu.memory_space<vmem>> -> memref<1x16x64xi32, #tpu.memory_space<vmem>>
          %dma_wait3A_275 = tpu.memref_squeeze %dma_wait3A_274 : memref<1x16x64xi32, #tpu.memory_space<vmem>> -> memref<16x64xi32, #tpu.memory_space<vmem>>
          %dma_wait3A_276 = arith.constant 0 : i32
          %dma_wait3A_277 = arith.constant 0 : i32
          %dma_wait3A_278 = tpu.memref_slice %arg4[%add3A, %dma_wait3A_276, %dma_wait3A_277] : memref<32x160x64xi32, #tpu.memory_space<hbm>> -> memref<1x16x64xi32, #tpu.memory_space<hbm>>
          %dma_wait3A_279 = tpu.memref_squeeze %dma_wait3A_278 : memref<1x16x64xi32, #tpu.memory_space<hbm>> -> memref<16x64xi32, #tpu.memory_space<hbm>>
          tpu.wait_dma2 semaphore(%dma_wait3A_271 : memref<!tpu.dma_semaphore, #tpu.memory_space<semaphore_mem>>) src(%dma_wait3A_279 : memref<16x64xi32, #tpu.memory_space<hbm>>) dst(%dma_wait3A_275 : memref<16x64xi32, #tpu.memory_space<vmem>>)
        } else {
        }
        %dma_start3A_232 = arith.constant 0 : i32
        %dma_start3A_233 = arith.constant 0 : i32
        %dma_start3A_234 = tpu.memref_slice %arg9[%rem3A_212, %dma_start3A_232, %dma_start3A_233] : memref<5x64x128xf32, #tpu.memory_space<vmem>> -> memref<1x64x128xf32, #tpu.memory_space<vmem>>
        %dma_start3A_235 = tpu.memref_squeeze %dma_start3A_234 : memref<1x64x128xf32, #tpu.memory_space<vmem>> -> memref<64x128xf32, #tpu.memory_space<vmem>>
        %dma_start3A_236 = arith.constant 0 : i32
        %dma_start3A_237 = tpu.memref_slice %arg7[%rem3A_226, %rem3A_224, %dma_start3A_236] : memref<2x16x64xi32, #tpu.memory_space<vmem>> -> memref<1x1x64xi32, #tpu.memory_space<vmem>>
        %dma_start3A_238 = tpu.memref_squeeze %dma_start3A_237 : memref<1x1x64xi32, #tpu.memory_space<vmem>> -> memref<64xi32, #tpu.memory_space<vmem>>
        %dma_start3A_239 = arith.constant 0 : i32
        %dma_start3A_240 = arith.constant 0 : i32
        %dma_start3A_241 = tpu.memref_slice %arg2[%dma_start3A_239, %dma_start3A_240] : memref<10240x128xf32, #tpu.memory_space<hbm>> -> memref<10240x128xf32, #tpu.memory_space<hbm>>
        %dma_start3A_242 = tpu.memref_slice %arg11[%rem3A_212] : memref<5x!tpu.dma_semaphore, #tpu.memory_space<semaphore_mem>> -> memref<1x!tpu.dma_semaphore, #tpu.memory_space<semaphore_mem>>
        %dma_start3A_243 = tpu.memref_squeeze %dma_start3A_242 : memref<1x!tpu.dma_semaphore, #tpu.memory_space<semaphore_mem>> -> memref<!tpu.dma_semaphore, #tpu.memory_space<semaphore_mem>>
        tpu.enqueue_indirect_dma source(%dma_start3A_241 : memref<10240x128xf32, #tpu.memory_space<hbm>>) target(%dma_start3A_235 : memref<64x128xf32, #tpu.memory_space<vmem>>) offsets(%dma_start3A_238 : memref<64xi32, #tpu.memory_space<vmem>>) semaphore(%dma_start3A_243 : memref<!tpu.dma_semaphore, #tpu.memory_space<semaphore_mem>>)
      } else {
      }
    }
    %scan3A_71 = arith.constant 160 : i32
    %dma_wait3A = arith.constant 0 : i32
    %dma_wait3A_72 = arith.constant 0 : i32
    %dma_wait3A_73 = arith.constant 0 : i32
    %dma_wait3A_74 = arith.constant 0 : i32
    %dma_wait3A_75 = tpu.memref_slice %arg9[%dma_wait3A, %dma_wait3A_73, %dma_wait3A_74] : memref<5x64x128xf32, #tpu.memory_space<vmem>> -> memref<1x64x128xf32, #tpu.memory_space<vmem>>
    %dma_wait3A_76 = tpu.memref_squeeze %dma_wait3A_75 : memref<1x64x128xf32, #tpu.memory_space<vmem>> -> memref<64x128xf32, #tpu.memory_space<vmem>>
    %dma_wait3A_77 = arith.constant 0 : i32
    %dma_wait3A_78 = arith.constant 0 : i32
    %dma_wait3A_79 = tpu.memref_slice %arg2[%dma_wait3A_77, %dma_wait3A_78] : memref<10240x128xf32, #tpu.memory_space<hbm>> -> memref<64x128xf32, #tpu.memory_space<hbm>>
    %dma_wait3A_80 = tpu.memref_slice %arg12[%dma_wait3A_72] : memref<5x!tpu.dma_semaphore, #tpu.memory_space<semaphore_mem>> -> memref<1x!tpu.dma_semaphore, #tpu.memory_space<semaphore_mem>>
    %dma_wait3A_81 = tpu.memref_squeeze %dma_wait3A_80 : memref<1x!tpu.dma_semaphore, #tpu.memory_space<semaphore_mem>> -> memref<!tpu.dma_semaphore, #tpu.memory_space<semaphore_mem>>
    %dma_wait3A_82 = arith.constant 0 : i32
    %dma_wait3A_83 = arith.constant 0 : i32
    %dma_wait3A_84 = tpu.memref_slice %arg9[%dma_wait3A, %dma_wait3A_82, %dma_wait3A_83] : memref<5x64x128xf32, #tpu.memory_space<vmem>> -> memref<1x64x128xf32, #tpu.memory_space<vmem>>
    %dma_wait3A_85 = tpu.memref_squeeze %dma_wait3A_84 : memref<1x64x128xf32, #tpu.memory_space<vmem>> -> memref<64x128xf32, #tpu.memory_space<vmem>>
    %dma_wait3A_86 = arith.constant 0 : i32
    %dma_wait3A_87 = arith.constant 0 : i32
    %dma_wait3A_88 = tpu.memref_slice %arg2[%dma_wait3A_86, %dma_wait3A_87] : memref<10240x128xf32, #tpu.memory_space<hbm>> -> memref<64x128xf32, #tpu.memory_space<hbm>>
    tpu.wait_dma2 semaphore(%dma_wait3A_81 : memref<!tpu.dma_semaphore, #tpu.memory_space<semaphore_mem>>) src(%dma_wait3A_88 : memref<64x128xf32, #tpu.memory_space<hbm>>) dst(%dma_wait3A_85 : memref<64x128xf32, #tpu.memory_space<vmem>>)
    %dma_wait3A_89 = arith.constant 1 : i32
    %dma_wait3A_90 = arith.constant 1 : i32
    %dma_wait3A_91 = arith.constant 0 : i32
    %dma_wait3A_92 = arith.constant 0 : i32
    %dma_wait3A_93 = tpu.memref_slice %arg9[%dma_wait3A_89, %dma_wait3A_91, %dma_wait3A_92] : memref<5x64x128xf32, #tpu.memory_space<vmem>> -> memref<1x64x128xf32, #tpu.memory_space<vmem>>
    %dma_wait3A_94 = tpu.memref_squeeze %dma_wait3A_93 : memref<1x64x128xf32, #tpu.memory_space<vmem>> -> memref<64x128xf32, #tpu.memory_space<vmem>>
    %dma_wait3A_95 = arith.constant 0 : i32
    %dma_wait3A_96 = arith.constant 0 : i32
    %dma_wait3A_97 = tpu.memref_slice %arg2[%dma_wait3A_95, %dma_wait3A_96] : memref<10240x128xf32, #tpu.memory_space<hbm>> -> memref<64x128xf32, #tpu.memory_space<hbm>>
    %dma_wait3A_98 = tpu.memref_slice %arg12[%dma_wait3A_90] : memref<5x!tpu.dma_semaphore, #tpu.memory_space<semaphore_mem>> -> memref<1x!tpu.dma_semaphore, #tpu.memory_space<semaphore_mem>>
    %dma_wait3A_99 = tpu.memref_squeeze %dma_wait3A_98 : memref<1x!tpu.dma_semaphore, #tpu.memory_space<semaphore_mem>> -> memref<!tpu.dma_semaphore, #tpu.memory_space<semaphore_mem>>
    %dma_wait3A_100 = arith.constant 0 : i32
    %dma_wait3A_101 = arith.constant 0 : i32
    %dma_wait3A_102 = tpu.memref_slice %arg9[%dma_wait3A_89, %dma_wait3A_100, %dma_wait3A_101] : memref<5x64x128xf32, #tpu.memory_space<vmem>> -> memref<1x64x128xf32, #tpu.memory_space<vmem>>
    %dma_wait3A_103 = tpu.memref_squeeze %dma_wait3A_102 : memref<1x64x128xf32, #tpu.memory_space<vmem>> -> memref<64x128xf32, #tpu.memory_space<vmem>>
    %dma_wait3A_104 = arith.constant 0 : i32
    %dma_wait3A_105 = arith.constant 0 : i32
    %dma_wait3A_106 = tpu.memref_slice %arg2[%dma_wait3A_104, %dma_wait3A_105] : memref<10240x128xf32, #tpu.memory_space<hbm>> -> memref<64x128xf32, #tpu.memory_space<hbm>>
    tpu.wait_dma2 semaphore(%dma_wait3A_99 : memref<!tpu.dma_semaphore, #tpu.memory_space<semaphore_mem>>) src(%dma_wait3A_106 : memref<64x128xf32, #tpu.memory_space<hbm>>) dst(%dma_wait3A_103 : memref<64x128xf32, #tpu.memory_space<vmem>>)
    %dma_wait3A_107 = arith.constant 2 : i32
    %dma_wait3A_108 = arith.constant 2 : i32
    %dma_wait3A_109 = arith.constant 0 : i32
    %dma_wait3A_110 = arith.constant 0 : i32
    %dma_wait3A_111 = tpu.memref_slice %arg9[%dma_wait3A_107, %dma_wait3A_109, %dma_wait3A_110] : memref<5x64x128xf32, #tpu.memory_space<vmem>> -> memref<1x64x128xf32, #tpu.memory_space<vmem>>
    %dma_wait3A_112 = tpu.memref_squeeze %dma_wait3A_111 : memref<1x64x128xf32, #tpu.memory_space<vmem>> -> memref<64x128xf32, #tpu.memory_space<vmem>>
    %dma_wait3A_113 = arith.constant 0 : i32
    %dma_wait3A_114 = arith.constant 0 : i32
    %dma_wait3A_115 = tpu.memref_slice %arg2[%dma_wait3A_113, %dma_wait3A_114] : memref<10240x128xf32, #tpu.memory_space<hbm>> -> memref<64x128xf32, #tpu.memory_space<hbm>>
    %dma_wait3A_116 = tpu.memref_slice %arg12[%dma_wait3A_108] : memref<5x!tpu.dma_semaphore, #tpu.memory_space<semaphore_mem>> -> memref<1x!tpu.dma_semaphore, #tpu.memory_space<semaphore_mem>>
    %dma_wait3A_117 = tpu.memref_squeeze %dma_wait3A_116 : memref<1x!tpu.dma_semaphore, #tpu.memory_space<semaphore_mem>> -> memref<!tpu.dma_semaphore, #tpu.memory_space<semaphore_mem>>
    %dma_wait3A_118 = arith.constant 0 : i32
    %dma_wait3A_119 = arith.constant 0 : i32
    %dma_wait3A_120 = tpu.memref_slice %arg9[%dma_wait3A_107, %dma_wait3A_118, %dma_wait3A_119] : memref<5x64x128xf32, #tpu.memory_space<vmem>> -> memref<1x64x128xf32, #tpu.memory_space<vmem>>
    %dma_wait3A_121 = tpu.memref_squeeze %dma_wait3A_120 : memref<1x64x128xf32, #tpu.memory_space<vmem>> -> memref<64x128xf32, #tpu.memory_space<vmem>>
    %dma_wait3A_122 = arith.constant 0 : i32
    %dma_wait3A_123 = arith.constant 0 : i32
    %dma_wait3A_124 = tpu.memref_slice %arg2[%dma_wait3A_122, %dma_wait3A_123] : memref<10240x128xf32, #tpu.memory_space<hbm>> -> memref<64x128xf32, #tpu.memory_space<hbm>>
    tpu.wait_dma2 semaphore(%dma_wait3A_117 : memref<!tpu.dma_semaphore, #tpu.memory_space<semaphore_mem>>) src(%dma_wait3A_124 : memref<64x128xf32, #tpu.memory_space<hbm>>) dst(%dma_wait3A_121 : memref<64x128xf32, #tpu.memory_space<vmem>>)
    %dma_wait3A_125 = arith.constant 3 : i32
    %dma_wait3A_126 = arith.constant 3 : i32
    %dma_wait3A_127 = arith.constant 0 : i32
    %dma_wait3A_128 = arith.constant 0 : i32
    %dma_wait3A_129 = tpu.memref_slice %arg9[%dma_wait3A_125, %dma_wait3A_127, %dma_wait3A_128] : memref<5x64x128xf32, #tpu.memory_space<vmem>> -> memref<1x64x128xf32, #tpu.memory_space<vmem>>
    %dma_wait3A_130 = tpu.memref_squeeze %dma_wait3A_129 : memref<1x64x128xf32, #tpu.memory_space<vmem>> -> memref<64x128xf32, #tpu.memory_space<vmem>>
    %dma_wait3A_131 = arith.constant 0 : i32
    %dma_wait3A_132 = arith.constant 0 : i32
    %dma_wait3A_133 = tpu.memref_slice %arg2[%dma_wait3A_131, %dma_wait3A_132] : memref<10240x128xf32, #tpu.memory_space<hbm>> -> memref<64x128xf32, #tpu.memory_space<hbm>>
    %dma_wait3A_134 = tpu.memref_slice %arg12[%dma_wait3A_126] : memref<5x!tpu.dma_semaphore, #tpu.memory_space<semaphore_mem>> -> memref<1x!tpu.dma_semaphore, #tpu.memory_space<semaphore_mem>>
    %dma_wait3A_135 = tpu.memref_squeeze %dma_wait3A_134 : memref<1x!tpu.dma_semaphore, #tpu.memory_space<semaphore_mem>> -> memref<!tpu.dma_semaphore, #tpu.memory_space<semaphore_mem>>
    %dma_wait3A_136 = arith.constant 0 : i32
    %dma_wait3A_137 = arith.constant 0 : i32
    %dma_wait3A_138 = tpu.memref_slice %arg9[%dma_wait3A_125, %dma_wait3A_136, %dma_wait3A_137] : memref<5x64x128xf32, #tpu.memory_space<vmem>> -> memref<1x64x128xf32, #tpu.memory_space<vmem>>
    %dma_wait3A_139 = tpu.memref_squeeze %dma_wait3A_138 : memref<1x64x128xf32, #tpu.memory_space<vmem>> -> memref<64x128xf32, #tpu.memory_space<vmem>>
    %dma_wait3A_140 = arith.constant 0 : i32
    %dma_wait3A_141 = arith.constant 0 : i32
    %dma_wait3A_142 = tpu.memref_slice %arg2[%dma_wait3A_140, %dma_wait3A_141] : memref<10240x128xf32, #tpu.memory_space<hbm>> -> memref<64x128xf32, #tpu.memory_space<hbm>>
    tpu.wait_dma2 semaphore(%dma_wait3A_135 : memref<!tpu.dma_semaphore, #tpu.memory_space<semaphore_mem>>) src(%dma_wait3A_142 : memref<64x128xf32, #tpu.memory_space<hbm>>) dst(%dma_wait3A_139 : memref<64x128xf32, #tpu.memory_space<vmem>>)
    %dma_wait3A_143 = arith.constant 4 : i32
    %dma_wait3A_144 = arith.constant 4 : i32
    %dma_wait3A_145 = arith.constant 0 : i32
    %dma_wait3A_146 = arith.constant 0 : i32
    %dma_wait3A_147 = tpu.memref_slice %arg9[%dma_wait3A_143, %dma_wait3A_145, %dma_wait3A_146] : memref<5x64x128xf32, #tpu.memory_space<vmem>> -> memref<1x64x128xf32, #tpu.memory_space<vmem>>
    %dma_wait3A_148 = tpu.memref_squeeze %dma_wait3A_147 : memref<1x64x128xf32, #tpu.memory_space<vmem>> -> memref<64x128xf32, #tpu.memory_space<vmem>>
    %dma_wait3A_149 = arith.constant 0 : i32
    %dma_wait3A_150 = arith.constant 0 : i32
    %dma_wait3A_151 = tpu.memref_slice %arg2[%dma_wait3A_149, %dma_wait3A_150] : memref<10240x128xf32, #tpu.memory_space<hbm>> -> memref<64x128xf32, #tpu.memory_space<hbm>>
    %dma_wait3A_152 = tpu.memref_slice %arg12[%dma_wait3A_144] : memref<5x!tpu.dma_semaphore, #tpu.memory_space<semaphore_mem>> -> memref<1x!tpu.dma_semaphore, #tpu.memory_space<semaphore_mem>>
    %dma_wait3A_153 = tpu.memref_squeeze %dma_wait3A_152 : memref<1x!tpu.dma_semaphore, #tpu.memory_space<semaphore_mem>> -> memref<!tpu.dma_semaphore, #tpu.memory_space<semaphore_mem>>
    %dma_wait3A_154 = arith.constant 0 : i32
    %dma_wait3A_155 = arith.constant 0 : i32
    %dma_wait3A_156 = tpu.memref_slice %arg9[%dma_wait3A_143, %dma_wait3A_154, %dma_wait3A_155] : memref<5x64x128xf32, #tpu.memory_space<vmem>> -> memref<1x64x128xf32, #tpu.memory_space<vmem>>
    %dma_wait3A_157 = tpu.memref_squeeze %dma_wait3A_156 : memref<1x64x128xf32, #tpu.memory_space<vmem>> -> memref<64x128xf32, #tpu.memory_space<vmem>>
    %dma_wait3A_158 = arith.constant 0 : i32
    %dma_wait3A_159 = arith.constant 0 : i32
    %dma_wait3A_160 = tpu.memref_slice %arg2[%dma_wait3A_158, %dma_wait3A_159] : memref<10240x128xf32, #tpu.memory_space<hbm>> -> memref<64x128xf32, #tpu.memory_space<hbm>>
    tpu.wait_dma2 semaphore(%dma_wait3A_153 : memref<!tpu.dma_semaphore, #tpu.memory_space<semaphore_mem>>) src(%dma_wait3A_160 : memref<64x128xf32, #tpu.memory_space<hbm>>) dst(%dma_wait3A_157 : memref<64x128xf32, #tpu.memory_space<vmem>>)
    %barrier3A_161 = arith.constant 0 : index
    tpu.barrier barrier_id(%barrier3A_161)
    "tpu.region"() ({
      %run_scoped3A_162 = tpu.sem_alloc : memref<!tpu.dma_semaphore, #tpu.memory_space<semaphore_mem>>
      %dma_start3A_163 = arith.constant 0 : i32
      %dma_start3A_164 = tpu.memref_slice %arg6[%arg0, %mul3A_2, %dma_start3A_163] : memref<2x10240x128xf32, #tpu.memory_space<hbm>> -> memref<1x640x128xf32, #tpu.memory_space<hbm>>
      %dma_start3A_165 = tpu.memref_squeeze %dma_start3A_164 : memref<1x640x128xf32, #tpu.memory_space<hbm>> -> memref<640x128xf32, #tpu.memory_space<hbm>>
      %dma_start3A_166 = arith.constant 0 : i32
      %dma_start3A_167 = tpu.memref_slice %arg10[%mul3A_2, %dma_start3A_166] : memref<10240x128xf32, #tpu.memory_space<vmem_shared>> -> memref<640x128xf32, #tpu.memory_space<vmem_shared>>
      tpu.enqueue_dma source(%dma_start3A_167 : memref<640x128xf32, #tpu.memory_space<vmem_shared>>) target(%dma_start3A_165 : memref<640x128xf32, #tpu.memory_space<hbm>>) target_semaphore(%run_scoped3A_162 : memref<!tpu.dma_semaphore, #tpu.memory_space<semaphore_mem>>)
      %dma_wait3A_168 = arith.constant 0 : i32
      %dma_wait3A_169 = tpu.memref_slice %arg6[%arg0, %mul3A_2, %dma_wait3A_168] : memref<2x10240x128xf32, #tpu.memory_space<hbm>> -> memref<1x640x128xf32, #tpu.memory_space<hbm>>
      %dma_wait3A_170 = tpu.memref_squeeze %dma_wait3A_169 : memref<1x640x128xf32, #tpu.memory_space<hbm>> -> memref<640x128xf32, #tpu.memory_space<hbm>>
      %dma_wait3A_171 = arith.constant 0 : i32
      %dma_wait3A_172 = tpu.memref_slice %arg10[%mul3A_2, %dma_wait3A_171] : memref<10240x128xf32, #tpu.memory_space<vmem_shared>> -> memref<640x128xf32, #tpu.memory_space<vmem_shared>>
      tpu.wait_dma2 semaphore(%run_scoped3A_162 : memref<!tpu.dma_semaphore, #tpu.memory_space<semaphore_mem>>) src(%dma_wait3A_172 : memref<640x128xf32, #tpu.memory_space<vmem_shared>>) dst(%dma_wait3A_170 : memref<640x128xf32, #tpu.memory_space<hbm>>)
      tpu.yield
    }) : () -> ()
    return
  }
}

module attributes {stable_mosaic.version = 14 : i64} {
  func.func @_scale_body(%arg0: i32, %arg1: memref<2x1280xf32, #tpu.memory_space<vmem>>, %arg2: memref<2x1280xf32, #tpu.memory_space<vmem>>, %arg3: memref<1280x128xf32, #tpu.memory_space<vmem>>, %arg4: memref<1280x128xf32, #tpu.memory_space<vmem>>, %arg5: memref<1280x1xf32, #tpu.memory_space<vmem>>, %arg6: memref<1280x1xf32, #tpu.memory_space<vmem>>) attributes {dimension_semantics = [#tpu.dimension_semantics<arbitrary>], iteration_bounds = array<i64: 8>, scalar_prefetch = 0 : i64, scratch_operands = 0 : i64, tpu.core_type = #tpu.core_type<tc>, window_params = [{transform_indices = @transform_0, window_bounds = array<i64: 2, 1280>}, {transform_indices = @transform_1, window_bounds = array<i64: 2, 1280>}, {transform_indices = @transform_2, window_bounds = array<i64: 1280, 128>}, {transform_indices = @transform_3, window_bounds = array<i64: 1280, 128>}, {transform_indices = @transform_4, window_bounds = array<i64: 1280, 1>}, {transform_indices = @transform_5, window_bounds = array<i64: 1280, 1>}]} {
    %get3A = arith.constant 0 : index
    %get3A_0 = arith.constant 0 : index
    %get3A_1 = vector.load %arg1[%get3A, %get3A_0] : memref<2x1280xf32, #tpu.memory_space<vmem>>, vector<1x1280xf32>
    %get3A_2 = vector.shape_cast %get3A_1 : vector<1x1280xf32> to vector<1280xf32>
    %get3A_3 = arith.constant 1 : index
    %get3A_4 = arith.constant 0 : index
    %get3A_5 = vector.load %arg1[%get3A_3, %get3A_4] : memref<2x1280xf32, #tpu.memory_space<vmem>>, vector<1x1280xf32>
    %get3A_6 = vector.shape_cast %get3A_5 : vector<1x1280xf32> to vector<1280xf32>
    %add3A = arith.addf %get3A_2, %get3A_6 : vector<1280xf32>
    %get3A_7 = arith.constant 0 : index
    %get3A_8 = arith.constant 0 : index
    %get3A_9 = vector.load %arg2[%get3A_7, %get3A_8] : memref<2x1280xf32, #tpu.memory_space<vmem>>, vector<1x1280xf32>
    %get3A_10 = vector.shape_cast %get3A_9 : vector<1x1280xf32> to vector<1280xf32>
    %get3A_11 = arith.constant 1 : index
    %get3A_12 = arith.constant 0 : index
    %get3A_13 = vector.load %arg2[%get3A_11, %get3A_12] : memref<2x1280xf32, #tpu.memory_space<vmem>>, vector<1x1280xf32>
    %get3A_14 = vector.shape_cast %get3A_13 : vector<1x1280xf32> to vector<1280xf32>
    %add3A_15 = arith.addf %get3A_10, %get3A_14 : vector<1280xf32>
    %add3A_16 = arith.constant 1.000000e+00 : f32
    %add3A_17 = vector.broadcast %add3A_16 : f32 to vector<1280xf32>
    %add3A_18 = arith.addf %add3A_15, %add3A_17 : vector<1280xf32>
    %gt3A = arith.constant 0.000000e+00 : f32
    %gt3A_19 = vector.broadcast %gt3A : f32 to vector<1280xf32>
    %gt3A_20 = arith.cmpf ogt, %add3A, %gt3A_19 : vector<1280xf32>
    %rsqrt3A = math.rsqrt %add3A : vector<1280xf32>
    %jit3A = arith.constant 0.000000e+00 : f32
    %broadcast_in_dim3A = vector.broadcast %jit3A : f32 to vector<1280xf32>
    %select_n3A = arith.select %gt3A_20, %rsqrt3A, %broadcast_in_dim3A : vector<1280xi1>, vector<1280xf32>
    %rsqrt3A_21 = math.rsqrt %add3A_18 : vector<1280xf32>
    %broadcast_in_dim3A_22 = vector.shape_cast %select_n3A : vector<1280xf32> to vector<1280x1xf32>
    %swap3A = arith.constant 0 : index
    %swap3A_23 = arith.constant 0 : index
    %swap3A_24 = vector.load %arg5[%swap3A, %swap3A_23] : memref<1280x1xf32, #tpu.memory_space<vmem>>, vector<1280x1xf32>
    tpu.vector_store %arg5[%swap3A, %swap3A_23], %broadcast_in_dim3A_22 {strides = array<i32>} : memref<1280x1xf32, #tpu.memory_space<vmem>>, vector<1280x1xf32>,
    %broadcast_in_dim3A_25 = vector.shape_cast %rsqrt3A_21 : vector<1280xf32> to vector<1280x1xf32>
    %swap3A_26 = arith.constant 0 : index
    %swap3A_27 = arith.constant 0 : index
    %swap3A_28 = vector.load %arg6[%swap3A_26, %swap3A_27] : memref<1280x1xf32, #tpu.memory_space<vmem>>, vector<1280x1xf32>
    tpu.vector_store %arg6[%swap3A_26, %swap3A_27], %broadcast_in_dim3A_25 {strides = array<i32>} : memref<1280x1xf32, #tpu.memory_space<vmem>>, vector<1280x1xf32>,
    %get3A_29 = arith.constant 0 : index
    %get3A_30 = arith.constant 0 : index
    %get3A_31 = vector.load %arg3[%get3A_29, %get3A_30] : memref<1280x128xf32, #tpu.memory_space<vmem>>, vector<1280x128xf32>
    %broadcast_in_dim3A_32 = vector.shape_cast %select_n3A : vector<1280xf32> to vector<1280x1xf32>
    %mul3A = vector.broadcast %broadcast_in_dim3A_32 : vector<1280x1xf32> to vector<1280x128xf32>
    %mul3A_33 = arith.mulf %get3A_31, %mul3A : vector<1280x128xf32>
    %swap3A_34 = arith.constant 0 : index
    %swap3A_35 = arith.constant 0 : index
    %swap3A_36 = vector.load %arg4[%swap3A_34, %swap3A_35] : memref<1280x128xf32, #tpu.memory_space<vmem>>, vector<1280x128xf32>
    tpu.vector_store %arg4[%swap3A_34, %swap3A_35], %mul3A_33 {strides = array<i32>} : memref<1280x128xf32, #tpu.memory_space<vmem>>, vector<1280x128xf32>,
    return
  }
  func.func @transform_0(%arg0: i32) -> (i32, i32) {
    %c0_i32 = arith.constant 0 : i32
    %c0_i32_0 = arith.constant 0 : i32
    return %c0_i32, %arg0 : i32, i32
  }
  func.func @transform_1(%arg0: i32) -> (i32, i32) {
    %c0_i32 = arith.constant 0 : i32
    %c0_i32_0 = arith.constant 0 : i32
    return %c0_i32, %arg0 : i32, i32
  }
  func.func @transform_2(%arg0: i32) -> (i32, i32) {
    %c0_i32 = arith.constant 0 : i32
    %c0_i32_0 = arith.constant 0 : i32
    return %arg0, %c0_i32 : i32, i32
  }
  func.func @transform_3(%arg0: i32) -> (i32, i32) {
    %c0_i32 = arith.constant 0 : i32
    %c0_i32_0 = arith.constant 0 : i32
    return %arg0, %c0_i32 : i32, i32
  }
  func.func @transform_4(%arg0: i32) -> (i32, i32) {
    %c0_i32 = arith.constant 0 : i32
    %c0_i32_0 = arith.constant 0 : i32
    return %arg0, %c0_i32 : i32, i32
  }
  func.func @transform_5(%arg0: i32) -> (i32, i32) {
    %c0_i32 = arith.constant 0 : i32
    %c0_i32_0 = arith.constant 0 : i32
    return %arg0, %c0_i32 : i32, i32
  }
}

module attributes {stable_mosaic.version = 14 : i64} {
  func.func @_gates_body(%arg0: i32, %arg1: memref<1280x128xf32, #tpu.memory_space<vmem>>, %arg2: memref<2x1280x128xf32, #tpu.memory_space<vmem>>, %arg3: memref<1280x1xf32, #tpu.memory_space<vmem>>, %arg4: memref<1280x1xf32, #tpu.memory_space<vmem>>, %arg5: memref<2x128x128xf32, #tpu.memory_space<vmem>>, %arg6: memref<2x128x128xf32, #tpu.memory_space<vmem>>, %arg7: memref<128x128xf32, #tpu.memory_space<vmem>>, %arg8: memref<128xf32, #tpu.memory_space<vmem>>, %arg9: memref<128xf32, #tpu.memory_space<vmem>>, %arg10: memref<1280x128xf32, #tpu.memory_space<vmem>>) attributes {dimension_semantics = [#tpu.dimension_semantics<arbitrary>], iteration_bounds = array<i64: 8>, scalar_prefetch = 0 : i64, scratch_operands = 0 : i64, tpu.core_type = #tpu.core_type<tc>, window_params = [{transform_indices = @transform_0, window_bounds = array<i64: 1280, 128>}, {transform_indices = @transform_1, window_bounds = array<i64: 2, 1280, 128>}, {transform_indices = @transform_2, window_bounds = array<i64: 1280, 1>}, {transform_indices = @transform_3, window_bounds = array<i64: 1280, 1>}, {pipeline_mode = #tpu.pipeline_mode<synchronous>, transform_indices = @transform_4, window_bounds = array<i64: 2, 128, 128>}, {pipeline_mode = #tpu.pipeline_mode<synchronous>, transform_indices = @transform_5, window_bounds = array<i64: 2, 128, 128>}, {pipeline_mode = #tpu.pipeline_mode<synchronous>, transform_indices = @transform_6, window_bounds = array<i64: 128, 128>}, {pipeline_mode = #tpu.pipeline_mode<synchronous>, transform_indices = @transform_7, window_bounds = array<i64: 128>}, {pipeline_mode = #tpu.pipeline_mode<synchronous>, transform_indices = @transform_8, window_bounds = array<i64: 128>}, {transform_indices = @transform_9, window_bounds = array<i64: 1280, 128>}]} {
    %get3A = arith.constant 0 : index
    %get3A_0 = arith.constant 0 : index
    %get3A_1 = arith.constant 0 : index
    %get3A_2 = vector.load %arg2[%get3A, %get3A_0, %get3A_1] : memref<2x1280x128xf32, #tpu.memory_space<vmem>>, vector<1x1280x128xf32>
    %get3A_3 = vector.shape_cast %get3A_2 : vector<1x1280x128xf32> to vector<1280x128xf32>
    %get3A_4 = arith.constant 1 : index
    %get3A_5 = arith.constant 0 : index
    %get3A_6 = arith.constant 0 : index
    %get3A_7 = vector.load %arg2[%get3A_4, %get3A_5, %get3A_6] : memref<2x1280x128xf32, #tpu.memory_space<vmem>>, vector<1x1280x128xf32>
    %get3A_8 = vector.shape_cast %get3A_7 : vector<1x1280x128xf32> to vector<1280x128xf32>
    %add3A = arith.addf %get3A_3, %get3A_8 : vector<1280x128xf32>
    %get3A_9 = arith.constant 0 : index
    %get3A_10 = arith.constant 0 : index
    %get3A_11 = vector.load %arg3[%get3A_9, %get3A_10] : memref<1280x1xf32, #tpu.memory_space<vmem>>, vector<1280x1xf32>
    %neg3A = arith.constant 0.000000e+00 : f32
    %neg3A_12 = vector.broadcast %neg3A : f32 to vector<1280x1xf32>
    %neg3A_13 = arith.subf %neg3A_12, %get3A_11 : vector<1280x1xf32>
    %mul3A = vector.broadcast %neg3A_13 : vector<1280x1xf32> to vector<1280x128xf32>
    %mul3A_14 = arith.mulf %add3A, %mul3A : vector<1280x128xf32>
    %get3A_15 = arith.constant 0 : index
    %get3A_16 = arith.constant 0 : index
    %get3A_17 = vector.load %arg1[%get3A_15, %get3A_16] : memref<1280x128xf32, #tpu.memory_space<vmem>>, vector<1280x128xf32>
    %get3A_18 = arith.constant 0 : index
    %get3A_19 = arith.constant 0 : index
    %get3A_20 = arith.constant 0 : index
    %get3A_21 = vector.load %arg5[%get3A_18, %get3A_19, %get3A_20] : memref<2x128x128xf32, #tpu.memory_space<vmem>>, vector<1x128x128xf32>
    %get3A_22 = vector.shape_cast %get3A_21 : vector<1x128x128xf32> to vector<128x128xf32>
    %dot_general3A = arith.constant dense<0.000000e+00> : vector<1280x128xf32>
    %dot_general3A_23 = tpu.matmul %get3A_17, %get3A_22, %dot_general3A {dimension_numbers = #tpu.dot_dimension_numbers<[1], [0], [0], [1], [0, 0, 1, 1], [], []>, transpose_lhs_hint = false} : vector<1280x128xf32>, vector<128x128xf32>, vector<1280x128xf32> -> vector<1280x128xf32>
    %get3A_24 = arith.constant 1 : index
    %get3A_25 = arith.constant 0 : index
    %get3A_26 = arith.constant 0 : index
    %get3A_27 = vector.load %arg5[%get3A_24, %get3A_25, %get3A_26] : memref<2x128x128xf32, #tpu.memory_space<vmem>>, vector<1x128x128xf32>
    %get3A_28 = vector.shape_cast %get3A_27 : vector<1x128x128xf32> to vector<128x128xf32>
    %dot_general3A_29 = arith.constant dense<0.000000e+00> : vector<1280x128xf32>
    %dot_general3A_30 = tpu.matmul %mul3A_14, %get3A_28, %dot_general3A_29 {dimension_numbers = #tpu.dot_dimension_numbers<[1], [0], [0], [1], [0, 0, 1, 1], [], []>, transpose_lhs_hint = false} : vector<1280x128xf32>, vector<128x128xf32>, vector<1280x128xf32> -> vector<1280x128xf32>
    %add3A_31 = arith.addf %dot_general3A_23, %dot_general3A_30 : vector<1280x128xf32>
    %get3A_32 = arith.constant 0 : index
    %get3A_33 = vector.load %arg8[%get3A_32] : memref<128xf32, #tpu.memory_space<vmem>>, vector<128xf32>
    %broadcast_in_dim3A = vector.shape_cast %get3A_33 : vector<128xf32> to vector<1x128xf32>
    %add3A_34 = vector.broadcast %broadcast_in_dim3A : vector<1x128xf32> to vector<1280x128xf32>
    %add3A_35 = arith.addf %add3A_31, %add3A_34 : vector<1280x128xf32>
    %get3A_36 = arith.constant 0 : index
    %get3A_37 = arith.constant 0 : index
    %get3A_38 = arith.constant 0 : index
    %get3A_39 = vector.load %arg6[%get3A_36, %get3A_37, %get3A_38] : memref<2x128x128xf32, #tpu.memory_space<vmem>>, vector<1x128x128xf32>
    %get3A_40 = vector.shape_cast %get3A_39 : vector<1x128x128xf32> to vector<128x128xf32>
    %dot_general3A_41 = arith.constant dense<0.000000e+00> : vector<1280x128xf32>
    %dot_general3A_42 = tpu.matmul %get3A_17, %get3A_40, %dot_general3A_41 {dimension_numbers = #tpu.dot_dimension_numbers<[1], [0], [0], [1], [0, 0, 1, 1], [], []>, transpose_lhs_hint = false} : vector<1280x128xf32>, vector<128x128xf32>, vector<1280x128xf32> -> vector<1280x128xf32>
    %get3A_43 = arith.constant 1 : index
    %get3A_44 = arith.constant 0 : index
    %get3A_45 = arith.constant 0 : index
    %get3A_46 = vector.load %arg6[%get3A_43, %get3A_44, %get3A_45] : memref<2x128x128xf32, #tpu.memory_space<vmem>>, vector<1x128x128xf32>
    %get3A_47 = vector.shape_cast %get3A_46 : vector<1x128x128xf32> to vector<128x128xf32>
    %dot_general3A_48 = arith.constant dense<0.000000e+00> : vector<1280x128xf32>
    %dot_general3A_49 = tpu.matmul %mul3A_14, %get3A_47, %dot_general3A_48 {dimension_numbers = #tpu.dot_dimension_numbers<[1], [0], [0], [1], [0, 0, 1, 1], [], []>, transpose_lhs_hint = false} : vector<1280x128xf32>, vector<128x128xf32>, vector<1280x128xf32> -> vector<1280x128xf32>
    %add3A_50 = arith.addf %dot_general3A_42, %dot_general3A_49 : vector<1280x128xf32>
    %get3A_51 = arith.constant 0 : index
    %get3A_52 = vector.load %arg9[%get3A_51] : memref<128xf32, #tpu.memory_space<vmem>>, vector<128xf32>
    %broadcast_in_dim3A_53 = vector.shape_cast %get3A_52 : vector<128xf32> to vector<1x128xf32>
    %add3A_54 = vector.broadcast %broadcast_in_dim3A_53 : vector<1x128xf32> to vector<1280x128xf32>
    %add3A_55 = arith.addf %add3A_50, %add3A_54 : vector<1280x128xf32>
    %logistic3A = arith.negf %add3A_35 : vector<1280x128xf32>
    %logistic3A_56 = math.exp %logistic3A : vector<1280x128xf32>
    %logistic3A_57 = arith.constant 1.000000e+00 : f32
    %logistic3A_58 = vector.broadcast %logistic3A_57 : f32 to vector<1280x128xf32>
    %logistic3A_59 = arith.addf %logistic3A_58, %logistic3A_56 : vector<1280x128xf32>
    %logistic3A_60 = arith.divf %logistic3A_58, %logistic3A_59 : vector<1280x128xf32>
    %sub3A = arith.constant 1.000000e+00 : f32
    %sub3A_61 = vector.broadcast %sub3A : f32 to vector<1280x128xf32>
    %sub3A_62 = arith.subf %sub3A_61, %logistic3A_60 : vector<1280x128xf32>
    %tanh3A = math.tanh %add3A_55 : vector<1280x128xf32>
    %mul3A_63 = arith.mulf %sub3A_62, %tanh3A : vector<1280x128xf32>
    %get3A_64 = arith.constant 0 : index
    %get3A_65 = arith.constant 0 : index
    %get3A_66 = vector.load %arg7[%get3A_64, %get3A_65] : memref<128x128xf32, #tpu.memory_space<vmem>>, vector<128x128xf32>
    %dot_general3A_67 = arith.constant dense<0.000000e+00> : vector<1280x128xf32>
    %dot_general3A_68 = tpu.matmul %mul3A_63, %get3A_66, %dot_general3A_67 {dimension_numbers = #tpu.dot_dimension_numbers<[1], [0], [0], [1], [0, 0, 1, 1], [], []>, transpose_lhs_hint = false} : vector<1280x128xf32>, vector<128x128xf32>, vector<1280x128xf32> -> vector<1280x128xf32>
    %get3A_69 = arith.constant 0 : index
    %get3A_70 = arith.constant 0 : index
    %get3A_71 = vector.load %arg4[%get3A_69, %get3A_70] : memref<1280x1xf32, #tpu.memory_space<vmem>>, vector<1280x1xf32>
    %mul3A_72 = vector.broadcast %get3A_71 : vector<1280x1xf32> to vector<1280x128xf32>
    %mul3A_73 = arith.mulf %dot_general3A_68, %mul3A_72 : vector<1280x128xf32>
    %swap3A = arith.constant 0 : index
    %swap3A_74 = arith.constant 0 : index
    %swap3A_75 = vector.load %arg10[%swap3A, %swap3A_74] : memref<1280x128xf32, #tpu.memory_space<vmem>>, vector<1280x128xf32>
    tpu.vector_store %arg10[%swap3A, %swap3A_74], %mul3A_73 {strides = array<i32>} : memref<1280x128xf32, #tpu.memory_space<vmem>>, vector<1280x128xf32>,
    return
  }
  func.func @transform_0(%arg0: i32) -> (i32, i32) {
    %c0_i32 = arith.constant 0 : i32
    %c0_i32_0 = arith.constant 0 : i32
    return %arg0, %c0_i32 : i32, i32
  }
  func.func @transform_1(%arg0: i32) -> (i32, i32, i32) {
    %c0_i32 = arith.constant 0 : i32
    %c0_i32_0 = arith.constant 0 : i32
    %c0_i32_1 = arith.constant 0 : i32
    return %c0_i32, %arg0, %c0_i32_0 : i32, i32, i32
  }
  func.func @transform_2(%arg0: i32) -> (i32, i32) {
    %c0_i32 = arith.constant 0 : i32
    %c0_i32_0 = arith.constant 0 : i32
    return %arg0, %c0_i32 : i32, i32
  }
  func.func @transform_3(%arg0: i32) -> (i32, i32) {
    %c0_i32 = arith.constant 0 : i32
    %c0_i32_0 = arith.constant 0 : i32
    return %arg0, %c0_i32 : i32, i32
  }
  func.func @transform_4(%arg0: i32) -> (i32, i32, i32) {
    %c0_i32 = arith.constant 0 : i32
    %c0_i32_0 = arith.constant 0 : i32
    %c0_i32_1 = arith.constant 0 : i32
    %c0_i32_2 = arith.constant 0 : i32
    return %c0_i32, %c0_i32_0, %c0_i32_1 : i32, i32, i32
  }
  func.func @transform_5(%arg0: i32) -> (i32, i32, i32) {
    %c0_i32 = arith.constant 0 : i32
    %c0_i32_0 = arith.constant 0 : i32
    %c0_i32_1 = arith.constant 0 : i32
    %c0_i32_2 = arith.constant 0 : i32
    return %c0_i32, %c0_i32_0, %c0_i32_1 : i32, i32, i32
  }
  func.func @transform_6(%arg0: i32) -> (i32, i32) {
    %c0_i32 = arith.constant 0 : i32
    %c0_i32_0 = arith.constant 0 : i32
    %c0_i32_1 = arith.constant 0 : i32
    return %c0_i32, %c0_i32_0 : i32, i32
  }
  func.func @transform_7(%arg0: i32) -> i32 {
    %c0_i32 = arith.constant 0 : i32
    %c0_i32_0 = arith.constant 0 : i32
    return %c0_i32 : i32
  }
  func.func @transform_8(%arg0: i32) -> i32 {
    %c0_i32 = arith.constant 0 : i32
    %c0_i32_0 = arith.constant 0 : i32
    return %c0_i32 : i32
  }
  func.func @transform_9(%arg0: i32) -> (i32, i32) {
    %c0_i32 = arith.constant 0 : i32
    %c0_i32_0 = arith.constant 0 : i32
    return %arg0, %c0_i32 : i32, i32
  }
}

module attributes {stable_mosaic.version = 14 : i64} {
  func.func @_final_body(%arg0: i32, %arg1: memref<2x1280x128xf32, #tpu.memory_space<vmem>>, %arg2: memref<1280x128xf32, #tpu.memory_space<vmem>>, %arg3: memref<1280x1xf32, #tpu.memory_space<vmem>>, %arg4: memref<128xf32, #tpu.memory_space<vmem>>, %arg5: memref<1x128xf32, #tpu.memory_space<vmem>>, %arg6: memref<1xf32, #tpu.memory_space<vmem>>, %arg7: memref<1280x1xf32, #tpu.memory_space<vmem>>) attributes {dimension_semantics = [#tpu.dimension_semantics<arbitrary>], iteration_bounds = array<i64: 8>, scalar_prefetch = 0 : i64, scratch_operands = 0 : i64, tpu.core_type = #tpu.core_type<tc>, window_params = [{transform_indices = @transform_0, window_bounds = array<i64: 2, 1280, 128>}, {transform_indices = @transform_1, window_bounds = array<i64: 1280, 128>}, {transform_indices = @transform_2, window_bounds = array<i64: 1280, 1>}, {pipeline_mode = #tpu.pipeline_mode<synchronous>, transform_indices = @transform_3, window_bounds = array<i64: 128>}, {pipeline_mode = #tpu.pipeline_mode<synchronous>, transform_indices = @transform_4, window_bounds = array<i64: 1, 128>}, {pipeline_mode = #tpu.pipeline_mode<synchronous>, transform_indices = @transform_5, window_bounds = array<i64: 1>}, {transform_indices = @transform_6, window_bounds = array<i64: 1280, 1>}]} {
    %get3A = arith.constant 0 : index
    %get3A_0 = arith.constant 0 : index
    %get3A_1 = arith.constant 0 : index
    %get3A_2 = vector.load %arg1[%get3A, %get3A_0, %get3A_1] : memref<2x1280x128xf32, #tpu.memory_space<vmem>>, vector<1x1280x128xf32>
    %get3A_3 = vector.shape_cast %get3A_2 : vector<1x1280x128xf32> to vector<1280x128xf32>
    %get3A_4 = arith.constant 1 : index
    %get3A_5 = arith.constant 0 : index
    %get3A_6 = arith.constant 0 : index
    %get3A_7 = vector.load %arg1[%get3A_4, %get3A_5, %get3A_6] : memref<2x1280x128xf32, #tpu.memory_space<vmem>>, vector<1x1280x128xf32>
    %get3A_8 = vector.shape_cast %get3A_7 : vector<1x1280x128xf32> to vector<1280x128xf32>
    %add3A = arith.addf %get3A_3, %get3A_8 : vector<1280x128xf32>
    %get3A_9 = arith.constant 0 : index
    %get3A_10 = arith.constant 0 : index
    %get3A_11 = vector.load %arg2[%get3A_9, %get3A_10] : memref<1280x128xf32, #tpu.memory_space<vmem>>, vector<1280x128xf32>
    %add3A_12 = arith.addf %add3A, %get3A_11 : vector<1280x128xf32>
    %get3A_13 = arith.constant 0 : index
    %get3A_14 = arith.constant 0 : index
    %get3A_15 = vector.load %arg3[%get3A_13, %get3A_14] : memref<1280x1xf32, #tpu.memory_space<vmem>>, vector<1280x1xf32>
    %mul3A = vector.broadcast %get3A_15 : vector<1280x1xf32> to vector<1280x128xf32>
    %mul3A_16 = arith.mulf %add3A_12, %mul3A : vector<1280x128xf32>
    %get3A_17 = arith.constant 0 : index
    %get3A_18 = vector.load %arg4[%get3A_17] : memref<128xf32, #tpu.memory_space<vmem>>, vector<128xf32>
    %broadcast_in_dim3A = vector.shape_cast %get3A_18 : vector<128xf32> to vector<1x128xf32>
    %add3A_19 = vector.broadcast %broadcast_in_dim3A : vector<1x128xf32> to vector<1280x128xf32>
    %add3A_20 = arith.addf %mul3A_16, %add3A_19 : vector<1280x128xf32>
    %max3A = arith.constant 0.000000e+00 : f32
    %max3A_21 = vector.broadcast %max3A : f32 to vector<1280x128xf32>
    %max3A_22 = arith.maximumf %add3A_20, %max3A_21 : vector<1280x128xf32>
    %get3A_23 = arith.constant 0 : index
    %get3A_24 = arith.constant 0 : index
    %get3A_25 = vector.load %arg5[%get3A_23, %get3A_24] : memref<1x128xf32, #tpu.memory_space<vmem>>, vector<1x128xf32>
    %mul3A_26 = vector.broadcast %get3A_25 : vector<1x128xf32> to vector<1280x128xf32>
    %mul3A_27 = arith.mulf %max3A_22, %mul3A_26 : vector<1280x128xf32>
    %reduce_sum3A = arith.constant dense<0.000000e+00> : vector<1280xf32>
    %reduce_sum3A_28 = vector.multi_reduction <add>, %mul3A_27, %reduce_sum3A [1] : vector<1280x128xf32> to vector<1280xf32>
    %get3A_29 = arith.constant 0 : index
    %get3A_30 = vector.load %arg6[%get3A_29] : memref<1xf32, #tpu.memory_space<vmem>>, vector<1xf32>
    %get3A_31 = vector.extract %get3A_30[0] : f32 from vector<1xf32>
    %add3A_32 = vector.broadcast %get3A_31 : f32 to vector<1280xf32>
    %add3A_33 = arith.addf %reduce_sum3A_28, %add3A_32 : vector<1280xf32>
    %broadcast_in_dim3A_34 = vector.shape_cast %add3A_33 : vector<1280xf32> to vector<1280x1xf32>
    %swap3A = arith.constant 0 : index
    %swap3A_35 = arith.constant 0 : index
    %swap3A_36 = vector.load %arg7[%swap3A, %swap3A_35] : memref<1280x1xf32, #tpu.memory_space<vmem>>, vector<1280x1xf32>
    tpu.vector_store %arg7[%swap3A, %swap3A_35], %broadcast_in_dim3A_34 {strides = array<i32>} : memref<1280x1xf32, #tpu.memory_space<vmem>>, vector<1280x1xf32>,
    return
  }
  func.func @transform_0(%arg0: i32) -> (i32, i32, i32) {
    %c0_i32 = arith.constant 0 : i32
    %c0_i32_0 = arith.constant 0 : i32
    %c0_i32_1 = arith.constant 0 : i32
    return %c0_i32, %arg0, %c0_i32_0 : i32, i32, i32
  }
  func.func @transform_1(%arg0: i32) -> (i32, i32) {
    %c0_i32 = arith.constant 0 : i32
    %c0_i32_0 = arith.constant 0 : i32
    return %arg0, %c0_i32 : i32, i32
  }
  func.func @transform_2(%arg0: i32) -> (i32, i32) {
    %c0_i32 = arith.constant 0 : i32
    %c0_i32_0 = arith.constant 0 : i32
    return %arg0, %c0_i32 : i32, i32
  }
  func.func @transform_3(%arg0: i32) -> i32 {
    %c0_i32 = arith.constant 0 : i32
    %c0_i32_0 = arith.constant 0 : i32
    return %c0_i32 : i32
  }
  func.func @transform_4(%arg0: i32) -> (i32, i32) {
    %c0_i32 = arith.constant 0 : i32
    %c0_i32_0 = arith.constant 0 : i32
    %c0_i32_1 = arith.constant 0 : i32
    return %c0_i32, %c0_i32_0 : i32, i32
  }
  func.func @transform_5(%arg0: i32) -> i32 {
    %c0_i32 = arith.constant 0 : i32
    %c0_i32_0 = arith.constant 0 : i32
    return %c0_i32 : i32
  }
  func.func @transform_6(%arg0: i32) -> (i32, i32) {
    %c0_i32 = arith.constant 0 : i32
    %c0_i32_0 = arith.constant 0 : i32
    return %arg0, %c0_i32 : i32, i32
  }
}

</mosaic_0001>

<sc_bundles>
// kernel: kernel.11.cloned.1.call-start
scs
__scs_entry_jumppad:
0x0: {  	(pc) =	sbr.rel $0x88, $3  }
0x1: {  	(tag) =	ssettag $0x0;
	lr =	simm.s32 $0x1  }
0x2: {  	[smem:$0x3F95] =	sst lr;
	_ =	strace $0xD0000000  }
0x3: {  	_ = 	snop  }
0x4: {  	_ = 	snop  }
0x5: {  	_ = 	snop  }
0x6: {  	_ = 	snop  }
0x7: {  	_ = 	snop  }
__scs_overlays_trampoline_lowered:
0x8: {  	[smem:$0x3FA4] =	sst s0  }
0x9: {  	[smem:$0x3FA5] =	sst s1  }
0xa: {  	[smem:$0x3FA6] =	sst s2  }
0xb: {  	[smem:$0x3FA7] =	sst s3  }
0xc: {  	[smem:$0x3FA8] =	sst s4  }
0xd: {  	[smem:$0x3FA9] =	sst s5  }
0xe: {  	[smem:$0x3FAA] =	sst s6  }
0xf: {  	[smem:$0x3FAB] =	sst s7  }
0x10: {  	[smem:$0x3FAC] =	sst s8  }
0x11: {  	[smem:$0x3FAD] =	sst s9;
	s0 =	simm.s32 @!p0 $0x0  }
0x12: {  	s1 =	sld [smem:$0x3F93];
	s0 =	simm.s32 @p0 $0x1  }
0x13: {  	[smem:$0x3FAE] =	sst s0;
	s0 =	simm.s32 @!p1 $0x0  }
0x14: {  	s2 =	sld [smem:$0x3F92];
	s0 =	simm.s32 @p1 $0x1  }
0x15: {  	[smem:$0x3FAF] =	sst s0;
	s0 =	simm.s32 @!p2 $0x0  }
0x16: {  	s3 =	sld [smem:$0x3FDB];
	s0 =	simm.s32 @p2 $0x1  }
0x17: {  	s4 =	simm.s32 $0x1BF5;
	[smem:$0x3FB1] =	sst s0  }
0x18: {  	s0 =	sld [smem:$0x3F94];
	_ =	swait.ge [sflag:s4], $0x0  }
0x19: {  	s7 =	sld [smem:$0x3F95]  }
0x1a: {  	s8 =	sadd.s32 $0xFFFFE003, lr  }
0x1b: {  	s9 =	sadd.s32 $0xFFFFFEF7, lr;
	s5 =	simm.s32 $0xFFFFFFFF;
	p2 =	slt.u32 s8, $0xFFFFF086  }
0x1c: {  	p1 =	slt.u32 s9, $0xF7A;
	s5 =	simm.s32 @!p2 $0x0  }
0x1d: {  	s5 =	simm.s32 @p1 $0x1;
	p0 =	seq.s32 s7, s2  }
0x1e: {  	s7 =	smul.u32 @!p0 $0xF7A, s2;
	p2 =	seq.s32 @!p0 s5, $0x0  }
0x1f: {  	s9 =	smul.u32 $0xF7A, s1;
	s8 =	simm.s32 @!p0 $0x1BF5;
	p2 =	por !p2, p0  }
0x20: {  	[sflag:s8] =	ssyncset.s32 @!p0 $0xFFFFF086;
	s6 =	sadd.s32 @!p0 s3, s7;
	s7 =	simm.s32 @!p0 $0x108  }
0x21: {  	s3 =	sadd.s32 s3, s9;
	s6 =	sadd.s32 @!p0 $0x88, s6;
	s7 =	simm.s32 @p2 $0x1082  }
0x22: {  	[simem:s7], [sflag:s8] =	dma.local @!p0 [hbm:s6], $0xF7A  }
0x23: {  	s9 =	sor.u32 $0xD0000000, s2;
	s6 =	simm.s32 $0x108;
	_ =	swait.ge @!p0 [sflag:s8], $0x0  }
0x24: {  	s3 =	sadd.s32 $0x88, s3;
	s6 =	simm.s32 @!p1 $0x1082;
	[sflag:s4] =	ssyncset.s32 $0xFFFFF086  }
0x25: {  	[simem:s6], [sflag:s4] =	dma.local [hbm:s3], $0xF7A  }
0x26: {  	[smem:$0x3F95] =	sst s1;
	(tag) =	ssettag s2;
	_ =	strace s9  }
0x27: {  	s1 =	sld [smem:$0x3FA5]  }
0x28: {  	s2 =	sld [smem:$0x3FA6]  }
0x29: {  	s4 =	sld [smem:$0x3FA8]  }
0x2a: {  	p0 =	seq.s32 s5, $0x0;
	s5 =	sld [smem:$0x3FA9]  }
0x2b: {  	s6 =	sld [smem:$0x3FAA]  }
0x2c: {  	s7 =	sld [smem:$0x3FAB]  }
0x2d: {  	s3 =	simm.s32 $0x108;
	s8 =	sld [smem:$0x3FAC]  }
0x2e: {  	s3 =	simm.s32 @!p0 $0x1082;
	s9 =	sld [smem:$0x3FAD]  }
0x2f: {  	lr =	sadd.s32 s0, s3;
	s0 =	sld [smem:$0x3FA4]  }
0x30: {  	s3 =	sld [smem:$0x3FA7]  }
0x31: {  	[smem:$0x3FB0] =	sst s10  }
0x32: {  	s10 =	sld [smem:$0x3FAE];
	_ =	sdelay $0x3  }
0x33: {  	p0 =	seq.s32 s10, $0x1;
	s10 =	sld [smem:$0x3FB0];
	_ =	sdelay $0x3  }
0x34: {  	[smem:$0x3FB0] =	sst s10  }
0x35: {  	s10 =	sld [smem:$0x3FAF];
	_ =	sdelay $0x3  }
0x36: {  	p1 =	seq.s32 s10, $0x1;
	s10 =	sld [smem:$0x3FB0];
	_ =	sdelay $0x3  }
0x37: {  	[smem:$0x3FB0] =	sst s10  }
0x38: {  	s10 =	sld [smem:$0x3FB1]  }
0x39: {  	_ = 	snop;
	(pc) =	sbr.ind lr, $3  }
0x3a: {  	_ = 	snop  }
0x3b: {  	_ = 	snop  }
0x3c: {  	p2 =	seq.s32 s10, $0x1;
	s10 =	sld [smem:$0x3FB0]  }
0x3d: {  	_ =	shalt  }
0x3e: {  	_ =	shalt  }
0x3f: {  	_ =	shalt  }
0x40: {  	_ =	shalt  }
0x41: {  	_ =	shalt  }
0x42: {  	_ =	shalt  }
0x43: {  	_ =	shalt  }
0x44: {  	_ =	shalt  }
0x45: {  	_ =	shalt  }
0x46: {  	_ =	shalt  }
0x47: {  	_ =	shalt  }
0x48: {  	_ =	shalt  }
0x49: {  	_ =	shalt  }
0x4a: {  	_ =	shalt  }
0x4b: {  	_ =	shalt  }
0x4c: {  	_ =	shalt  }
0x4d: {  	_ =	shalt  }
0x4e: {  	_ =	shalt  }
0x4f: {  	_ =	shalt  }
0x50: {  	_ =	shalt  }
0x51: {  	_ =	shalt  }
0x52: {  	_ =	shalt  }
0x53: {  	_ =	shalt  }
0x54: {  	_ =	shalt  }
0x55: {  	_ =	shalt  }
0x56: {  	_ =	shalt  }
0x57: {  	_ =	shalt  }
0x58: {  	_ =	shalt  }
0x59: {  	_ =	shalt  }
0x5a: {  	_ =	shalt  }
0x5b: {  	_ =	shalt  }
0x5c: {  	_ =	shalt  }
0x5d: {  	_ =	shalt  }
0x5e: {  	_ =	shalt  }
0x5f: {  	_ =	shalt  }
0x60: {  	_ =	shalt  }
0x61: {  	_ =	shalt  }
0x62: {  	_ =	shalt  }
0x63: {  	_ =	shalt  }
0x64: {  	_ =	shalt  }
0x65: {  	_ =	shalt  }
0x66: {  	_ =	shalt  }
0x67: {  	_ =	shalt  }
0x68: {  	_ =	shalt  }
0x69: {  	_ =	shalt  }
0x6a: {  	_ =	shalt  }
0x6b: {  	_ =	shalt  }
0x6c: {  	_ =	shalt  }
0x6d: {  	_ =	shalt  }
0x6e: {  	_ =	shalt  }
0x6f: {  	_ =	shalt  }
0x70: {  	_ =	shalt  }
0x71: {  	_ =	shalt  }
0x72: {  	_ =	shalt  }
0x73: {  	_ =	shalt  }
0x74: {  	_ =	shalt  }
0x75: {  	_ =	shalt  }
0x76: {  	_ =	shalt  }
0x77: {  	_ =	shalt  }
0x78: {  	_ =	shalt  }
0x79: {  	_ =	shalt  }
0x7a: {  	_ =	shalt  }
0x7b: {  	_ =	shalt  }
0x7c: {  	_ =	shalt  }
0x7d: {  	_ =	shalt  }
0x7e: {  	_ =	shalt  }
0x7f: {  	_ =	shalt  }
0x80: {  	_ =	shalt  }
0x81: {  	_ =	shalt  }
0x82: {  	_ =	shalt  }
0x83: {  	_ =	shalt  }
0x84: {  	_ =	shalt  }
0x85: {  	_ =	shalt  }
0x86: {  	_ =	shalt  }
0x87: {  	_ =	shalt  }
.Lfunc_end0:
.L_simem_size_0:
called_computation.1_lowered:
.L_overlay_start_0:
0x88: {  	s2 =	sld [smem:$0x3FD9]  }
0x89: {  	s3 =	sld [smem:$0x3FFE];
	_ =	sdelay $0x1  }
0x8a: {  	s1 =	srdreg.scid  }
0x8b: {  	s0 =	sand.u32 $0x1, s1  }
0x8c: {  	s16 =	sshll.u32 s0, $0xA;
	s2 =	sadd.s32 s3, s2  }
0x8d: {  	s2 =	sadd.s32 s2, s16  }
0x8e: {  	[smem:$0x3FBC] =	sst s2  }
0x8f: {  	_ = 	snop  }
0x90: {  	(tm) =	ssettm $0x1  }
0x91: {  	s17 =	sld [smem:$0x3FFB];
	_ =	sdelay $0x3  }
0x92: {  	_ =	strace s17  }
0x93: {  	s2 =	sld [smem:$0x3FFC];
	_ =	sdelay $0x3  }
0x94: {  	_ =	strace s2  }
0x95: {  	s2 =	sld [smem:$0x3FFD];
	_ =	sdelay $0x3  }
0x96: {  	_ =	strace s2  }
0x97: {  	_ =	strace $0x8FFFFFFF  }
0x98: {  	s18 =	sld [smem:$0x3FDB];
	_ =	sdelay $0x1  }
0x99: {  	s19 =	simm.s32 $_scs_section_size  }
0x9a: {  	s4 =	simm.s32 $_size__tile_overlayer_lowered;
	s5 =	simm.s32 $_tile_overlayer_lowered  }
0x9b: {  	s22 =	simm.s32 $0x1BFF;
	s21 =	sshll.u32 s5, $0x1;
	s2 =	sadd.s32 s19, s18  }
0x9c: {  	s6 =	simm.s32 $0x0;
	s20 =	sshll.u32 s4, $0x1;
	s4 =	sadd.s32 s21, s2  }
0x9d: {  	[timem:s6], [sflag:s22] =	dma.local [hbm:s4], s20  }
0x9e: {  	_ =	swait.ge [sflag:s22], s20  }
0x9f: {  	s3 =	ssub.s32 $0x0, s20;
	[sflag:s22] =	ssyncset.done $0x0  }
0xa0: {  	[sflag:s22] =	ssyncadd.s32 s3;
	_ =	sdelay $0x1  }
0xa1: {  	s23 =	simm.s32 $0x1B8B  }
0xa2: {  	_ =	swait.ge [sflag:s23], $0x1  }
0xa3: {  	[sflag:s23] =	ssyncset.done $0x0  }
0xa4: {  	s25 =	simm.s32 $0x1B8E;
	s24 =	sld [smem:$0x3FFE];
	[sflag:s23] =	ssyncadd.s32 $0xFFFFFFFF  }
0xa5: {  	s26 =	simm.s32 $execute0_lowered;
	[smem:$0x3FD2] =	sst s25  }
0xa6: {  	s4 =	sshll.u32 s26, $0x1;
	_ =	strace $0x80000049;
	[dreg:$0x1] =	wrdreg $0xFFFFFFFF  }
0xa7: {  	s28 =	simm.s32 $_size_execute0_lowered;
	s2 =	sadd.s32 s2, s4;
	[dreg:$0x0] =	wrdreg $0x0  }
0xa8: {  	s4 =	sshll.u32 s28, $0x1;
	[dreg:$0x2] =	wrdreg s2  }
0xa9: {  	[dreg:$0x3] =	wrdreg s4  }
0xaa: {  	[dreg:$0x4] =	wrdreg $0xC0  }
0xab: {  	_ =	task [dreg:s6], $0x5FFFF  }
0xac: {  	[dreg:$0x1] =	wrdreg $0xFFFFFFFF  }
0xad: {  	[dreg:$0x0] =	wrdreg $0x60  }
0xae: {  	[dreg:$0x2] =	wrdreg s24  }
0xaf: {  	[dreg:$0x3] =	wrdreg $0xC0000  }
0xb0: {  	[dreg:$0x4] =	wrdreg $0x9  }
0xb1: {  	_ =	task.clear_ibuf [dreg:s6], $0x5FFFF;
	_ =	strace $0x90000049  }
0xb2: {  	s29 =	simm.s32 $0x9;
	_ =	strace $0x8000004B  }
0xb3: {  	_ =	swait.ge [sflag:s29], $0x1  }
0xb4: {  	[sflag:s29] =	ssyncadd.s32 $0xFFFFFFFF  }
0xb5: {  	_ =	strace $0x9000004B  }
0xb6: {  	_ =	sfence  }
0xb7: {  	s30 =	sld [smem:$0x0];
	_ =	sdelay $0x2  }
0xb8: {  	s31 =	sshll.u32 s1, $0xD;
	s1 =	sshrl.u32 s1, $0x2  }
0xb9: {  	s3 =	sand.u32 $0x4000, s31;
	s1 =	sadd.s32 s1, s30  }
0xba: {  	s0 =	sor.u32 s3, s0;
	s1 =	sshll.u32 s1, $0x11  }
0xbb: {  	s0 =	sor.u32 s1, s0  }
0xbc: {  	s0 =	sadd.s32 $0x8F2B, s0  }
0xbd: {  	[sflag:s0] =	ssyncadd.remote.s32 $0x1  }
0xbe: {  	_ =	sfence.sel $0xFFFF  }
0xbf: {  	[dreg:$0x0] =	wrdreg $0xFFFFFFFF;
	(pc) =	sbr.abs _section_cstart, $3  }
0xc0: {  	[dreg:$0x1] =	wrdreg $0xFFFFFFFF  }
0xc1: {  	_ =	task.clear_ibuf [dreg:s6], $0x2FFFF;
	_ =	strace $0x9FFFFFFF  }
0xc2: {  	(tm) =	ssettm $0x7FFFFFFF  }
0xc3: {  	_ =	shalt  }
tec
execute0_lowered:
.L_overlay_start_1:
0x0: {  	(tag) =	ssettag $0x1  }
0x1: {  	s0 =	rddreg [dreg:$0x0]  }
0x2: {  	s1 =	rddreg [dreg:$0x1];
	s2 =	srdreg.scid  }
0x3: {  	s3 =	simm.s32 $0x0;
	s12 =	stileid.u32;
	s15 =	simm.s32 $0xD  }
0x4: {  	s17 =	simm.s32 $0x40;
	s28 =	simm.s32 $0x8;
	s29 =	simm.s32 $0x9  }
0x5: {  	s30 =	simm.s32 $0xA;
	s31 =	simm.s32 $0x0;
	s2 =	sand.u32 $0x1, s2  }
0x6: {  	[smem:$0x7FF] =	sst s3;
	s8 =	smul.u32 $0x14000, s12;
	s4 =	sadd.s32 $0x40400, s0  }
0x7: {  	s5 =	sadd.s32 $0x18400, s0;
	s6 =	sadd.s32 $0x2C400, s0;
	s24 =	smul.u32 $0x50000, s12  }
0x8: {  	s23 =	sshll.u32 s12, $0x1;
	s25 =	sshll.u32 s12, $0x6;
	s7 =	smul.u32 $0x140000, s2  }
0x9: {  	_ =	strace $0x8000004A;
	s9 =	ssub.s32 $0x2, s2;
	s2 =	sor.u32 s2, s23  }
0xa: {  	s11 =	sshrl.u32 s9, $0x1;
	s2 =	smul.u32 $0x5000, s2;
	s7 =	sadd.s32 s8, s7  }
0xb: {  	s13 =	ssub.s32 s9, s11;
	s8 =	sshrl.u32 s24, $0x2;
	s24 =	simm.s32 $0x8000  }
.Ltmp0:
0xc: {  	s10 =	sshrl.u32 s7, $0x3;
	s7 =	sadd.s32 $0x2E00, s0;
	(pc) =	sbr.rel .LBB2_1-.Ltmp0, $4  }
0xd: {  	s26 =	sshrl.u32 s2, $0x3;
	s14 =	sadd.s32 s8, s1;
	s8 =	sor.u32 $0x1C0D, s25  }
0xe: {  	s11 =	sor.u32 $0x800, s2;
	s13 =	smax.u32 s13, $0x1;
	s25 =	simm.s32 $0x6  }
0xf: {  	s0 =	sadd.s32 s10, s0;
	s9 =	sadd.s32 s5, s26;
	s10 =	sadd.s32 s6, s26  }
0x10: {  	s14 =	sshrl.u32 s14, $0x3;
	s26 =	simm.s32 $0x7;
	s12 =	sadd.s32 $0x68400, s0  }
.LBB2_10:
0x11: {  	_ =	swait.ge [sflag:s25], $0x2000  }
0x12: {  	[sflag:s25] =	ssyncset.done $0x0  }
0x13: {  	[sflag:s25] =	ssyncadd.s32 $0xFFFFE000  }
0x14: {  	_ =	swait.ge [sflag:s26], $0x2000  }
0x15: {  	[sflag:s26] =	ssyncset.done $0x0  }
0x16: {  	[sflag:s26] =	ssyncadd.s32 $0xFFFFE000  }
0x17: {  	_ =	swait.ge [sflag:s28], $0x2000  }
0x18: {  	[sflag:s28] =	ssyncset.done $0x0  }
0x19: {  	[sflag:s28] =	ssyncadd.s32 $0xFFFFE000  }
0x1a: {  	_ =	swait.ge [sflag:s29], $0x2000  }
0x1b: {  	[sflag:s29] =	ssyncset.done $0x0  }
0x1c: {  	[sflag:s29] =	ssyncadd.s32 $0xFFFFE000  }
0x1d: {  	_ =	swait.ge [sflag:s30], $0x2000  }
0x1e: {  	s31 =	sadd.s32 $0x1, s31;
	[sflag:s30] =	ssyncset.done $0x0  }
0x1f: {  	p0 =	sne.s32 s31, s13;
	[sflag:s30] =	ssyncadd.s32 $0xFFFFE000  }
.Ltmp1:
0x20: {  	[bflag:$0x0] =	sbarrier.arrive $0xFFFF;
	(pc) =	sbr.rel @!p0 .LBB2_11-.Ltmp1, $4  }
0x21: {  	[hbm:s12], [sflag:s8] =	dma.local [spmem:s14], $0x2800  }
0x22: {  	_ =	swait.ge [sflag:s15], $0x2800  }
0x23: {  	[sflag:s15] =	ssyncset.done $0x0  }
0x24: {  	[sflag:s15] =	ssyncadd.s32 $0xFFFFD800  }
.LBB2_1:
0x25: {  	[spmem:s14], [sflag:s8] =	dma.local [hbm:s7], $0x2800  }
0x26: {  	_ =	swait.ge [sflag:s15], $0x2800  }
0x27: {  	[sflag:s15] =	ssyncset.done $0x0  }
0x28: {  	[sflag:s15] =	ssyncadd.s32 $0xFFFFD800  }
0x29: {  	[tilespmem:s3], [sflag:$0xD] =	stream.linear.gather [hbm4b:s9+s3], $0x800, $0x38;
	v63 =	vld [tilespmem:$0x0]  }
0x2a: {  	_ =	swait.ge [sflag:s15], $0x800  }
0x2b: {  	[sflag:s15] =	ssyncset.done $0x0  }
0x2c: {  	s0 =	simm.s32 $0x1000;
	[sflag:s15] =	ssyncadd.s32 $0xFFFFF800  }
0x2d: {  	[tilespmem:s0], [sflag:$0xD] =	stream.linear.gather [hbm4b:s10+s3], $0x800, $0x38;
	v63 =	vld [tilespmem:$0x0]  }
0x2e: {  	_ =	swait.ge [sflag:s15], $0x800  }
0x2f: {  	[sflag:s15] =	ssyncset.done $0x0  }
0x30: {  	[sflag:s15] =	ssyncadd.s32 $0xFFFFF800  }
0x31: {  	s19 =	simm.s32 $0x2000;
	[bflag:$0x0] =	sbarrier.arrive $0xFFFF  }
0x32: {  	[tilespmem:s19], [sflag:$0x1] =	stream.indirect.gather [hbm4b:s4+s17], $0x80, s3, s17, $0xb8;
	v63 =	vld [tilespmem:$0x0]  }
0x33: {  	s20 =	simm.s32 $0x80;
	s2 =	simm.s32 $0x4000  }
0x34: {  	[tilespmem:s2], [sflag:$0x2] =	stream.indirect.gather [hbm4b:s4+s17], $0x80, s20, s17, $0xb8;
	v63 =	vld [tilespmem:$0x0]  }
.Ltmp2:
0x35: {  	_ = 	snop;
	(pc) =	sbr.rel .LBB2_2-.Ltmp2, $4  }
0x36: {  	s21 =	simm.s32 $0x100;
	s22 =	simm.s32 $0x6000  }
0x37: {  	[tilespmem:s22], [sflag:$0x3] =	stream.indirect.gather [hbm4b:s4+s17], $0x80, s21, s17, $0xb8;
	v63 =	vld [tilespmem:$0x0]  }
0x38: {  	s23 =	simm.s32 $0x180;
	s0 =	simm.s32 $0x0  }
0x39: {  	[tilespmem:s24], [sflag:$0x4] =	stream.indirect.gather [hbm4b:s4+s17], $0x80, s23, s17, $0xb8;
	v63 =	vld [tilespmem:$0x0]  }
.LBB2_3:
0x3a: {  	s2 =	sshll.u32 s2, $0xB;
	s19 =	sadd.s32 $0x4, s0  }
0x3b: {  	s16 =	sxor.u32 $0x1, s16;
	s2 =	sadd.s32 s2, s11;
	s21 =	smul.u32 $0xCD, s19  }
0x3c: {  	s18 =	sadd.s32 $0xB, s16;
	s2 =	sshrl.u32 s2, $0x3  }
0x3d: {  	s16 =	sshll.u32 s16, $0xB;
	s20 =	sadd.s32 s5, s2;
	s22 =	sshrl.u32 s21, $0xA  }
0x3e: {  	[tilespmem:s16], [sflag:s18] =	stream.linear.gather [hbm4b:s20+s3], $0x800, $0x38;
	v63 =	vld [tilespmem:$0x0]  }
0x3f: {  	s20 =	sand.u32 $0x3F, s22  }
0x40: {  	s2 =	sadd.s32 s6, s2;
	s16 =	sor.u32 $0x1000, s16;
	s20 =	smul.u32 $0x5, s20  }
0x41: {  	[tilespmem:s16], [sflag:s18] =	stream.linear.gather [hbm4b:s2+s3], $0x800, $0x38;
	v63 =	vld [tilespmem:$0x0]  }
0x42: {  	s23 =	ssub.s32 s19, s20  }
0x43: {  	s16 =	sor.u32 $0x4, s0;
	s2 =	sand.u32 $0xFF, s23  }
.LBB2_4:
0x44: {  	s19 =	sadd.s32 $0x6, s2  }
0x45: {  	s18 =	sshrl.u32 s16, $0x4;
	s16 =	sand.u32 $0xF, s16;
	_ =	swait.ge [sflag:s19], $0x2000  }
0x46: {  	s18 =	sand.u32 $0x1, s18;
	p0 =	sne.s32 s16, $0x0;
	[sflag:s19] =	ssyncset.done $0x0  }
0x47: {  	[sflag:s19] =	ssyncadd.s32 $0xFFFFE000;
	s19 =	sadd.s32 @!p0 $0xB, s18  }
0x48: {  	_ =	swait.ge @!p0 [sflag:s19], $0x800  }
0x49: {  	[sflag:s19] =	ssyncset.done @!p0 $0x0  }
0x4a: {  	[sflag:s19] =	ssyncadd.s32 @!p0 $0xFFFFF800  }
0x4b: {  	_ =	swait.ge @!p0 [sflag:s19], $0x800  }
0x4c: {  	[sflag:s19] =	ssyncset.done @!p0 $0x0  }
0x4d: {  	s16 =	simm.s32 @!p0 $0x0;
	[sflag:s19] =	ssyncadd.s32 @!p0 $0xFFFFF800  }
.LBB2_8:
0x4e: {  	s19 =	sshll.u32 s2, $0xD;
	s18 =	sshll.u32 s18, $0xB;
	s16 =	sshll.u32 s16, $0x7  }
0x4f: {  	s23 =	sadd.s32 $0x1, s2;
	s19 =	sadd.s32 $0x2000, s19;
	s16 =	sor.u32 s16, s18  }
0x50: {  	[tilespmem:s19], [sflag:s23] =	stream.indirect.gather [hbm4b:s4+s17], $0x80, s16, s17, $0xb8;
	v63 =	vld [tilespmem:$0x0]  }
.LBB2_9:
0x51: {  	s0 =	sadd.s32 $0x1, s0  }
0x52: {  	p0 =	sne.s32 s0, $0xA0  }
.Ltmp3:
0x53: {  	_ = 	snop;
	(pc) =	sbr.rel @!p0 .LBB2_10-.Ltmp3, $1  }
0x54: {  	_ =	sdelay $0x3  }
.LBB2_2:
0x55: {  	s2 =	smul.u32 $0xCD, s0;
	_ =	sdelay $0x1  }
0x56: {  	s2 =	sshrl.u32 s2, $0xA  }
0x57: {  	s2 =	sand.u32 $0x3F, s2  }
0x58: {  	s2 =	smul.u32 $0x5, s2  }
0x59: {  	s18 =	sand.u32 $0xF, s0;
	p0 =	sgt.u32 s0, $0x8F  }
0x5a: {  	s23 =	sshll.u32 s18, $0x7;
	p1 =	sne.s32 @!p0 s18, $0x2;
	s16 =	ssub.s32 s0, s2  }
0x5b: {  	p0 =	por p0, p1;
	s2 =	sshrl.u32 s0, $0x4;
	s19 =	sand.u32 $0xFF, s16  }
.Ltmp4:
0x5c: {  	s16 =	sand.u32 $0x1, s2;
	s20 =	sadd.s32 $0x1, s19;
	(pc) =	sbr.rel @!p0 .LBB2_3-.Ltmp4, $4  }
0x5d: {  	s21 =	sshll.u32 s19, $0xD;
	s22 =	sshll.u32 s16, $0xB;
	_ =	swait.ge [sflag:s20], $0x2000  }
0x5e: {  	s19 =	sadd.s32 $0x6, s19;
	s22 =	sor.u32 s23, s22;
	[sflag:s20] =	ssyncset.done $0x0  }
0x5f: {  	s21 =	sadd.s32 $0x2000, s21;
	s23 =	sor.u32 $0x1000, s22;
	[sflag:s20] =	ssyncadd.s32 $0xFFFFE000  }
0x60: {  	[spmem:s1] =	stream.indirect.scatter.add.f32 [tilespmem:s21], [sflag:s19], $0x80, s23, s17, $0xb8;
	v63 =	vld [tilespmem:$0x0]  }
0x61: {  	p0 =	sgt.u32 s0, $0x9B  }
.Ltmp5:
0x62: {  	_ = 	snop;
	(pc) =	sbr.rel @p0 .LBB2_9-.Ltmp5, $1  }
0x63: {  	_ =	sdelay $0x3  }
0x64: {  	s16 =	sadd.s32 $0x4, s0  }
0x65: {  	s2 =	smul.u32 $0xCD, s16;
	_ =	sdelay $0x1  }
0x66: {  	p0 =	seq.s32 s0, $0x0;
	s2 =	sshrl.u32 s2, $0xA  }
.Ltmp6:
0x67: {  	s2 =	sand.u32 $0x3F, s2;
	(pc) =	sbr.rel @!p0 .LBB2_4-.Ltmp6, $3  }
0x68: {  	s2 =	smul.u32 $0x5, s2;
	_ =	sdelay $0x1  }
0x69: {  	s2 =	ssub.s32 s16, s2  }
0x6a: {  	s2 =	sand.u32 $0xFF, s2  }
.Ltmp7:
0x6b: {  	(pc) =	sbr.rel .LBB2_8-.Ltmp7, $2  }
0x6c: {  	_ =	sdelay $0x2  }
0x6d: {  	s16 =	simm.s32 $0x4;
	s18 =	simm.s32 $0x0  }
.LBB2_11:
0x6e: {  	_ =	sfence.sel $0x180000  }
0x6f: {  	[bflag:$0x0] =	sbarrier.arrive $0xFFFF  }
0x70: {  	_ =	strace $0x9000004A  }
0x71: {  	s0 =	stileid.u32;
	[bflag:$0x2] =	sbarrier.arrive $0xFFFF  }
0x72: {  	p0 =	sne.s32 s0, $0x0;
	s0 =	rddreg [dreg:$0x2]  }
0x73: {  	s0 =	sadd.s32 @!p0 $0x100000, s0  }
0x74: {  	[sflag:s0] =	ssyncadd.tile.s32 @!p0 $0x1;
	_ =	shalt  }
.Lfunc_end2:
_tile_overlayer_lowered:
.L_overlay_start_2:
0x75: {  	(tag) =	ssettag $0x2  }
0x76: {  	s0 =	rddreg [dreg:$0x0];
	s2 =	stileid.u32  }
0x77: {  	s1 =	rddreg [dreg:$0x1];
	p0 =	sne.s32 s2, $0x0  }
0x78: {  	s3 =	rddreg [dreg:$0x2];
	[bflag:$0x3] =	sbarrier.arrive $0xFFFF;
	s2 =	simm.s32 @!p0 $0x1C0D  }
0x79: {  	[timem:s3], [sflag:s2] =	dma.local @!p0 [hbm:s0], s1  }
0x7a: {  	s0 =	simm.s32 @!p0 $0xD  }
0x7b: {  	_ =	swait.ge @!p0 [sflag:s0], s1  }
0x7c: {  	s1 =	ssub.s32 @!p0 $0x0, s1;
	[sflag:s0] =	ssyncset.done @!p0 $0x0  }
0x7d: {  	[sflag:s0] =	ssyncadd.s32 @!p0 s1  }
0x7e: {  	[bflag:$0x3] =	sbarrier.arrive $0xFFFF  }
0x7f: {  	_ =	shalt  }

// kernel: kernel.14.cloned.1.call-start
scs
__scs_entry_jumppad:
0x0: {  	(pc) =	sbr.rel $0x88, $3  }
0x1: {  	(tag) =	ssettag $0x0;
	lr =	simm.s32 $0x1  }
0x2: {  	[smem:$0x3F95] =	sst lr;
	_ =	strace $0xD0000000  }
0x3: {  	_ = 	snop  }
0x4: {  	_ = 	snop  }
0x5: {  	_ = 	snop  }
0x6: {  	_ = 	snop  }
0x7: {  	_ = 	snop  }
__scs_overlays_trampoline_lowered:
0x8: {  	[smem:$0x3FA4] =	sst s0  }
0x9: {  	[smem:$0x3FA5] =	sst s1  }
0xa: {  	[smem:$0x3FA6] =	sst s2  }
0xb: {  	[smem:$0x3FA7] =	sst s3  }
0xc: {  	[smem:$0x3FA8] =	sst s4  }
0xd: {  	[smem:$0x3FA9] =	sst s5  }
0xe: {  	[smem:$0x3FAA] =	sst s6  }
0xf: {  	[smem:$0x3FAB] =	sst s7  }
0x10: {  	[smem:$0x3FAC] =	sst s8  }
0x11: {  	[smem:$0x3FAD] =	sst s9;
	s0 =	simm.s32 @!p0 $0x0  }
0x12: {  	s1 =	sld [smem:$0x3F93];
	s0 =	simm.s32 @p0 $0x1  }
0x13: {  	[smem:$0x3FAE] =	sst s0;
	s0 =	simm.s32 @!p1 $0x0  }
0x14: {  	s2 =	sld [smem:$0x3F92];
	s0 =	simm.s32 @p1 $0x1  }
0x15: {  	[smem:$0x3FAF] =	sst s0;
	s0 =	simm.s32 @!p2 $0x0  }
0x16: {  	s3 =	sld [smem:$0x3FDB];
	s0 =	simm.s32 @p2 $0x1  }
0x17: {  	s4 =	simm.s32 $0x1BF5;
	[smem:$0x3FB1] =	sst s0  }
0x18: {  	s0 =	sld [smem:$0x3F94];
	_ =	swait.ge [sflag:s4], $0x0  }
0x19: {  	s7 =	sld [smem:$0x3F95]  }
0x1a: {  	s8 =	sadd.s32 $0xFFFFE003, lr  }
0x1b: {  	s9 =	sadd.s32 $0xFFFFFEF7, lr;
	s5 =	simm.s32 $0xFFFFFFFF;
	p2 =	slt.u32 s8, $0xFFFFF086  }
0x1c: {  	p1 =	slt.u32 s9, $0xF7A;
	s5 =	simm.s32 @!p2 $0x0  }
0x1d: {  	s5 =	simm.s32 @p1 $0x1;
	p0 =	seq.s32 s7, s2  }
0x1e: {  	s7 =	smul.u32 @!p0 $0xF7A, s2;
	p2 =	seq.s32 @!p0 s5, $0x0  }
0x1f: {  	s9 =	smul.u32 $0xF7A, s1;
	s8 =	simm.s32 @!p0 $0x1BF5;
	p2 =	por !p2, p0  }
0x20: {  	[sflag:s8] =	ssyncset.s32 @!p0 $0xFFFFF086;
	s6 =	sadd.s32 @!p0 s3, s7;
	s7 =	simm.s32 @!p0 $0x108  }
0x21: {  	s3 =	sadd.s32 s3, s9;
	s6 =	sadd.s32 @!p0 $0x88, s6;
	s7 =	simm.s32 @p2 $0x1082  }
0x22: {  	[simem:s7], [sflag:s8] =	dma.local @!p0 [hbm:s6], $0xF7A  }
0x23: {  	s9 =	sor.u32 $0xD0000000, s2;
	s6 =	simm.s32 $0x108;
	_ =	swait.ge @!p0 [sflag:s8], $0x0  }
0x24: {  	s3 =	sadd.s32 $0x88, s3;
	s6 =	simm.s32 @!p1 $0x1082;
	[sflag:s4] =	ssyncset.s32 $0xFFFFF086  }
0x25: {  	[simem:s6], [sflag:s4] =	dma.local [hbm:s3], $0xF7A  }
0x26: {  	[smem:$0x3F95] =	sst s1;
	(tag) =	ssettag s2;
	_ =	strace s9  }
0x27: {  	s1 =	sld [smem:$0x3FA5]  }
0x28: {  	s2 =	sld [smem:$0x3FA6]  }
0x29: {  	s4 =	sld [smem:$0x3FA8]  }
0x2a: {  	p0 =	seq.s32 s5, $0x0;
	s5 =	sld [smem:$0x3FA9]  }
0x2b: {  	s6 =	sld [smem:$0x3FAA]  }
0x2c: {  	s7 =	sld [smem:$0x3FAB]  }
0x2d: {  	s3 =	simm.s32 $0x108;
	s8 =	sld [smem:$0x3FAC]  }
0x2e: {  	s3 =	simm.s32 @!p0 $0x1082;
	s9 =	sld [smem:$0x3FAD]  }
0x2f: {  	lr =	sadd.s32 s0, s3;
	s0 =	sld [smem:$0x3FA4]  }
0x30: {  	s3 =	sld [smem:$0x3FA7]  }
0x31: {  	[smem:$0x3FB0] =	sst s10  }
0x32: {  	s10 =	sld [smem:$0x3FAE];
	_ =	sdelay $0x3  }
0x33: {  	p0 =	seq.s32 s10, $0x1;
	s10 =	sld [smem:$0x3FB0];
	_ =	sdelay $0x3  }
0x34: {  	[smem:$0x3FB0] =	sst s10  }
0x35: {  	s10 =	sld [smem:$0x3FAF];
	_ =	sdelay $0x3  }
0x36: {  	p1 =	seq.s32 s10, $0x1;
	s10 =	sld [smem:$0x3FB0];
	_ =	sdelay $0x3  }
0x37: {  	[smem:$0x3FB0] =	sst s10  }
0x38: {  	s10 =	sld [smem:$0x3FB1]  }
0x39: {  	_ = 	snop;
	(pc) =	sbr.ind lr, $3  }
0x3a: {  	_ = 	snop  }
0x3b: {  	_ = 	snop  }
0x3c: {  	p2 =	seq.s32 s10, $0x1;
	s10 =	sld [smem:$0x3FB0]  }
0x3d: {  	_ =	shalt  }
0x3e: {  	_ =	shalt  }
0x3f: {  	_ =	shalt  }
0x40: {  	_ =	shalt  }
0x41: {  	_ =	shalt  }
0x42: {  	_ =	shalt  }
0x43: {  	_ =	shalt  }
0x44: {  	_ =	shalt  }
0x45: {  	_ =	shalt  }
0x46: {  	_ =	shalt  }
0x47: {  	_ =	shalt  }
0x48: {  	_ =	shalt  }
0x49: {  	_ =	shalt  }
0x4a: {  	_ =	shalt  }
0x4b: {  	_ =	shalt  }
0x4c: {  	_ =	shalt  }
0x4d: {  	_ =	shalt  }
0x4e: {  	_ =	shalt  }
0x4f: {  	_ =	shalt  }
0x50: {  	_ =	shalt  }
0x51: {  	_ =	shalt  }
0x52: {  	_ =	shalt  }
0x53: {  	_ =	shalt  }
0x54: {  	_ =	shalt  }
0x55: {  	_ =	shalt  }
0x56: {  	_ =	shalt  }
0x57: {  	_ =	shalt  }
0x58: {  	_ =	shalt  }
0x59: {  	_ =	shalt  }
0x5a: {  	_ =	shalt  }
0x5b: {  	_ =	shalt  }
0x5c: {  	_ =	shalt  }
0x5d: {  	_ =	shalt  }
0x5e: {  	_ =	shalt  }
0x5f: {  	_ =	shalt  }
0x60: {  	_ =	shalt  }
0x61: {  	_ =	shalt  }
0x62: {  	_ =	shalt  }
0x63: {  	_ =	shalt  }
0x64: {  	_ =	shalt  }
0x65: {  	_ =	shalt  }
0x66: {  	_ =	shalt  }
0x67: {  	_ =	shalt  }
0x68: {  	_ =	shalt  }
0x69: {  	_ =	shalt  }
0x6a: {  	_ =	shalt  }
0x6b: {  	_ =	shalt  }
0x6c: {  	_ =	shalt  }
0x6d: {  	_ =	shalt  }
0x6e: {  	_ =	shalt  }
0x6f: {  	_ =	shalt  }
0x70: {  	_ =	shalt  }
0x71: {  	_ =	shalt  }
0x72: {  	_ =	shalt  }
0x73: {  	_ =	shalt  }
0x74: {  	_ =	shalt  }
0x75: {  	_ =	shalt  }
0x76: {  	_ =	shalt  }
0x77: {  	_ =	shalt  }
0x78: {  	_ =	shalt  }
0x79: {  	_ =	shalt  }
0x7a: {  	_ =	shalt  }
0x7b: {  	_ =	shalt  }
0x7c: {  	_ =	shalt  }
0x7d: {  	_ =	shalt  }
0x7e: {  	_ =	shalt  }
0x7f: {  	_ =	shalt  }
0x80: {  	_ =	shalt  }
0x81: {  	_ =	shalt  }
0x82: {  	_ =	shalt  }
0x83: {  	_ =	shalt  }
0x84: {  	_ =	shalt  }
0x85: {  	_ =	shalt  }
0x86: {  	_ =	shalt  }
0x87: {  	_ =	shalt  }
.Lfunc_end0:
.L_simem_size_0:
called_computation.2_lowered:
.L_overlay_start_0:
0x88: {  	s2 =	sld [smem:$0x3FD9]  }
0x89: {  	s3 =	sld [smem:$0x3FFE];
	_ =	sdelay $0x1  }
0x8a: {  	s1 =	srdreg.scid  }
0x8b: {  	s0 =	sand.u32 $0x1, s1  }
0x8c: {  	s16 =	sshll.u32 s0, $0xA;
	s2 =	sadd.s32 s3, s2  }
0x8d: {  	s2 =	sadd.s32 s2, s16  }
0x8e: {  	[smem:$0x3FBC] =	sst s2  }
0x8f: {  	_ = 	snop  }
0x90: {  	(tm) =	ssettm $0x1  }
0x91: {  	s17 =	sld [smem:$0x3FFB];
	_ =	sdelay $0x3  }
0x92: {  	_ =	strace s17  }
0x93: {  	s2 =	sld [smem:$0x3FFC];
	_ =	sdelay $0x3  }
0x94: {  	_ =	strace s2  }
0x95: {  	s2 =	sld [smem:$0x3FFD];
	_ =	sdelay $0x3  }
0x96: {  	_ =	strace s2  }
0x97: {  	_ =	strace $0x8FFFFFFF  }
0x98: {  	s18 =	sld [smem:$0x3FDB];
	_ =	sdelay $0x1  }
0x99: {  	s19 =	simm.s32 $_scs_section_size  }
0x9a: {  	s4 =	simm.s32 $_size__tile_overlayer_lowered;
	s5 =	simm.s32 $_tile_overlayer_lowered  }
0x9b: {  	s22 =	simm.s32 $0x1BFF;
	s21 =	sshll.u32 s5, $0x1;
	s2 =	sadd.s32 s19, s18  }
0x9c: {  	s6 =	simm.s32 $0x0;
	s20 =	sshll.u32 s4, $0x1;
	s4 =	sadd.s32 s21, s2  }
0x9d: {  	[timem:s6], [sflag:s22] =	dma.local [hbm:s4], s20  }
0x9e: {  	_ =	swait.ge [sflag:s22], s20  }
0x9f: {  	s3 =	ssub.s32 $0x0, s20;
	[sflag:s22] =	ssyncset.done $0x0  }
0xa0: {  	[sflag:s22] =	ssyncadd.s32 s3;
	_ =	sdelay $0x1  }
0xa1: {  	s23 =	simm.s32 $0x1B8B  }
0xa2: {  	_ =	swait.ge [sflag:s23], $0x1  }
0xa3: {  	[sflag:s23] =	ssyncset.done $0x0  }
0xa4: {  	s25 =	simm.s32 $0x1B8E;
	s24 =	sld [smem:$0x3FFE];
	[sflag:s23] =	ssyncadd.s32 $0xFFFFFFFF  }
0xa5: {  	s26 =	simm.s32 $execute0_lowered;
	[smem:$0x3FD2] =	sst s25  }
0xa6: {  	s4 =	sshll.u32 s26, $0x1;
	_ =	strace $0x8000004C;
	[dreg:$0x1] =	wrdreg $0xFFFFFFFF  }
0xa7: {  	s28 =	simm.s32 $_size_execute0_lowered;
	s2 =	sadd.s32 s2, s4;
	[dreg:$0x0] =	wrdreg $0x0  }
0xa8: {  	s4 =	sshll.u32 s28, $0x1;
	[dreg:$0x2] =	wrdreg s2  }
0xa9: {  	[dreg:$0x3] =	wrdreg s4  }
0xaa: {  	[dreg:$0x4] =	wrdreg $0xC0  }
0xab: {  	_ =	task [dreg:s6], $0x5FFFF  }
0xac: {  	[dreg:$0x1] =	wrdreg $0xFFFFFFFF  }
0xad: {  	[dreg:$0x0] =	wrdreg $0x60  }
0xae: {  	[dreg:$0x2] =	wrdreg s24  }
0xaf: {  	[dreg:$0x3] =	wrdreg $0xC0000  }
0xb0: {  	[dreg:$0x4] =	wrdreg $0x9  }
0xb1: {  	_ =	task.clear_ibuf [dreg:s6], $0x5FFFF;
	_ =	strace $0x9000004C  }
0xb2: {  	s29 =	simm.s32 $0x9;
	_ =	strace $0x8000004E  }
0xb3: {  	_ =	swait.ge [sflag:s29], $0x1  }
0xb4: {  	[sflag:s29] =	ssyncadd.s32 $0xFFFFFFFF  }
0xb5: {  	_ =	strace $0x9000004E  }
0xb6: {  	_ =	sfence  }
0xb7: {  	s30 =	sld [smem:$0x0];
	_ =	sdelay $0x2  }
0xb8: {  	s31 =	sshll.u32 s1, $0xD;
	s1 =	sshrl.u32 s1, $0x2  }
0xb9: {  	s3 =	sand.u32 $0x4000, s31;
	s1 =	sadd.s32 s1, s30  }
0xba: {  	s0 =	sor.u32 s3, s0;
	s1 =	sshll.u32 s1, $0x11  }
0xbb: {  	s0 =	sor.u32 s1, s0  }
0xbc: {  	s0 =	sadd.s32 $0x8F2B, s0  }
0xbd: {  	[sflag:s0] =	ssyncadd.remote.s32 $0x1  }
0xbe: {  	_ =	sfence.sel $0xFFFF  }
0xbf: {  	[dreg:$0x0] =	wrdreg $0xFFFFFFFF;
	(pc) =	sbr.abs _section_cstart, $3  }
0xc0: {  	[dreg:$0x1] =	wrdreg $0xFFFFFFFF  }
0xc1: {  	_ =	task.clear_ibuf [dreg:s6], $0x2FFFF;
	_ =	strace $0x9FFFFFFF  }
0xc2: {  	(tm) =	ssettm $0x7FFFFFFF  }
0xc3: {  	_ =	shalt  }
tec
execute0_lowered:
.L_overlay_start_1:
0x0: {  	(tag) =	ssettag $0x1  }
0x1: {  	s0 =	rddreg [dreg:$0x0]  }
0x2: {  	s1 =	rddreg [dreg:$0x1];
	s2 =	srdreg.scid  }
0x3: {  	s3 =	simm.s32 $0x0;
	s12 =	stileid.u32;
	s15 =	simm.s32 $0xD  }
0x4: {  	s17 =	simm.s32 $0x40;
	s28 =	simm.s32 $0x8;
	s29 =	simm.s32 $0x9  }
0x5: {  	s30 =	simm.s32 $0xA;
	s31 =	simm.s32 $0x0;
	s2 =	sand.u32 $0x1, s2  }
0x6: {  	[smem:$0x7FF] =	sst s3;
	s8 =	smul.u32 $0x14000, s12;
	s4 =	sadd.s32 $0x40400, s0  }
0x7: {  	s5 =	sadd.s32 $0x18400, s0;
	s6 =	sadd.s32 $0x2C400, s0;
	s24 =	smul.u32 $0x50000, s12  }
0x8: {  	s23 =	sshll.u32 s12, $0x1;
	s25 =	sshll.u32 s12, $0x6;
	s7 =	smul.u32 $0x140000, s2  }
0x9: {  	_ =	strace $0x8000004D;
	s9 =	ssub.s32 $0x2, s2;
	s2 =	sor.u32 s2, s23  }
0xa: {  	s11 =	sshrl.u32 s9, $0x1;
	s2 =	smul.u32 $0x5000, s2;
	s7 =	sadd.s32 s8, s7  }
0xb: {  	s13 =	ssub.s32 s9, s11;
	s8 =	sshrl.u32 s24, $0x2;
	s24 =	simm.s32 $0x8000  }
.Ltmp0:
0xc: {  	s10 =	sshrl.u32 s7, $0x3;
	s7 =	sadd.s32 $0x2E00, s0;
	(pc) =	sbr.rel .LBB2_1-.Ltmp0, $4  }
0xd: {  	s26 =	sshrl.u32 s2, $0x3;
	s14 =	sadd.s32 s8, s1;
	s8 =	sor.u32 $0x1C0D, s25  }
0xe: {  	s11 =	sor.u32 $0x800, s2;
	s13 =	smax.u32 s13, $0x1;
	s25 =	simm.s32 $0x6  }
0xf: {  	s0 =	sadd.s32 s10, s0;
	s9 =	sadd.s32 s5, s26;
	s10 =	sadd.s32 s6, s26  }
0x10: {  	s14 =	sshrl.u32 s14, $0x3;
	s26 =	simm.s32 $0x7;
	s12 =	sadd.s32 $0x68400, s0  }
.LBB2_10:
0x11: {  	_ =	swait.ge [sflag:s25], $0x2000  }
0x12: {  	[sflag:s25] =	ssyncset.done $0x0  }
0x13: {  	[sflag:s25] =	ssyncadd.s32 $0xFFFFE000  }
0x14: {  	_ =	swait.ge [sflag:s26], $0x2000  }
0x15: {  	[sflag:s26] =	ssyncset.done $0x0  }
0x16: {  	[sflag:s26] =	ssyncadd.s32 $0xFFFFE000  }
0x17: {  	_ =	swait.ge [sflag:s28], $0x2000  }
0x18: {  	[sflag:s28] =	ssyncset.done $0x0  }
0x19: {  	[sflag:s28] =	ssyncadd.s32 $0xFFFFE000  }
0x1a: {  	_ =	swait.ge [sflag:s29], $0x2000  }
0x1b: {  	[sflag:s29] =	ssyncset.done $0x0  }
0x1c: {  	[sflag:s29] =	ssyncadd.s32 $0xFFFFE000  }
0x1d: {  	_ =	swait.ge [sflag:s30], $0x2000  }
0x1e: {  	s31 =	sadd.s32 $0x1, s31;
	[sflag:s30] =	ssyncset.done $0x0  }
0x1f: {  	p0 =	sne.s32 s31, s13;
	[sflag:s30] =	ssyncadd.s32 $0xFFFFE000  }
.Ltmp1:
0x20: {  	[bflag:$0x0] =	sbarrier.arrive $0xFFFF;
	(pc) =	sbr.rel @!p0 .LBB2_11-.Ltmp1, $4  }
0x21: {  	[hbm:s12], [sflag:s8] =	dma.local [spmem:s14], $0x2800  }
0x22: {  	_ =	swait.ge [sflag:s15], $0x2800  }
0x23: {  	[sflag:s15] =	ssyncset.done $0x0  }
0x24: {  	[sflag:s15] =	ssyncadd.s32 $0xFFFFD800  }
.LBB2_1:
0x25: {  	[spmem:s14], [sflag:s8] =	dma.local [hbm:s7], $0x2800  }
0x26: {  	_ =	swait.ge [sflag:s15], $0x2800  }
0x27: {  	[sflag:s15] =	ssyncset.done $0x0  }
0x28: {  	[sflag:s15] =	ssyncadd.s32 $0xFFFFD800  }
0x29: {  	[tilespmem:s3], [sflag:$0xD] =	stream.linear.gather [hbm4b:s9+s3], $0x800, $0x38;
	v63 =	vld [tilespmem:$0x0]  }
0x2a: {  	_ =	swait.ge [sflag:s15], $0x800  }
0x2b: {  	[sflag:s15] =	ssyncset.done $0x0  }
0x2c: {  	s0 =	simm.s32 $0x1000;
	[sflag:s15] =	ssyncadd.s32 $0xFFFFF800  }
0x2d: {  	[tilespmem:s0], [sflag:$0xD] =	stream.linear.gather [hbm4b:s10+s3], $0x800, $0x38;
	v63 =	vld [tilespmem:$0x0]  }
0x2e: {  	_ =	swait.ge [sflag:s15], $0x800  }
0x2f: {  	[sflag:s15] =	ssyncset.done $0x0  }
0x30: {  	[sflag:s15] =	ssyncadd.s32 $0xFFFFF800  }
0x31: {  	s19 =	simm.s32 $0x2000;
	[bflag:$0x0] =	sbarrier.arrive $0xFFFF  }
0x32: {  	[tilespmem:s19], [sflag:$0x1] =	stream.indirect.gather [hbm4b:s4+s17], $0x80, s3, s17, $0xb8;
	v63 =	vld [tilespmem:$0x0]  }
0x33: {  	s20 =	simm.s32 $0x80;
	s2 =	simm.s32 $0x4000  }
0x34: {  	[tilespmem:s2], [sflag:$0x2] =	stream.indirect.gather [hbm4b:s4+s17], $0x80, s20, s17, $0xb8;
	v63 =	vld [tilespmem:$0x0]  }
.Ltmp2:
0x35: {  	_ = 	snop;
	(pc) =	sbr.rel .LBB2_2-.Ltmp2, $4  }
0x36: {  	s21 =	simm.s32 $0x100;
	s22 =	simm.s32 $0x6000  }
0x37: {  	[tilespmem:s22], [sflag:$0x3] =	stream.indirect.gather [hbm4b:s4+s17], $0x80, s21, s17, $0xb8;
	v63 =	vld [tilespmem:$0x0]  }
0x38: {  	s23 =	simm.s32 $0x180;
	s0 =	simm.s32 $0x0  }
0x39: {  	[tilespmem:s24], [sflag:$0x4] =	stream.indirect.gather [hbm4b:s4+s17], $0x80, s23, s17, $0xb8;
	v63 =	vld [tilespmem:$0x0]  }
.LBB2_3:
0x3a: {  	s2 =	sshll.u32 s2, $0xB;
	s19 =	sadd.s32 $0x4, s0  }
0x3b: {  	s16 =	sxor.u32 $0x1, s16;
	s2 =	sadd.s32 s2, s11;
	s21 =	smul.u32 $0xCD, s19  }
0x3c: {  	s18 =	sadd.s32 $0xB, s16;
	s2 =	sshrl.u32 s2, $0x3  }
0x3d: {  	s16 =	sshll.u32 s16, $0xB;
	s20 =	sadd.s32 s5, s2;
	s22 =	sshrl.u32 s21, $0xA  }
0x3e: {  	[tilespmem:s16], [sflag:s18] =	stream.linear.gather [hbm4b:s20+s3], $0x800, $0x38;
	v63 =	vld [tilespmem:$0x0]  }
0x3f: {  	s20 =	sand.u32 $0x3F, s22  }
0x40: {  	s2 =	sadd.s32 s6, s2;
	s16 =	sor.u32 $0x1000, s16;
	s20 =	smul.u32 $0x5, s20  }
0x41: {  	[tilespmem:s16], [sflag:s18] =	stream.linear.gather [hbm4b:s2+s3], $0x800, $0x38;
	v63 =	vld [tilespmem:$0x0]  }
0x42: {  	s23 =	ssub.s32 s19, s20  }
0x43: {  	s16 =	sor.u32 $0x4, s0;
	s2 =	sand.u32 $0xFF, s23  }
.LBB2_4:
0x44: {  	s19 =	sadd.s32 $0x6, s2  }
0x45: {  	s18 =	sshrl.u32 s16, $0x4;
	s16 =	sand.u32 $0xF, s16;
	_ =	swait.ge [sflag:s19], $0x2000  }
0x46: {  	s18 =	sand.u32 $0x1, s18;
	p0 =	sne.s32 s16, $0x0;
	[sflag:s19] =	ssyncset.done $0x0  }
0x47: {  	[sflag:s19] =	ssyncadd.s32 $0xFFFFE000;
	s19 =	sadd.s32 @!p0 $0xB, s18  }
0x48: {  	_ =	swait.ge @!p0 [sflag:s19], $0x800  }
0x49: {  	[sflag:s19] =	ssyncset.done @!p0 $0x0  }
0x4a: {  	[sflag:s19] =	ssyncadd.s32 @!p0 $0xFFFFF800  }
0x4b: {  	_ =	swait.ge @!p0 [sflag:s19], $0x800  }
0x4c: {  	[sflag:s19] =	ssyncset.done @!p0 $0x0  }
0x4d: {  	s16 =	simm.s32 @!p0 $0x0;
	[sflag:s19] =	ssyncadd.s32 @!p0 $0xFFFFF800  }
.LBB2_8:
0x4e: {  	s19 =	sshll.u32 s2, $0xD;
	s18 =	sshll.u32 s18, $0xB;
	s16 =	sshll.u32 s16, $0x7  }
0x4f: {  	s23 =	sadd.s32 $0x1, s2;
	s19 =	sadd.s32 $0x2000, s19;
	s16 =	sor.u32 s16, s18  }
0x50: {  	[tilespmem:s19], [sflag:s23] =	stream.indirect.gather [hbm4b:s4+s17], $0x80, s16, s17, $0xb8;
	v63 =	vld [tilespmem:$0x0]  }
.LBB2_9:
0x51: {  	s0 =	sadd.s32 $0x1, s0  }
0x52: {  	p0 =	sne.s32 s0, $0xA0  }
.Ltmp3:
0x53: {  	_ = 	snop;
	(pc) =	sbr.rel @!p0 .LBB2_10-.Ltmp3, $1  }
0x54: {  	_ =	sdelay $0x3  }
.LBB2_2:
0x55: {  	s2 =	smul.u32 $0xCD, s0;
	_ =	sdelay $0x1  }
0x56: {  	s2 =	sshrl.u32 s2, $0xA  }
0x57: {  	s2 =	sand.u32 $0x3F, s2  }
0x58: {  	s2 =	smul.u32 $0x5, s2  }
0x59: {  	s18 =	sand.u32 $0xF, s0;
	p0 =	sgt.u32 s0, $0x8F  }
0x5a: {  	s23 =	sshll.u32 s18, $0x7;
	p1 =	sne.s32 @!p0 s18, $0x2;
	s16 =	ssub.s32 s0, s2  }
0x5b: {  	p0 =	por p0, p1;
	s2 =	sshrl.u32 s0, $0x4;
	s19 =	sand.u32 $0xFF, s16  }
.Ltmp4:
0x5c: {  	s16 =	sand.u32 $0x1, s2;
	s20 =	sadd.s32 $0x1, s19;
	(pc) =	sbr.rel @!p0 .LBB2_3-.Ltmp4, $4  }
0x5d: {  	s21 =	sshll.u32 s19, $0xD;
	s22 =	sshll.u32 s16, $0xB;
	_ =	swait.ge [sflag:s20], $0x2000  }
0x5e: {  	s19 =	sadd.s32 $0x6, s19;
	s22 =	sor.u32 s23, s22;
	[sflag:s20] =	ssyncset.done $0x0  }
0x5f: {  	s21 =	sadd.s32 $0x2000, s21;
	s23 =	sor.u32 $0x1000, s22;
	[sflag:s20] =	ssyncadd.s32 $0xFFFFE000  }
0x60: {  	[spmem:s1] =	stream.indirect.scatter.add.f32 [tilespmem:s21], [sflag:s19], $0x80, s23, s17, $0xb8;
	v63 =	vld [tilespmem:$0x0]  }
0x61: {  	p0 =	sgt.u32 s0, $0x9B  }
.Ltmp5:
0x62: {  	_ = 	snop;
	(pc) =	sbr.rel @p0 .LBB2_9-.Ltmp5, $1  }
0x63: {  	_ =	sdelay $0x3  }
0x64: {  	s16 =	sadd.s32 $0x4, s0  }
0x65: {  	s2 =	smul.u32 $0xCD, s16;
	_ =	sdelay $0x1  }
0x66: {  	p0 =	seq.s32 s0, $0x0;
	s2 =	sshrl.u32 s2, $0xA  }
.Ltmp6:
0x67: {  	s2 =	sand.u32 $0x3F, s2;
	(pc) =	sbr.rel @!p0 .LBB2_4-.Ltmp6, $3  }
0x68: {  	s2 =	smul.u32 $0x5, s2;
	_ =	sdelay $0x1  }
0x69: {  	s2 =	ssub.s32 s16, s2  }
0x6a: {  	s2 =	sand.u32 $0xFF, s2  }
.Ltmp7:
0x6b: {  	(pc) =	sbr.rel .LBB2_8-.Ltmp7, $2  }
0x6c: {  	_ =	sdelay $0x2  }
0x6d: {  	s16 =	simm.s32 $0x4;
	s18 =	simm.s32 $0x0  }
.LBB2_11:
0x6e: {  	_ =	sfence.sel $0x180000  }
0x6f: {  	[bflag:$0x0] =	sbarrier.arrive $0xFFFF  }
0x70: {  	_ =	strace $0x9000004D  }
0x71: {  	s0 =	stileid.u32;
	[bflag:$0x2] =	sbarrier.arrive $0xFFFF  }
0x72: {  	p0 =	sne.s32 s0, $0x0;
	s0 =	rddreg [dreg:$0x2]  }
0x73: {  	s0 =	sadd.s32 @!p0 $0x100000, s0  }
0x74: {  	[sflag:s0] =	ssyncadd.tile.s32 @!p0 $0x1;
	_ =	shalt  }
.Lfunc_end2:
_tile_overlayer_lowered:
.L_overlay_start_2:
0x75: {  	(tag) =	ssettag $0x2  }
0x76: {  	s0 =	rddreg [dreg:$0x0];
	s2 =	stileid.u32  }
0x77: {  	s1 =	rddreg [dreg:$0x1];
	p0 =	sne.s32 s2, $0x0  }
0x78: {  	s3 =	rddreg [dreg:$0x2];
	[bflag:$0x3] =	sbarrier.arrive $0xFFFF;
	s2 =	simm.s32 @!p0 $0x1C0D  }
0x79: {  	[timem:s3], [sflag:s2] =	dma.local @!p0 [hbm:s0], s1  }
0x7a: {  	s0 =	simm.s32 @!p0 $0xD  }
0x7b: {  	_ =	swait.ge @!p0 [sflag:s0], s1  }
0x7c: {  	s1 =	ssub.s32 @!p0 $0x0, s1;
	[sflag:s0] =	ssyncset.done @!p0 $0x0  }
0x7d: {  	[sflag:s0] =	ssyncadd.s32 @!p0 s1  }
0x7e: {  	[bflag:$0x3] =	sbarrier.arrive $0xFFFF  }
0x7f: {  	_ =	shalt  }

// kernel: kernel.8.cloned.1.call-start
scs
__scs_entry_jumppad:
0x0: {  	(pc) =	sbr.rel $0x88, $3  }
0x1: {  	(tag) =	ssettag $0x0;
	lr =	simm.s32 $0x1  }
0x2: {  	[smem:$0x3F95] =	sst lr;
	_ =	strace $0xD0000000  }
0x3: {  	_ = 	snop  }
0x4: {  	_ = 	snop  }
0x5: {  	_ = 	snop  }
0x6: {  	_ = 	snop  }
0x7: {  	_ = 	snop  }
__scs_overlays_trampoline_lowered:
0x8: {  	[smem:$0x3FA4] =	sst s0  }
0x9: {  	[smem:$0x3FA5] =	sst s1  }
0xa: {  	[smem:$0x3FA6] =	sst s2  }
0xb: {  	[smem:$0x3FA7] =	sst s3  }
0xc: {  	[smem:$0x3FA8] =	sst s4  }
0xd: {  	[smem:$0x3FA9] =	sst s5  }
0xe: {  	[smem:$0x3FAA] =	sst s6  }
0xf: {  	[smem:$0x3FAB] =	sst s7  }
0x10: {  	[smem:$0x3FAC] =	sst s8  }
0x11: {  	[smem:$0x3FAD] =	sst s9;
	s0 =	simm.s32 @!p0 $0x0  }
0x12: {  	s1 =	sld [smem:$0x3F93];
	s0 =	simm.s32 @p0 $0x1  }
0x13: {  	[smem:$0x3FAE] =	sst s0;
	s0 =	simm.s32 @!p1 $0x0  }
0x14: {  	s2 =	sld [smem:$0x3F92];
	s0 =	simm.s32 @p1 $0x1  }
0x15: {  	[smem:$0x3FAF] =	sst s0;
	s0 =	simm.s32 @!p2 $0x0  }
0x16: {  	s3 =	sld [smem:$0x3FDB];
	s0 =	simm.s32 @p2 $0x1  }
0x17: {  	s4 =	simm.s32 $0x1BF5;
	[smem:$0x3FB1] =	sst s0  }
0x18: {  	s0 =	sld [smem:$0x3F94];
	_ =	swait.ge [sflag:s4], $0x0  }
0x19: {  	s7 =	sld [smem:$0x3F95]  }
0x1a: {  	s8 =	sadd.s32 $0xFFFFE003, lr  }
0x1b: {  	s9 =	sadd.s32 $0xFFFFFEF7, lr;
	s5 =	simm.s32 $0xFFFFFFFF;
	p2 =	slt.u32 s8, $0xFFFFF086  }
0x1c: {  	p1 =	slt.u32 s9, $0xF7A;
	s5 =	simm.s32 @!p2 $0x0  }
0x1d: {  	s5 =	simm.s32 @p1 $0x1;
	p0 =	seq.s32 s7, s2  }
0x1e: {  	s7 =	smul.u32 @!p0 $0xF7A, s2;
	p2 =	seq.s32 @!p0 s5, $0x0  }
0x1f: {  	s9 =	smul.u32 $0xF7A, s1;
	s8 =	simm.s32 @!p0 $0x1BF5;
	p2 =	por !p2, p0  }
0x20: {  	[sflag:s8] =	ssyncset.s32 @!p0 $0xFFFFF086;
	s6 =	sadd.s32 @!p0 s3, s7;
	s7 =	simm.s32 @!p0 $0x108  }
0x21: {  	s3 =	sadd.s32 s3, s9;
	s6 =	sadd.s32 @!p0 $0x88, s6;
	s7 =	simm.s32 @p2 $0x1082  }
0x22: {  	[simem:s7], [sflag:s8] =	dma.local @!p0 [hbm:s6], $0xF7A  }
0x23: {  	s9 =	sor.u32 $0xD0000000, s2;
	s6 =	simm.s32 $0x108;
	_ =	swait.ge @!p0 [sflag:s8], $0x0  }
0x24: {  	s3 =	sadd.s32 $0x88, s3;
	s6 =	simm.s32 @!p1 $0x1082;
	[sflag:s4] =	ssyncset.s32 $0xFFFFF086  }
0x25: {  	[simem:s6], [sflag:s4] =	dma.local [hbm:s3], $0xF7A  }
0x26: {  	[smem:$0x3F95] =	sst s1;
	(tag) =	ssettag s2;
	_ =	strace s9  }
0x27: {  	s1 =	sld [smem:$0x3FA5]  }
0x28: {  	s2 =	sld [smem:$0x3FA6]  }
0x29: {  	s4 =	sld [smem:$0x3FA8]  }
0x2a: {  	p0 =	seq.s32 s5, $0x0;
	s5 =	sld [smem:$0x3FA9]  }
0x2b: {  	s6 =	sld [smem:$0x3FAA]  }
0x2c: {  	s7 =	sld [smem:$0x3FAB]  }
0x2d: {  	s3 =	simm.s32 $0x108;
	s8 =	sld [smem:$0x3FAC]  }
0x2e: {  	s3 =	simm.s32 @!p0 $0x1082;
	s9 =	sld [smem:$0x3FAD]  }
0x2f: {  	lr =	sadd.s32 s0, s3;
	s0 =	sld [smem:$0x3FA4]  }
0x30: {  	s3 =	sld [smem:$0x3FA7]  }
0x31: {  	[smem:$0x3FB0] =	sst s10  }
0x32: {  	s10 =	sld [smem:$0x3FAE];
	_ =	sdelay $0x3  }
0x33: {  	p0 =	seq.s32 s10, $0x1;
	s10 =	sld [smem:$0x3FB0];
	_ =	sdelay $0x3  }
0x34: {  	[smem:$0x3FB0] =	sst s10  }
0x35: {  	s10 =	sld [smem:$0x3FAF];
	_ =	sdelay $0x3  }
0x36: {  	p1 =	seq.s32 s10, $0x1;
	s10 =	sld [smem:$0x3FB0];
	_ =	sdelay $0x3  }
0x37: {  	[smem:$0x3FB0] =	sst s10  }
0x38: {  	s10 =	sld [smem:$0x3FB1]  }
0x39: {  	_ = 	snop;
	(pc) =	sbr.ind lr, $3  }
0x3a: {  	_ = 	snop  }
0x3b: {  	_ = 	snop  }
0x3c: {  	p2 =	seq.s32 s10, $0x1;
	s10 =	sld [smem:$0x3FB0]  }
0x3d: {  	_ =	shalt  }
0x3e: {  	_ =	shalt  }
0x3f: {  	_ =	shalt  }
0x40: {  	_ =	shalt  }
0x41: {  	_ =	shalt  }
0x42: {  	_ =	shalt  }
0x43: {  	_ =	shalt  }
0x44: {  	_ =	shalt  }
0x45: {  	_ =	shalt  }
0x46: {  	_ =	shalt  }
0x47: {  	_ =	shalt  }
0x48: {  	_ =	shalt  }
0x49: {  	_ =	shalt  }
0x4a: {  	_ =	shalt  }
0x4b: {  	_ =	shalt  }
0x4c: {  	_ =	shalt  }
0x4d: {  	_ =	shalt  }
0x4e: {  	_ =	shalt  }
0x4f: {  	_ =	shalt  }
0x50: {  	_ =	shalt  }
0x51: {  	_ =	shalt  }
0x52: {  	_ =	shalt  }
0x53: {  	_ =	shalt  }
0x54: {  	_ =	shalt  }
0x55: {  	_ =	shalt  }
0x56: {  	_ =	shalt  }
0x57: {  	_ =	shalt  }
0x58: {  	_ =	shalt  }
0x59: {  	_ =	shalt  }
0x5a: {  	_ =	shalt  }
0x5b: {  	_ =	shalt  }
0x5c: {  	_ =	shalt  }
0x5d: {  	_ =	shalt  }
0x5e: {  	_ =	shalt  }
0x5f: {  	_ =	shalt  }
0x60: {  	_ =	shalt  }
0x61: {  	_ =	shalt  }
0x62: {  	_ =	shalt  }
0x63: {  	_ =	shalt  }
0x64: {  	_ =	shalt  }
0x65: {  	_ =	shalt  }
0x66: {  	_ =	shalt  }
0x67: {  	_ =	shalt  }
0x68: {  	_ =	shalt  }
0x69: {  	_ =	shalt  }
0x6a: {  	_ =	shalt  }
0x6b: {  	_ =	shalt  }
0x6c: {  	_ =	shalt  }
0x6d: {  	_ =	shalt  }
0x6e: {  	_ =	shalt  }
0x6f: {  	_ =	shalt  }
0x70: {  	_ =	shalt  }
0x71: {  	_ =	shalt  }
0x72: {  	_ =	shalt  }
0x73: {  	_ =	shalt  }
0x74: {  	_ =	shalt  }
0x75: {  	_ =	shalt  }
0x76: {  	_ =	shalt  }
0x77: {  	_ =	shalt  }
0x78: {  	_ =	shalt  }
0x79: {  	_ =	shalt  }
0x7a: {  	_ =	shalt  }
0x7b: {  	_ =	shalt  }
0x7c: {  	_ =	shalt  }
0x7d: {  	_ =	shalt  }
0x7e: {  	_ =	shalt  }
0x7f: {  	_ =	shalt  }
0x80: {  	_ =	shalt  }
0x81: {  	_ =	shalt  }
0x82: {  	_ =	shalt  }
0x83: {  	_ =	shalt  }
0x84: {  	_ =	shalt  }
0x85: {  	_ =	shalt  }
0x86: {  	_ =	shalt  }
0x87: {  	_ =	shalt  }
.Lfunc_end0:
.L_simem_size_0:
called_computation_lowered:
.L_overlay_start_0:
0x88: {  	s2 =	sld [smem:$0x3FD9]  }
0x89: {  	s3 =	sld [smem:$0x3FFE];
	_ =	sdelay $0x1  }
0x8a: {  	s1 =	srdreg.scid  }
0x8b: {  	s0 =	sand.u32 $0x1, s1  }
0x8c: {  	s17 =	sshll.u32 s0, $0xA;
	s2 =	sadd.s32 s3, s2  }
0x8d: {  	s2 =	sadd.s32 s2, s17  }
0x8e: {  	[smem:$0x3FBC] =	sst s2  }
0x8f: {  	_ = 	snop  }
0x90: {  	s2 =	sld [smem:$0x3FD0];
	(tm) =	ssettm $0x1  }
0x91: {  	s18 =	sld [smem:$0x3FFB];
	_ =	sdelay $0x3  }
0x92: {  	_ =	strace s18  }
0x93: {  	s3 =	sld [smem:$0x3FFC];
	_ =	sdelay $0x3  }
0x94: {  	_ =	strace s3  }
0x95: {  	s3 =	sld [smem:$0x3FFD];
	_ =	sdelay $0x3  }
0x96: {  	_ =	strace s3  }
0x97: {  	_ =	strace $0x8FFFFFFF  }
0x98: {  	s19 =	sld [smem:$0x3FDB];
	_ =	sdelay $0x1  }
0x99: {  	s4 =	simm.s32 $_scs_section_size  }
0x9a: {  	s5 =	simm.s32 $_size__tile_overlayer_lowered;
	s6 =	simm.s32 $_tile_overlayer_lowered  }
0x9b: {  	s22 =	simm.s32 $0x1BFF;
	s21 =	sshll.u32 s6, $0x1;
	s3 =	sadd.s32 s4, s19  }
0x9c: {  	s7 =	simm.s32 $0x0;
	s20 =	sshll.u32 s5, $0x1;
	s5 =	sadd.s32 s21, s3  }
0x9d: {  	[timem:s7], [sflag:s22] =	dma.local [hbm:s5], s20  }
0x9e: {  	_ =	swait.ge [sflag:s22], s20  }
0x9f: {  	s4 =	ssub.s32 $0x0, s20;
	[sflag:s22] =	ssyncset.done $0x0  }
0xa0: {  	[sflag:s22] =	ssyncadd.s32 s4;
	_ =	sdelay $0x1  }
0xa1: {  	s23 =	simm.s32 $0x1B8B  }
0xa2: {  	_ =	swait.ge [sflag:s23], $0x1  }
0xa3: {  	[sflag:s23] =	ssyncset.done $0x0  }
0xa4: {  	s25 =	simm.s32 $0x1B8E;
	s24 =	sld [smem:$0x3FFE];
	[sflag:s23] =	ssyncadd.s32 $0xFFFFFFFF  }
0xa5: {  	s26 =	simm.s32 $execute0_lowered;
	[smem:$0x3FD2] =	sst s25  }
0xa6: {  	s5 =	sshll.u32 s26, $0x1;
	_ =	strace $0x80000046;
	[dreg:$0x1] =	wrdreg $0xFFFFFFFF  }
0xa7: {  	s28 =	simm.s32 $_size_execute0_lowered;
	s3 =	sadd.s32 s3, s5;
	[dreg:$0x0] =	wrdreg $0x0  }
0xa8: {  	s5 =	sshll.u32 s28, $0x1;
	[dreg:$0x2] =	wrdreg s3  }
0xa9: {  	[dreg:$0x3] =	wrdreg s5  }
0xaa: {  	[dreg:$0x4] =	wrdreg $0xC0  }
0xab: {  	_ =	task [dreg:s7], $0x5FFFF  }
0xac: {  	[dreg:$0x1] =	wrdreg $0xFFFFFFFF  }
0xad: {  	[dreg:$0x0] =	wrdreg $0x60  }
0xae: {  	[dreg:$0x2] =	wrdreg s24  }
0xaf: {  	[dreg:$0x3] =	wrdreg s2  }
0xb0: {  	[dreg:$0x4] =	wrdreg $0x50800  }
0xb1: {  	[dreg:$0x5] =	wrdreg $0x53000  }
0xb2: {  	[dreg:$0x6] =	wrdreg $0x9  }
0xb3: {  	_ =	task.clear_ibuf [dreg:s7], $0x7FFFF;
	_ =	strace $0x90000046  }
0xb4: {  	s29 =	simm.s32 $0x9;
	_ =	strace $0x80000048  }
0xb5: {  	_ =	swait.ge [sflag:s29], $0x1  }
0xb6: {  	[sflag:s29] =	ssyncadd.s32 $0xFFFFFFFF  }
0xb7: {  	_ =	strace $0x90000048  }
0xb8: {  	_ =	sfence  }
0xb9: {  	s30 =	sld [smem:$0x0];
	_ =	sdelay $0x2  }
0xba: {  	s31 =	sshll.u32 s1, $0xD;
	s1 =	sshrl.u32 s1, $0x2  }
0xbb: {  	s3 =	sand.u32 $0x4000, s31;
	s1 =	sadd.s32 s1, s30  }
0xbc: {  	s0 =	sor.u32 s3, s0;
	s1 =	sshll.u32 s1, $0x11  }
0xbd: {  	s0 =	sor.u32 s1, s0  }
0xbe: {  	s0 =	sadd.s32 $0x8F2B, s0  }
0xbf: {  	[sflag:s0] =	ssyncadd.remote.s32 $0x1  }
0xc0: {  	_ =	sfence.sel $0xFFFF  }
0xc1: {  	[dreg:$0x0] =	wrdreg $0xFFFFFFFF;
	(pc) =	sbr.abs _section_cstart, $3  }
0xc2: {  	[dreg:$0x1] =	wrdreg $0xFFFFFFFF  }
0xc3: {  	_ =	task.clear_ibuf [dreg:s7], $0x2FFFF;
	_ =	strace $0x9FFFFFFF  }
0xc4: {  	(tm) =	ssettm $0x7FFFFFFF  }
0xc5: {  	_ =	shalt  }
tec
execute0_lowered:
.L_overlay_start_1:
0x0: {  	(tag) =	ssettag $0x1  }
0x1: {  	s7 =	rddreg [dreg:$0x0]  }
0x2: {  	s1 =	rddreg [dreg:$0x1]  }
0x3: {  	s2 =	srdreg.scid;
	s3 =	rddreg [dreg:$0x2]  }
0x4: {  	s0 =	stileid.u32;
	s4 =	rddreg [dreg:$0x3]  }
0x5: {  	s5 =	simm.s32 $0x0;
	s17 =	simm.s32 $0x2800;
	s18 =	simm.s32 $0x80  }
0x6: {  	s19 =	simm.s32 $0x1;
	s20 =	simm.s32 $0x2;
	s21 =	simm.s32 $0x20  }
0x7: {  	s22 =	simm.s32 $0x10;
	s23 =	simm.s32 $0x0;
	s6 =	sand.u32 $0x1, s2  }
0x8: {  	s29 =	sshll.u32 s0, $0x1;
	s9 =	smul.u32 $0x500, s0;
	[smem:$0x7FF] =	sst s5  }
0x9: {  	s11 =	smul.u32 $0x280, s0;
	s14 =	sshll.u32 s0, $0x6;
	s2 =	sor.u32 s6, s29  }
0xa: {  	s10 =	sshll.u32 s6, $0x7;
	s30 =	ssub.s32 $0x2, s6;
	s6 =	sadd.s32 $0x16E00, s7  }
0xb: {  	s14 =	sor.u32 $0x1C03, s14;
	s8 =	smul.u32 $0x500, s2;
	s2 =	rddreg [dreg:$0x4]  }
0xc: {  	_ =	strace $0x80000047;
	s9 =	sor.u32 s10, s9;
	s31 =	sshrl.u32 s30, $0x1  }
0xd: {  	s15 =	sadd.s32 s11, s3;
	s16 =	sadd.s32 s11, s4;
	s9 =	sshrl.u32 s9, $0x3  }
0xe: {  	s13 =	ssub.s32 s30, s31;
	s15 =	sshrl.u32 s15, $0x3;
	s16 =	sshrl.u32 s16, $0x3  }
0xf: {  	s8 =	sadd.s32 s8, s7;
	s12 =	sadd.s32 s9, s7;
	s11 =	smax.u32 s13, $0x1  }
0x10: {  	s13 =	simm.s32 $0x3;
	s7 =	sadd.s32 $0xCE00, s8;
	s8 =	sadd.s32 $0x2E00, s8  }
0x11: {  	s9 =	sadd.s32 $0x17000, s12;
	s10 =	sadd.s32 $0x17A00, s12;
	s12 =	simm.s32 $0x5000  }
.LBB2_1:
0x12: {  	[tilespmem:s12], [sflag:$0x3] =	stream.linear.gather [hbm4b:s6+s5], $0x80, $0x38;
	[tilespmem:$0x5580] =	vst v63  }
0x13: {  	_ =	swait.ge [sflag:s13], $0x80  }
0x14: {  	[sflag:s13] =	ssyncset.done $0x0  }
0x15: {  	[sflag:s13] =	ssyncadd.s32 $0xFFFFFF80  }
0x16: {  	[spmem:s15], [sflag:s14] =	dma.local [hbm:s1], $0x50  }
0x17: {  	_ =	swait.ge [sflag:s13], $0x50  }
0x18: {  	[sflag:s13] =	ssyncset.done $0x0  }
0x19: {  	[sflag:s13] =	ssyncadd.s32 $0xFFFFFFB0  }
0x1a: {  	[spmem:s16], [sflag:s14] =	dma.local [hbm:s1], $0x50  }
0x1b: {  	_ =	swait.ge [sflag:s13], $0x50  }
0x1c: {  	[sflag:s13] =	ssyncset.done $0x0  }
0x1d: {  	[sflag:s13] =	ssyncadd.s32 $0xFFFFFFB0  }
0x1e: {  	[tilespmem:s5], [sflag:$0x3] =	stream.linear.gather [hbm4b:s7+s5], $0x2800, $0x38;
	[tilespmem:$0x5580] =	vst v63  }
0x1f: {  	_ =	swait.ge [sflag:s13], $0x2800  }
0x20: {  	[sflag:s13] =	ssyncset.done $0x0  }
0x21: {  	[sflag:s13] =	ssyncadd.s32 $0xFFFFD800  }
0x22: {  	[tilespmem:s17], [sflag:$0x3] =	stream.linear.gather [hbm4b:s8+s5], $0x2800, $0x38;
	[tilespmem:$0x5580] =	vst v63  }
0x23: {  	_ =	swait.ge [sflag:s13], $0x2800  }
0x24: {  	[sflag:s13] =	ssyncset.done $0x0  }
0x25: {  	[sflag:s13] =	ssyncadd.s32 $0xFFFFD800  }
0x26: {  	s24 =	simm.s32 $0x0;
	[bflag:$0x0] =	sbarrier.arrive $0xFFFF  }
0x27: {  	[spmem:s3] =	stream.indirect.scatter.add.f32 [tilespmem:s12], [sflag:$0x1], $0x1, s24, s18, $0xb8;
	[tilespmem:$0x5580] =	vst v63  }
0x28: {  	s25 =	simm.s32 $0x2800;
	s24 =	simm.s32 $0x200  }
.LBB2_2:
0x29: {  	[spmem:s4] =	stream.indirect.scatter.add.f32 [tilespmem:s12], [sflag:$0x2], $0x1, s25, s18, $0xb8;
	[tilespmem:$0x5580] =	vst v63  }
0x2a: {  	s25 =	smov.u32 s24;
	p0 =	sne.s32 s24, $0x9E00  }
.Ltmp0:
0x2b: {  	s24 =	sadd.s32 $0x200, s24;
	(pc) =	sbr.rel @p0 .LBB2_2-.Ltmp0, $4  }
0x2c: {  	_ = 	snop  }
0x2d: {  	s25 =	sshra.s32 s25, $0x2  }
0x2e: {  	[spmem:s3] =	stream.indirect.scatter.add.f32 [tilespmem:s12], [sflag:$0x1], $0x1, s25, s18, $0xb8;
	[tilespmem:$0x5580] =	vst v63  }
0x2f: {  	s25 =	sadd.s32 $0x2800, s25  }
0x30: {  	[spmem:s4] =	stream.indirect.scatter.add.f32 [tilespmem:s12], [sflag:$0x2], $0x1, s25, s18, $0xb8;
	[tilespmem:$0x5580] =	vst v63  }
0x31: {  	_ =	swait.ge [sflag:s19], $0x2800  }
0x32: {  	[sflag:s19] =	ssyncset.done $0x0  }
0x33: {  	[sflag:s19] =	ssyncadd.s32 $0xFFFFD800  }
0x34: {  	_ =	swait.ge [sflag:s20], $0x2800  }
0x35: {  	[sflag:s20] =	ssyncset.done $0x0  }
0x36: {  	[sflag:s20] =	ssyncadd.s32 $0xFFFFD800  }
0x37: {  	[bflag:$0x0] =	sbarrier.arrive $0xFFFF  }
0x38: {  	[hbm:s9@s21], [sflag:s14] =	dma.strided [spmem:s15@s22], $0x50, s19, $0x10   }
0x39: {  	s23 =	sadd.s32 $0x1, s23;
	_ =	swait.ge [sflag:s13], $0x50  }
0x3a: {  	p0 =	sne.s32 s23, s11;
	[sflag:s13] =	ssyncset.done $0x0  }
.Ltmp1:
0x3b: {  	[sflag:s13] =	ssyncadd.s32 $0xFFFFFFB0;
	(pc) =	sbr.rel @p0 .LBB2_1-.Ltmp1, $4  }
0x3c: {  	[hbm:s10@s21], [sflag:s14] =	dma.strided [spmem:s16@s22], $0x50, s19, $0x10   }
0x3d: {  	_ =	swait.ge [sflag:s13], $0x50  }
0x3e: {  	[sflag:s13] =	ssyncset.done $0x0  }
0x3f: {  	[sflag:s13] =	ssyncadd.s32 $0xFFFFFFB0  }
0x40: {  	_ =	sfence.sel $0x180000  }
0x41: {  	[bflag:$0x0] =	sbarrier.arrive $0xFFFF  }
0x42: {  	p0 =	sne.s32 s0, $0x0;
	_ =	strace $0x90000047  }
0x43: {  	s0 =	sadd.s32 @!p0 $0x100000, s2;
	[bflag:$0x2] =	sbarrier.arrive $0xFFFF  }
0x44: {  	[sflag:s0] =	ssyncadd.tile.s32 @!p0 $0x1;
	_ =	shalt  }
.Lfunc_end2:
_tile_overlayer_lowered:
.L_overlay_start_2:
0x45: {  	(tag) =	ssettag $0x2  }
0x46: {  	s0 =	rddreg [dreg:$0x0];
	s2 =	stileid.u32  }
0x47: {  	s1 =	rddreg [dreg:$0x1];
	p0 =	sne.s32 s2, $0x0  }
0x48: {  	s3 =	rddreg [dreg:$0x2];
	[bflag:$0x3] =	sbarrier.arrive $0xFFFF;
	s2 =	simm.s32 @!p0 $0x1C03  }
0x49: {  	[timem:s3], [sflag:s2] =	dma.local @!p0 [hbm:s0], s1  }
0x4a: {  	s0 =	simm.s32 @!p0 $0x3  }
0x4b: {  	_ =	swait.ge @!p0 [sflag:s0], s1  }
0x4c: {  	s1 =	ssub.s32 @!p0 $0x0, s1;
	[sflag:s0] =	ssyncset.done @!p0 $0x0  }
0x4d: {  	[sflag:s0] =	ssyncadd.s32 @!p0 s1  }
0x4e: {  	[bflag:$0x3] =	sbarrier.arrive $0xFFFF  }
0x4f: {  	_ =	shalt  }

</sc_bundles>
